<compile_context>
chip_gen: v7x
topology: tpu7x:2x2x1
jax: 0.10.2.dev20260603
libtpu: 0.0.44.dev20260713+nightly
codegen_flags: <defaults>
</compile_context>

<pallas_src>
import jax
import jax.numpy as jnp
from jax import lax
from jax.experimental import pallas as pl
from jax.experimental.pallas import tpu as pltpu
from jax.experimental.pallas import tpu_sc as plsc

N_NODES = 10000
N_EDGES = 320000
DIM = 128
N_HOPS = 2

NC = 2
NS = 16
NW = NC * NS

CHUNK = 128
CPW = 80
HCP = CPW // 2
PAD_E = NW * CPW * CHUNK
RPT = 632
ACC_ROWS = NS * RPT
DUMMY_ROW = N_NODES
TCB = 64
N_BLOCKS = ACC_ROWS // TCB

_sc_mesh = plsc.VectorSubcoreMesh(core_axis_name="c", subcore_axis_name="s")


def _deg_body(sidx_hbm, zeros_hbm, ones_hbm, out_hbm, acc, sidx_v, ones_v):
  c = lax.axis_index("c")
  s = lax.axis_index("s")
  w = c * NS + s
  pltpu.sync_copy(zeros_hbm, acc.at[pl.ds(s * RPT, RPT)])
  pltpu.sync_copy(ones_hbm, ones_v)
  plsc.subcore_barrier()

  def chunk(j, carry):
    pltpu.sync_copy(ones_v, acc.at[sidx_v.at[j]], add=True)
    return carry

  for p in range(2):
    pltpu.sync_copy(sidx_hbm.at[2 * w + p], sidx_v)
    lax.fori_loop(0, HCP, chunk, 0)
  plsc.subcore_barrier()
  pltpu.sync_copy(
      acc.at[pl.ds(s * RPT, RPT)],
      out_hbm.at[pl.ds(c * ACC_ROWS + s * RPT, RPT)],
  )


_deg_call = pl.kernel(
    _deg_body,
    out_type=jax.ShapeDtypeStruct((NC * ACC_ROWS, DIM), jnp.float32),
    mesh=_sc_mesh,
    scratch_types=[
        pltpu.VMEM_SHARED((ACC_ROWS, DIM), jnp.float32),
        pltpu.VMEM((HCP, CHUNK), jnp.int32),
        pltpu.VMEM((CHUNK, DIM), jnp.float32),
    ],
)


def _hop_body(g_hbm, gidx_hbm, sidx_hbm, zeros_hbm, out_hbm,
              acc, gidx_v, sidx_v, rows0, gsem0):
  c = lax.axis_index("c")
  s = lax.axis_index("s")
  w = c * NS + s
  pltpu.sync_copy(zeros_hbm, acc.at[pl.ds(s * RPT, RPT)])
  plsc.subcore_barrier()

  for p in range(2):
    pltpu.sync_copy(gidx_hbm.at[2 * w + p], gidx_v)
    pltpu.sync_copy(sidx_hbm.at[2 * w + p], sidx_v)

    def chunk(j, carry):
      pltpu.async_copy(g_hbm.at[gidx_v.at[j]], rows0, gsem0).wait()
      pltpu.sync_copy(rows0, acc.at[sidx_v.at[j]], add=True)
      return carry

    lax.fori_loop(0, HCP, chunk, 0)

  plsc.subcore_barrier()
  pltpu.sync_copy(
      acc.at[pl.ds(s * RPT, RPT)],
      out_hbm.at[pl.ds(c * ACC_ROWS + s * RPT, RPT)],
  )


_hop_call = pl.kernel(
    _hop_body,
    out_type=jax.ShapeDtypeStruct((NC * ACC_ROWS, DIM), jnp.float32),
    mesh=_sc_mesh,
    scratch_types=[
        pltpu.VMEM_SHARED((ACC_ROWS, DIM), jnp.float32),
        pltpu.VMEM((HCP, CHUNK), jnp.int32),
        pltpu.VMEM((HCP, CHUNK), jnp.int32),
        pltpu.VMEM((CHUNK, DIM), jnp.float32),
        pltpu.SemaphoreType.DMA,
    ],
)


def _norm_body(degp_ref, feat_ref, norm_ref, norm2_ref, g0_ref):
  deg = degp_ref[0, :, :1] + degp_ref[1, :, :1] + 1.0
  norm = lax.rsqrt(deg)
  norm_ref[...] = norm
  norm2_ref[...] = 1.0 / deg
  g0_ref[...] = feat_ref[...] * norm


def _norm_call(degp, featp):
  return pl.pallas_call(
      _norm_body,
      grid=(N_BLOCKS,),
      in_specs=[
          pl.BlockSpec((NC, TCB, DIM), lambda i: (0, i, 0)),
          pl.BlockSpec((TCB, DIM), lambda i: (i, 0)),
      ],
      out_specs=[
          pl.BlockSpec((TCB, 1), lambda i: (i, 0)),
          pl.BlockSpec((TCB, 1), lambda i: (i, 0)),
          pl.BlockSpec((TCB, DIM), lambda i: (i, 0)),
      ],
      out_shape=[
          jax.ShapeDtypeStruct((ACC_ROWS, 1), jnp.float32),
          jax.ShapeDtypeStruct((ACC_ROWS, 1), jnp.float32),
          jax.ShapeDtypeStruct((ACC_ROWS, DIM), jnp.float32),
      ],
  )(degp, featp)


def _comb_body(part_ref, g_ref, norm_ref, norm2_ref, h_ref, gn_ref):
  t = part_ref[0] + part_ref[1] + g_ref[...]
  h_ref[...] = t * norm_ref[...]
  gn_ref[...] = t * norm2_ref[...]


def _comb_call(part, g, norm, norm2):
  return pl.pallas_call(
      _comb_body,
      grid=(N_BLOCKS,),
      in_specs=[
          pl.BlockSpec((NC, TCB, DIM), lambda i: (0, i, 0)),
          pl.BlockSpec((TCB, DIM), lambda i: (i, 0)),
          pl.BlockSpec((TCB, 1), lambda i: (i, 0)),
          pl.BlockSpec((TCB, 1), lambda i: (i, 0)),
      ],
      out_specs=[
          pl.BlockSpec((TCB, DIM), lambda i: (i, 0)),
          pl.BlockSpec((TCB, DIM), lambda i: (i, 0)),
      ],
      out_shape=[
          jax.ShapeDtypeStruct((ACC_ROWS, DIM), jnp.float32),
          jax.ShapeDtypeStruct((ACC_ROWS, DIM), jnp.float32),
      ],
  )(part, g, norm, norm2)


def _mm_body(x_ref, wt_ref, b_ref, out_ref):
  out_ref[...] = (
      jnp.dot(x_ref[...], wt_ref[...], preferred_element_type=jnp.float32)
      + b_ref[...]
  )


def _mm_call(x, wt, b2):
  k = x.shape[1]
  return pl.pallas_call(
      _mm_body,
      grid=(N_BLOCKS,),
      in_specs=[
          pl.BlockSpec((TCB, k), lambda i: (i, 0)),
          pl.BlockSpec((k, DIM), lambda i: (0, 0)),
          pl.BlockSpec((1, DIM), lambda i: (0, 0)),
      ],
      out_specs=pl.BlockSpec((TCB, DIM), lambda i: (i, 0)),
      out_shape=jax.ShapeDtypeStruct((ACC_ROWS, DIM), jnp.float32),
  )(x, wt, b2)


@jax.jit
def kernel(feat, edge_index, W, b):
  src = edge_index[0]
  dst = edge_index[1]
  n_pad = PAD_E - N_EDGES
  pad_gather = jnp.zeros((n_pad,), dtype=jnp.int32)
  pad_scatter = jnp.full((n_pad,), DUMMY_ROW, dtype=jnp.int32)

  gidx_a = jnp.concatenate([dst, pad_gather]).reshape(NW * 2, HCP, CHUNK)
  sidx_a = jnp.concatenate([src, pad_scatter]).reshape(NW * 2, HCP, CHUNK)
  gidx_b = jnp.concatenate([src, pad_gather]).reshape(NW * 2, HCP, CHUNK)
  sidx_b = jnp.concatenate([dst, pad_scatter]).reshape(NW * 2, HCP, CHUNK)

  featp = jnp.pad(feat, ((0, ACC_ROWS - N_NODES), (0, 0)))
  zeros128 = jnp.zeros((RPT, DIM), jnp.float32)
  ones128 = jnp.ones((CHUNK, DIM), jnp.float32)

  degp = _deg_call(sidx_b, zeros128, ones128).reshape(NC, ACC_ROWS, DIM)
  norm, norm2, g0 = _norm_call(degp, featp)

  fstack = [featp]
  g = g0
  for hop in range(2 * N_HOPS):
    gidx, sidx = (gidx_a, sidx_a) if hop < N_HOPS else (gidx_b, sidx_b)
    part = _hop_call(g, gidx, sidx, zeros128).reshape(NC, ACC_ROWS, DIM)
    h, g = _comb_call(part, g, norm, norm2)
    fstack.append(h)

  x = jnp.concatenate(fstack, axis=1)
  out = _mm_call(x, W.T, b.reshape(1, DIM))
  return out[:N_NODES]

# --- scband reference (transcript-rebuilt; emitter-appended) ---
"""Pipeline reference for scband-cinch-netconv-6828998001527 (READ-ONLY COPY).

The authoritative reference and input builder live on the scoring server;
editing this copy changes nothing except your own understanding.
"""

import jax, jax.numpy as jnp
import numpy as np

N = 10000
E = 320000
D = 128
K = 2
DOUT = 128


def setup_inputs(seed: int = 0) -> dict:
    key = jax.random.key(seed)
    k1, k2, k3 = jax.random.split(key, 3)
    feat = jax.random.normal(k1, (N, D), dtype=jnp.float32)
    edge_index = jax.random.randint(k2, (2, E), 0, N, dtype=jnp.int32)
    # xavier_normal with relu gain, matching reset_parameters()
    gain = 1.4142135623730951
    fan_in = D * (2 * K + 1)
    fan_out = DOUT
    std = gain * (2.0 / (fan_in + fan_out)) ** 0.5
    W = jax.random.normal(k3, (DOUT, D * (2 * K + 1)), dtype=jnp.float32) * std
    b = jnp.zeros((DOUT,), dtype=jnp.float32)
    return {"feat": feat, "edge_index": edge_index, "W": W, "b": b}


def reference(feat, edge_index, W, b):
    n = feat.shape[0]
    # dgl.add_self_loop
    loop = jnp.arange(n, dtype=edge_index.dtype)
    src = jnp.concatenate([edge_index[0], loop])
    dst = jnp.concatenate([edge_index[1], loop])
    # in-degree based symmetric normalization, computed once (as in original)
    deg = jnp.zeros((n,), dtype=feat.dtype).at[dst].add(1.0)
    norm = jnp.power(jnp.clip(deg, 1.0, None), -0.5)[:, None]
    fstack = [feat]
    h = feat
    # K hops on the reversed graph: h_new[s] = sum_{(s,d) in E} h[d]  (A @ h)
    for _ in range(K):
        rst = h * norm
        agg = jnp.zeros_like(rst).at[src].add(rst[dst])
        h = agg * norm
        fstack.append(h)
    # K hops on the original graph: h_new[d] = sum_{(s,d) in E} h[s]  (A^T @ h)
    for _ in range(K):
        rst = h * norm
        agg = jnp.zeros_like(rst).at[dst].add(rst[src])
        h = agg * norm
        fstack.append(h)
    out = jnp.concatenate(fstack, axis=-1) @ W.T + b
    return out

if __name__ == "__main__":
    import jax
    _d = setup_inputs()
    print(jax.jit(kernel)(*tuple(_d.values())))

</pallas_src>

<mosaic_0001>
#map = affine_map<(d0, d1) -> (0, 0)>
#map1 = affine_map<(d0, d1) -> (0, 0, 0)>
module attributes {stable_mosaic.version = 14 : i64} {
  func.func @_hop_body(%arg0: i32, %arg1: i32, %arg2: memref<10112x128xf32, #tpu.memory_space<hbm>>, %arg3: memref<64x40x128xi32, #tpu.memory_space<hbm>>, %arg4: memref<64x40x128xi32, #tpu.memory_space<hbm>>, %arg5: memref<632x128xf32, #tpu.memory_space<hbm>>, %arg6: memref<20224x128xf32, #tpu.memory_space<hbm>>, %arg7: memref<10112x128xf32, #tpu.memory_space<vmem_shared>>, %arg8: memref<40x128xi32, #tpu.memory_space<vmem>>, %arg9: memref<40x128xi32, #tpu.memory_space<vmem>>, %arg10: memref<128x128xf32, #tpu.memory_space<vmem>>, %arg11: memref<!tpu.dma_semaphore, #tpu.memory_space<semaphore_mem>>) attributes {dimension_semantics = [#tpu.dimension_semantics<core_parallel>, #tpu.dimension_semantics<subcore_parallel>], iteration_bounds = array<i64: 2, 16>, scalar_prefetch = 0 : i64, scratch_operands = 5 : i64, tpu.core_type = #tpu.core_type<sc_vector_subcore>, window_params = [{transform_indices = #map}, {transform_indices = #map1}, {transform_indices = #map1}, {transform_indices = #map}, {transform_indices = #map}]} {
    %mul3A = arith.constant 16 : i32
    %mul3A_0 = arith.muli %arg0, %mul3A : i32
    %add3A = arith.addi %mul3A_0, %arg1 : i32
    %mul3A_1 = arith.constant 632 : i32
    %mul3A_2 = arith.muli %arg1, %mul3A_1 : i32
    "tpu.region"() ({
      %run_scoped3A = tpu.sem_alloc : memref<!tpu.dma_semaphore, #tpu.memory_space<semaphore_mem>>
      %dma_start3A = arith.constant 0 : i32
      %dma_start3A_38 = tpu.memref_slice %arg7[%mul3A_2, %dma_start3A] : memref<10112x128xf32, #tpu.memory_space<vmem_shared>> -> memref<632x128xf32, #tpu.memory_space<vmem_shared>>
      tpu.enqueue_dma source(%arg5 : memref<632x128xf32, #tpu.memory_space<hbm>>) target(%dma_start3A_38 : memref<632x128xf32, #tpu.memory_space<vmem_shared>>) target_semaphore(%run_scoped3A : memref<!tpu.dma_semaphore, #tpu.memory_space<semaphore_mem>>)
      %dma_wait3A = arith.constant 0 : i32
      %dma_wait3A_39 = tpu.memref_slice %arg7[%mul3A_2, %dma_wait3A] : memref<10112x128xf32, #tpu.memory_space<vmem_shared>> -> memref<632x128xf32, #tpu.memory_space<vmem_shared>>
      tpu.wait_dma2 semaphore(%run_scoped3A : memref<!tpu.dma_semaphore, #tpu.memory_space<semaphore_mem>>) src(%arg5 : memref<632x128xf32, #tpu.memory_space<hbm>>) dst(%dma_wait3A_39 : memref<632x128xf32, #tpu.memory_space<vmem_shared>>)
      tpu.yield
    }) : () -> ()
    %barrier3A = arith.constant 0 : index
    tpu.barrier barrier_id(%barrier3A)
    %mul3A_3 = arith.constant 2 : i32
    %mul3A_4 = arith.muli %mul3A_3, %add3A : i32
    %add3A_5 = arith.constant 0 : i32
    %add3A_6 = arith.addi %mul3A_4, %add3A_5 : i32
    "tpu.region"() ({
      %run_scoped3A = tpu.sem_alloc : memref<!tpu.dma_semaphore, #tpu.memory_space<semaphore_mem>>
      %dma_start3A = arith.constant 0 : i32
      %dma_start3A_38 = arith.constant 0 : i32
      %dma_start3A_39 = tpu.memref_slice %arg3[%add3A_6, %dma_start3A, %dma_start3A_38] : memref<64x40x128xi32, #tpu.memory_space<hbm>> -> memref<1x40x128xi32, #tpu.memory_space<hbm>>
      %dma_start3A_40 = tpu.memref_squeeze %dma_start3A_39 : memref<1x40x128xi32, #tpu.memory_space<hbm>> -> memref<40x128xi32, #tpu.memory_space<hbm>>
      %dma_start3A_41 = arith.constant 0 : i32
      %dma_start3A_42 = arith.constant 0 : i32
      %dma_start3A_43 = tpu.memref_slice %arg3[%add3A_6, %dma_start3A_41, %dma_start3A_42] : memref<64x40x128xi32, #tpu.memory_space<hbm>> -> memref<1x40x128xi32, #tpu.memory_space<hbm>>
      %dma_start3A_44 = tpu.memref_squeeze %dma_start3A_43 : memref<1x40x128xi32, #tpu.memory_space<hbm>> -> memref<40x128xi32, #tpu.memory_space<hbm>>
      tpu.enqueue_dma source(%dma_start3A_44 : memref<40x128xi32, #tpu.memory_space<hbm>>) target(%arg8 : memref<40x128xi32, #tpu.memory_space<vmem>>) target_semaphore(%run_scoped3A : memref<!tpu.dma_semaphore, #tpu.memory_space<semaphore_mem>>)
      %dma_wait3A = arith.constant 0 : i32
      %dma_wait3A_45 = arith.constant 0 : i32
      %dma_wait3A_46 = tpu.memref_slice %arg3[%add3A_6, %dma_wait3A, %dma_wait3A_45] : memref<64x40x128xi32, #tpu.memory_space<hbm>> -> memref<1x40x128xi32, #tpu.memory_space<hbm>>
      %dma_wait3A_47 = tpu.memref_squeeze %dma_wait3A_46 : memref<1x40x128xi32, #tpu.memory_space<hbm>> -> memref<40x128xi32, #tpu.memory_space<hbm>>
      %dma_wait3A_48 = arith.constant 0 : i32
      %dma_wait3A_49 = arith.constant 0 : i32
      %dma_wait3A_50 = tpu.memref_slice %arg3[%add3A_6, %dma_wait3A_48, %dma_wait3A_49] : memref<64x40x128xi32, #tpu.memory_space<hbm>> -> memref<1x40x128xi32, #tpu.memory_space<hbm>>
      %dma_wait3A_51 = tpu.memref_squeeze %dma_wait3A_50 : memref<1x40x128xi32, #tpu.memory_space<hbm>> -> memref<40x128xi32, #tpu.memory_space<hbm>>
      tpu.wait_dma2 semaphore(%run_scoped3A : memref<!tpu.dma_semaphore, #tpu.memory_space<semaphore_mem>>) src(%dma_wait3A_51 : memref<40x128xi32, #tpu.memory_space<hbm>>) dst(%arg8 : memref<40x128xi32, #tpu.memory_space<vmem>>)
      tpu.yield
    }) : () -> ()
    %mul3A_7 = arith.constant 2 : i32
    %mul3A_8 = arith.muli %mul3A_7, %add3A : i32
    %add3A_9 = arith.constant 0 : i32
    %add3A_10 = arith.addi %mul3A_8, %add3A_9 : i32
    "tpu.region"() ({
      %run_scoped3A = tpu.sem_alloc : memref<!tpu.dma_semaphore, #tpu.memory_space<semaphore_mem>>
      %dma_start3A = arith.constant 0 : i32
      %dma_start3A_38 = arith.constant 0 : i32
      %dma_start3A_39 = tpu.memref_slice %arg4[%add3A_10, %dma_start3A, %dma_start3A_38] : memref<64x40x128xi32, #tpu.memory_space<hbm>> -> memref<1x40x128xi32, #tpu.memory_space<hbm>>
      %dma_start3A_40 = tpu.memref_squeeze %dma_start3A_39 : memref<1x40x128xi32, #tpu.memory_space<hbm>> -> memref<40x128xi32, #tpu.memory_space<hbm>>
      %dma_start3A_41 = arith.constant 0 : i32
      %dma_start3A_42 = arith.constant 0 : i32
      %dma_start3A_43 = tpu.memref_slice %arg4[%add3A_10, %dma_start3A_41, %dma_start3A_42] : memref<64x40x128xi32, #tpu.memory_space<hbm>> -> memref<1x40x128xi32, #tpu.memory_space<hbm>>
      %dma_start3A_44 = tpu.memref_squeeze %dma_start3A_43 : memref<1x40x128xi32, #tpu.memory_space<hbm>> -> memref<40x128xi32, #tpu.memory_space<hbm>>
      tpu.enqueue_dma source(%dma_start3A_44 : memref<40x128xi32, #tpu.memory_space<hbm>>) target(%arg9 : memref<40x128xi32, #tpu.memory_space<vmem>>) target_semaphore(%run_scoped3A : memref<!tpu.dma_semaphore, #tpu.memory_space<semaphore_mem>>)
      %dma_wait3A = arith.constant 0 : i32
      %dma_wait3A_45 = arith.constant 0 : i32
      %dma_wait3A_46 = tpu.memref_slice %arg4[%add3A_10, %dma_wait3A, %dma_wait3A_45] : memref<64x40x128xi32, #tpu.memory_space<hbm>> -> memref<1x40x128xi32, #tpu.memory_space<hbm>>
      %dma_wait3A_47 = tpu.memref_squeeze %dma_wait3A_46 : memref<1x40x128xi32, #tpu.memory_space<hbm>> -> memref<40x128xi32, #tpu.memory_space<hbm>>
      %dma_wait3A_48 = arith.constant 0 : i32
      %dma_wait3A_49 = arith.constant 0 : i32
      %dma_wait3A_50 = tpu.memref_slice %arg4[%add3A_10, %dma_wait3A_48, %dma_wait3A_49] : memref<64x40x128xi32, #tpu.memory_space<hbm>> -> memref<1x40x128xi32, #tpu.memory_space<hbm>>
      %dma_wait3A_51 = tpu.memref_squeeze %dma_wait3A_50 : memref<1x40x128xi32, #tpu.memory_space<hbm>> -> memref<40x128xi32, #tpu.memory_space<hbm>>
      tpu.wait_dma2 semaphore(%run_scoped3A : memref<!tpu.dma_semaphore, #tpu.memory_space<semaphore_mem>>) src(%dma_wait3A_51 : memref<40x128xi32, #tpu.memory_space<hbm>>) dst(%arg9 : memref<40x128xi32, #tpu.memory_space<vmem>>)
      tpu.yield
    }) : () -> ()
    %scan3A = arith.constant 0 : i32
    %scan3A_11 = arith.constant 0 : i32
    %scan3A_12 = arith.constant 40 : i32
    %scan3A_13 = arith.addi %scan3A_11, %scan3A_12 : i32
    %scan3A_14 = arith.constant 1 : i32
    scf.for %scan3A_38 = %scan3A_11 to %scan3A_13 step %scan3A_14  : i32 {
      %dma_start3A = arith.constant 0 : i32
      %dma_start3A_39 = tpu.memref_slice %arg8[%scan3A_38, %dma_start3A] : memref<40x128xi32, #tpu.memory_space<vmem>> -> memref<1x128xi32, #tpu.memory_space<vmem>>
      %dma_start3A_40 = tpu.memref_squeeze %dma_start3A_39 : memref<1x128xi32, #tpu.memory_space<vmem>> -> memref<128xi32, #tpu.memory_space<vmem>>
      %dma_start3A_41 = arith.constant 0 : i32
      %dma_start3A_42 = arith.constant 0 : i32
      %dma_start3A_43 = tpu.memref_slice %arg2[%dma_start3A_41, %dma_start3A_42] : memref<10112x128xf32, #tpu.memory_space<hbm>> -> memref<10112x128xf32, #tpu.memory_space<hbm>>
      tpu.enqueue_indirect_dma source(%dma_start3A_43 : memref<10112x128xf32, #tpu.memory_space<hbm>>) target(%arg10 : memref<128x128xf32, #tpu.memory_space<vmem>>) offsets(%dma_start3A_40 : memref<128xi32, #tpu.memory_space<vmem>>) semaphore(%arg11 : memref<!tpu.dma_semaphore, #tpu.memory_space<semaphore_mem>>)
      %dma_wait3A = arith.constant 0 : i32
      %dma_wait3A_44 = tpu.memref_slice %arg8[%scan3A_38, %dma_wait3A] : memref<40x128xi32, #tpu.memory_space<vmem>> -> memref<1x128xi32, #tpu.memory_space<vmem>>
      %dma_wait3A_45 = tpu.memref_squeeze %dma_wait3A_44 : memref<1x128xi32, #tpu.memory_space<vmem>> -> memref<128xi32, #tpu.memory_space<vmem>>
      %dma_wait3A_46 = arith.constant 0 : i32
      %dma_wait3A_47 = arith.constant 0 : i32
      %dma_wait3A_48 = tpu.memref_slice %arg2[%dma_wait3A_46, %dma_wait3A_47] : memref<10112x128xf32, #tpu.memory_space<hbm>> -> memref<10112x128xf32, #tpu.memory_space<hbm>>
      tpu.wait_indirect_dma semaphore(%arg11 : memref<!tpu.dma_semaphore, #tpu.memory_space<semaphore_mem>>) src(%dma_wait3A_48 : memref<10112x128xf32, #tpu.memory_space<hbm>>) dst(%arg10 : memref<128x128xf32, #tpu.memory_space<vmem>>)
      "tpu.region"() ({
        %run_scoped3A = tpu.sem_alloc : memref<!tpu.dma_semaphore, #tpu.memory_space<semaphore_mem>>
        %dma_start3A_49 = arith.constant 0 : i32
        %dma_start3A_50 = tpu.memref_slice %arg9[%scan3A_38, %dma_start3A_49] : memref<40x128xi32, #tpu.memory_space<vmem>> -> memref<1x128xi32, #tpu.memory_space<vmem>>
        %dma_start3A_51 = tpu.memref_squeeze %dma_start3A_50 : memref<1x128xi32, #tpu.memory_space<vmem>> -> memref<128xi32, #tpu.memory_space<vmem>>
        %dma_start3A_52 = arith.constant 0 : i32
        %dma_start3A_53 = arith.constant 0 : i32
        %dma_start3A_54 = tpu.memref_slice %arg7[%dma_start3A_52, %dma_start3A_53] : memref<10112x128xf32, #tpu.memory_space<vmem_shared>> -> memref<10112x128xf32, #tpu.memory_space<vmem_shared>>
        tpu.enqueue_indirect_dma source(%arg10 : memref<128x128xf32, #tpu.memory_space<vmem>>) target(%dma_start3A_54 : memref<10112x128xf32, #tpu.memory_space<vmem_shared>>) offsets(%dma_start3A_51 : memref<128xi32, #tpu.memory_space<vmem>>) semaphore(%run_scoped3A : memref<!tpu.dma_semaphore, #tpu.memory_space<semaphore_mem>>) {add = true}
        %dma_wait3A_55 = arith.constant 0 : i32
        %dma_wait3A_56 = tpu.memref_slice %arg9[%scan3A_38, %dma_wait3A_55] : memref<40x128xi32, #tpu.memory_space<vmem>> -> memref<1x128xi32, #tpu.memory_space<vmem>>
        %dma_wait3A_57 = tpu.memref_squeeze %dma_wait3A_56 : memref<1x128xi32, #tpu.memory_space<vmem>> -> memref<128xi32, #tpu.memory_space<vmem>>
        %dma_wait3A_58 = arith.constant 0 : i32
        %dma_wait3A_59 = arith.constant 0 : i32
        %dma_wait3A_60 = tpu.memref_slice %arg7[%dma_wait3A_58, %dma_wait3A_59] : memref<10112x128xf32, #tpu.memory_space<vmem_shared>> -> memref<10112x128xf32, #tpu.memory_space<vmem_shared>>
        tpu.wait_indirect_dma semaphore(%run_scoped3A : memref<!tpu.dma_semaphore, #tpu.memory_space<semaphore_mem>>) src(%arg10 : memref<128x128xf32, #tpu.memory_space<vmem>>) dst(%dma_wait3A_60 : memref<10112x128xf32, #tpu.memory_space<vmem_shared>>)
        tpu.yield
      }) : () -> ()
    }
    %scan3A_15 = arith.constant 40 : i32
    %mul3A_16 = arith.constant 2 : i32
    %mul3A_17 = arith.muli %mul3A_16, %add3A : i32
    %add3A_18 = arith.constant 1 : i32
    %add3A_19 = arith.addi %mul3A_17, %add3A_18 : i32
    "tpu.region"() ({
      %run_scoped3A = tpu.sem_alloc : memref<!tpu.dma_semaphore, #tpu.memory_space<semaphore_mem>>
      %dma_start3A = arith.constant 0 : i32
      %dma_start3A_38 = arith.constant 0 : i32
      %dma_start3A_39 = tpu.memref_slice %arg3[%add3A_19, %dma_start3A, %dma_start3A_38] : memref<64x40x128xi32, #tpu.memory_space<hbm>> -> memref<1x40x128xi32, #tpu.memory_space<hbm>>
      %dma_start3A_40 = tpu.memref_squeeze %dma_start3A_39 : memref<1x40x128xi32, #tpu.memory_space<hbm>> -> memref<40x128xi32, #tpu.memory_space<hbm>>
      %dma_start3A_41 = arith.constant 0 : i32
      %dma_start3A_42 = arith.constant 0 : i32
      %dma_start3A_43 = tpu.memref_slice %arg3[%add3A_19, %dma_start3A_41, %dma_start3A_42] : memref<64x40x128xi32, #tpu.memory_space<hbm>> -> memref<1x40x128xi32, #tpu.memory_space<hbm>>
      %dma_start3A_44 = tpu.memref_squeeze %dma_start3A_43 : memref<1x40x128xi32, #tpu.memory_space<hbm>> -> memref<40x128xi32, #tpu.memory_space<hbm>>
      tpu.enqueue_dma source(%dma_start3A_44 : memref<40x128xi32, #tpu.memory_space<hbm>>) target(%arg8 : memref<40x128xi32, #tpu.memory_space<vmem>>) target_semaphore(%run_scoped3A : memref<!tpu.dma_semaphore, #tpu.memory_space<semaphore_mem>>)
      %dma_wait3A = arith.constant 0 : i32
      %dma_wait3A_45 = arith.constant 0 : i32
      %dma_wait3A_46 = tpu.memref_slice %arg3[%add3A_19, %dma_wait3A, %dma_wait3A_45] : memref<64x40x128xi32, #tpu.memory_space<hbm>> -> memref<1x40x128xi32, #tpu.memory_space<hbm>>
      %dma_wait3A_47 = tpu.memref_squeeze %dma_wait3A_46 : memref<1x40x128xi32, #tpu.memory_space<hbm>> -> memref<40x128xi32, #tpu.memory_space<hbm>>
      %dma_wait3A_48 = arith.constant 0 : i32
      %dma_wait3A_49 = arith.constant 0 : i32
      %dma_wait3A_50 = tpu.memref_slice %arg3[%add3A_19, %dma_wait3A_48, %dma_wait3A_49] : memref<64x40x128xi32, #tpu.memory_space<hbm>> -> memref<1x40x128xi32, #tpu.memory_space<hbm>>
      %dma_wait3A_51 = tpu.memref_squeeze %dma_wait3A_50 : memref<1x40x128xi32, #tpu.memory_space<hbm>> -> memref<40x128xi32, #tpu.memory_space<hbm>>
      tpu.wait_dma2 semaphore(%run_scoped3A : memref<!tpu.dma_semaphore, #tpu.memory_space<semaphore_mem>>) src(%dma_wait3A_51 : memref<40x128xi32, #tpu.memory_space<hbm>>) dst(%arg8 : memref<40x128xi32, #tpu.memory_space<vmem>>)
      tpu.yield
    }) : () -> ()
    %mul3A_20 = arith.constant 2 : i32
    %mul3A_21 = arith.muli %mul3A_20, %add3A : i32
    %add3A_22 = arith.constant 1 : i32
    %add3A_23 = arith.addi %mul3A_21, %add3A_22 : i32
    "tpu.region"() ({
      %run_scoped3A = tpu.sem_alloc : memref<!tpu.dma_semaphore, #tpu.memory_space<semaphore_mem>>
      %dma_start3A = arith.constant 0 : i32
      %dma_start3A_38 = arith.constant 0 : i32
      %dma_start3A_39 = tpu.memref_slice %arg4[%add3A_23, %dma_start3A, %dma_start3A_38] : memref<64x40x128xi32, #tpu.memory_space<hbm>> -> memref<1x40x128xi32, #tpu.memory_space<hbm>>
      %dma_start3A_40 = tpu.memref_squeeze %dma_start3A_39 : memref<1x40x128xi32, #tpu.memory_space<hbm>> -> memref<40x128xi32, #tpu.memory_space<hbm>>
      %dma_start3A_41 = arith.constant 0 : i32
      %dma_start3A_42 = arith.constant 0 : i32
      %dma_start3A_43 = tpu.memref_slice %arg4[%add3A_23, %dma_start3A_41, %dma_start3A_42] : memref<64x40x128xi32, #tpu.memory_space<hbm>> -> memref<1x40x128xi32, #tpu.memory_space<hbm>>
      %dma_start3A_44 = tpu.memref_squeeze %dma_start3A_43 : memref<1x40x128xi32, #tpu.memory_space<hbm>> -> memref<40x128xi32, #tpu.memory_space<hbm>>
      tpu.enqueue_dma source(%dma_start3A_44 : memref<40x128xi32, #tpu.memory_space<hbm>>) target(%arg9 : memref<40x128xi32, #tpu.memory_space<vmem>>) target_semaphore(%run_scoped3A : memref<!tpu.dma_semaphore, #tpu.memory_space<semaphore_mem>>)
      %dma_wait3A = arith.constant 0 : i32
      %dma_wait3A_45 = arith.constant 0 : i32
      %dma_wait3A_46 = tpu.memref_slice %arg4[%add3A_23, %dma_wait3A, %dma_wait3A_45] : memref<64x40x128xi32, #tpu.memory_space<hbm>> -> memref<1x40x128xi32, #tpu.memory_space<hbm>>
      %dma_wait3A_47 = tpu.memref_squeeze %dma_wait3A_46 : memref<1x40x128xi32, #tpu.memory_space<hbm>> -> memref<40x128xi32, #tpu.memory_space<hbm>>
      %dma_wait3A_48 = arith.constant 0 : i32
      %dma_wait3A_49 = arith.constant 0 : i32
      %dma_wait3A_50 = tpu.memref_slice %arg4[%add3A_23, %dma_wait3A_48, %dma_wait3A_49] : memref<64x40x128xi32, #tpu.memory_space<hbm>> -> memref<1x40x128xi32, #tpu.memory_space<hbm>>
      %dma_wait3A_51 = tpu.memref_squeeze %dma_wait3A_50 : memref<1x40x128xi32, #tpu.memory_space<hbm>> -> memref<40x128xi32, #tpu.memory_space<hbm>>
      tpu.wait_dma2 semaphore(%run_scoped3A : memref<!tpu.dma_semaphore, #tpu.memory_space<semaphore_mem>>) src(%dma_wait3A_51 : memref<40x128xi32, #tpu.memory_space<hbm>>) dst(%arg9 : memref<40x128xi32, #tpu.memory_space<vmem>>)
      tpu.yield
    }) : () -> ()
    %scan3A_24 = arith.constant 0 : i32
    %scan3A_25 = arith.constant 0 : i32
    %scan3A_26 = arith.constant 40 : i32
    %scan3A_27 = arith.addi %scan3A_25, %scan3A_26 : i32
    %scan3A_28 = arith.constant 1 : i32
    scf.for %scan3A_38 = %scan3A_25 to %scan3A_27 step %scan3A_28  : i32 {
      %dma_start3A = arith.constant 0 : i32
      %dma_start3A_39 = tpu.memref_slice %arg8[%scan3A_38, %dma_start3A] : memref<40x128xi32, #tpu.memory_space<vmem>> -> memref<1x128xi32, #tpu.memory_space<vmem>>
      %dma_start3A_40 = tpu.memref_squeeze %dma_start3A_39 : memref<1x128xi32, #tpu.memory_space<vmem>> -> memref<128xi32, #tpu.memory_space<vmem>>
      %dma_start3A_41 = arith.constant 0 : i32
      %dma_start3A_42 = arith.constant 0 : i32
      %dma_start3A_43 = tpu.memref_slice %arg2[%dma_start3A_41, %dma_start3A_42] : memref<10112x128xf32, #tpu.memory_space<hbm>> -> memref<10112x128xf32, #tpu.memory_space<hbm>>
      tpu.enqueue_indirect_dma source(%dma_start3A_43 : memref<10112x128xf32, #tpu.memory_space<hbm>>) target(%arg10 : memref<128x128xf32, #tpu.memory_space<vmem>>) offsets(%dma_start3A_40 : memref<128xi32, #tpu.memory_space<vmem>>) semaphore(%arg11 : memref<!tpu.dma_semaphore, #tpu.memory_space<semaphore_mem>>)
      %dma_wait3A = arith.constant 0 : i32
      %dma_wait3A_44 = tpu.memref_slice %arg8[%scan3A_38, %dma_wait3A] : memref<40x128xi32, #tpu.memory_space<vmem>> -> memref<1x128xi32, #tpu.memory_space<vmem>>
      %dma_wait3A_45 = tpu.memref_squeeze %dma_wait3A_44 : memref<1x128xi32, #tpu.memory_space<vmem>> -> memref<128xi32, #tpu.memory_space<vmem>>
      %dma_wait3A_46 = arith.constant 0 : i32
      %dma_wait3A_47 = arith.constant 0 : i32
      %dma_wait3A_48 = tpu.memref_slice %arg2[%dma_wait3A_46, %dma_wait3A_47] : memref<10112x128xf32, #tpu.memory_space<hbm>> -> memref<10112x128xf32, #tpu.memory_space<hbm>>
      tpu.wait_indirect_dma semaphore(%arg11 : memref<!tpu.dma_semaphore, #tpu.memory_space<semaphore_mem>>) src(%dma_wait3A_48 : memref<10112x128xf32, #tpu.memory_space<hbm>>) dst(%arg10 : memref<128x128xf32, #tpu.memory_space<vmem>>)
      "tpu.region"() ({
        %run_scoped3A = tpu.sem_alloc : memref<!tpu.dma_semaphore, #tpu.memory_space<semaphore_mem>>
        %dma_start3A_49 = arith.constant 0 : i32
        %dma_start3A_50 = tpu.memref_slice %arg9[%scan3A_38, %dma_start3A_49] : memref<40x128xi32, #tpu.memory_space<vmem>> -> memref<1x128xi32, #tpu.memory_space<vmem>>
        %dma_start3A_51 = tpu.memref_squeeze %dma_start3A_50 : memref<1x128xi32, #tpu.memory_space<vmem>> -> memref<128xi32, #tpu.memory_space<vmem>>
        %dma_start3A_52 = arith.constant 0 : i32
        %dma_start3A_53 = arith.constant 0 : i32
        %dma_start3A_54 = tpu.memref_slice %arg7[%dma_start3A_52, %dma_start3A_53] : memref<10112x128xf32, #tpu.memory_space<vmem_shared>> -> memref<10112x128xf32, #tpu.memory_space<vmem_shared>>
        tpu.enqueue_indirect_dma source(%arg10 : memref<128x128xf32, #tpu.memory_space<vmem>>) target(%dma_start3A_54 : memref<10112x128xf32, #tpu.memory_space<vmem_shared>>) offsets(%dma_start3A_51 : memref<128xi32, #tpu.memory_space<vmem>>) semaphore(%run_scoped3A : memref<!tpu.dma_semaphore, #tpu.memory_space<semaphore_mem>>) {add = true}
        %dma_wait3A_55 = arith.constant 0 : i32
        %dma_wait3A_56 = tpu.memref_slice %arg9[%scan3A_38, %dma_wait3A_55] : memref<40x128xi32, #tpu.memory_space<vmem>> -> memref<1x128xi32, #tpu.memory_space<vmem>>
        %dma_wait3A_57 = tpu.memref_squeeze %dma_wait3A_56 : memref<1x128xi32, #tpu.memory_space<vmem>> -> memref<128xi32, #tpu.memory_space<vmem>>
        %dma_wait3A_58 = arith.constant 0 : i32
        %dma_wait3A_59 = arith.constant 0 : i32
        %dma_wait3A_60 = tpu.memref_slice %arg7[%dma_wait3A_58, %dma_wait3A_59] : memref<10112x128xf32, #tpu.memory_space<vmem_shared>> -> memref<10112x128xf32, #tpu.memory_space<vmem_shared>>
        tpu.wait_indirect_dma semaphore(%run_scoped3A : memref<!tpu.dma_semaphore, #tpu.memory_space<semaphore_mem>>) src(%arg10 : memref<128x128xf32, #tpu.memory_space<vmem>>) dst(%dma_wait3A_60 : memref<10112x128xf32, #tpu.memory_space<vmem_shared>>)
        tpu.yield
      }) : () -> ()
    }
    %scan3A_29 = arith.constant 40 : i32
    %barrier3A_30 = arith.constant 0 : index
    tpu.barrier barrier_id(%barrier3A_30)
    %mul3A_31 = arith.constant 632 : i32
    %mul3A_32 = arith.muli %arg1, %mul3A_31 : i32
    %mul3A_33 = arith.constant 10112 : i32
    %mul3A_34 = arith.muli %arg0, %mul3A_33 : i32
    %mul3A_35 = arith.constant 632 : i32
    %mul3A_36 = arith.muli %arg1, %mul3A_35 : i32
    %add3A_37 = arith.addi %mul3A_34, %mul3A_36 : i32
    "tpu.region"() ({
      %run_scoped3A = tpu.sem_alloc : memref<!tpu.dma_semaphore, #tpu.memory_space<semaphore_mem>>
      %dma_start3A = arith.constant 0 : i32
      %dma_start3A_38 = tpu.memref_slice %arg6[%add3A_37, %dma_start3A] : memref<20224x128xf32, #tpu.memory_space<hbm>> -> memref<632x128xf32, #tpu.memory_space<hbm>>
      %dma_start3A_39 = arith.constant 0 : i32
      %dma_start3A_40 = tpu.memref_slice %arg7[%mul3A_32, %dma_start3A_39] : memref<10112x128xf32, #tpu.memory_space<vmem_shared>> -> memref<632x128xf32, #tpu.memory_space<vmem_shared>>
      tpu.enqueue_dma source(%dma_start3A_40 : memref<632x128xf32, #tpu.memory_space<vmem_shared>>) target(%dma_start3A_38 : memref<632x128xf32, #tpu.memory_space<hbm>>) target_semaphore(%run_scoped3A : memref<!tpu.dma_semaphore, #tpu.memory_space<semaphore_mem>>)
      %dma_wait3A = arith.constant 0 : i32
      %dma_wait3A_41 = tpu.memref_slice %arg6[%add3A_37, %dma_wait3A] : memref<20224x128xf32, #tpu.memory_space<hbm>> -> memref<632x128xf32, #tpu.memory_space<hbm>>
      %dma_wait3A_42 = arith.constant 0 : i32
      %dma_wait3A_43 = tpu.memref_slice %arg7[%mul3A_32, %dma_wait3A_42] : memref<10112x128xf32, #tpu.memory_space<vmem_shared>> -> memref<632x128xf32, #tpu.memory_space<vmem_shared>>
      tpu.wait_dma2 semaphore(%run_scoped3A : memref<!tpu.dma_semaphore, #tpu.memory_space<semaphore_mem>>) src(%dma_wait3A_43 : memref<632x128xf32, #tpu.memory_space<vmem_shared>>) dst(%dma_wait3A_41 : memref<632x128xf32, #tpu.memory_space<hbm>>)
      tpu.yield
    }) : () -> ()
    return
  }
}

#map = affine_map<(d0, d1) -> (0, 0)>
#map1 = affine_map<(d0, d1) -> (0, 0, 0)>
module attributes {stable_mosaic.version = 14 : i64} {
  func.func @_hop_body(%arg0: i32, %arg1: i32, %arg2: memref<10112x128xf32, #tpu.memory_space<hbm>>, %arg3: memref<64x40x128xi32, #tpu.memory_space<hbm>>, %arg4: memref<64x40x128xi32, #tpu.memory_space<hbm>>, %arg5: memref<632x128xf32, #tpu.memory_space<hbm>>, %arg6: memref<20224x128xf32, #tpu.memory_space<hbm>>, %arg7: memref<10112x128xf32, #tpu.memory_space<vmem_shared>>, %arg8: memref<40x128xi32, #tpu.memory_space<vmem>>, %arg9: memref<40x128xi32, #tpu.memory_space<vmem>>, %arg10: memref<128x128xf32, #tpu.memory_space<vmem>>, %arg11: memref<!tpu.dma_semaphore, #tpu.memory_space<semaphore_mem>>) attributes {dimension_semantics = [#tpu.dimension_semantics<core_parallel>, #tpu.dimension_semantics<subcore_parallel>], iteration_bounds = array<i64: 2, 16>, scalar_prefetch = 0 : i64, scratch_operands = 5 : i64, tpu.core_type = #tpu.core_type<sc_vector_subcore>, window_params = [{transform_indices = #map}, {transform_indices = #map1}, {transform_indices = #map1}, {transform_indices = #map}, {transform_indices = #map}]} {
    %mul3A = arith.constant 16 : i32
    %mul3A_0 = arith.muli %arg0, %mul3A : i32
    %add3A = arith.addi %mul3A_0, %arg1 : i32
    %mul3A_1 = arith.constant 632 : i32
    %mul3A_2 = arith.muli %arg1, %mul3A_1 : i32
    "tpu.region"() ({
      %run_scoped3A = tpu.sem_alloc : memref<!tpu.dma_semaphore, #tpu.memory_space<semaphore_mem>>
      %dma_start3A = arith.constant 0 : i32
      %dma_start3A_38 = tpu.memref_slice %arg7[%mul3A_2, %dma_start3A] : memref<10112x128xf32, #tpu.memory_space<vmem_shared>> -> memref<632x128xf32, #tpu.memory_space<vmem_shared>>
      tpu.enqueue_dma source(%arg5 : memref<632x128xf32, #tpu.memory_space<hbm>>) target(%dma_start3A_38 : memref<632x128xf32, #tpu.memory_space<vmem_shared>>) target_semaphore(%run_scoped3A : memref<!tpu.dma_semaphore, #tpu.memory_space<semaphore_mem>>)
      %dma_wait3A = arith.constant 0 : i32
      %dma_wait3A_39 = tpu.memref_slice %arg7[%mul3A_2, %dma_wait3A] : memref<10112x128xf32, #tpu.memory_space<vmem_shared>> -> memref<632x128xf32, #tpu.memory_space<vmem_shared>>
      tpu.wait_dma2 semaphore(%run_scoped3A : memref<!tpu.dma_semaphore, #tpu.memory_space<semaphore_mem>>) src(%arg5 : memref<632x128xf32, #tpu.memory_space<hbm>>) dst(%dma_wait3A_39 : memref<632x128xf32, #tpu.memory_space<vmem_shared>>)
      tpu.yield
    }) : () -> ()
    %barrier3A = arith.constant 0 : index
    tpu.barrier barrier_id(%barrier3A)
    %mul3A_3 = arith.constant 2 : i32
    %mul3A_4 = arith.muli %mul3A_3, %add3A : i32
    %add3A_5 = arith.constant 0 : i32
    %add3A_6 = arith.addi %mul3A_4, %add3A_5 : i32
    "tpu.region"() ({
      %run_scoped3A = tpu.sem_alloc : memref<!tpu.dma_semaphore, #tpu.memory_space<semaphore_mem>>
      %dma_start3A = arith.constant 0 : i32
      %dma_start3A_38 = arith.constant 0 : i32
      %dma_start3A_39 = tpu.memref_slice %arg3[%add3A_6, %dma_start3A, %dma_start3A_38] : memref<64x40x128xi32, #tpu.memory_space<hbm>> -> memref<1x40x128xi32, #tpu.memory_space<hbm>>
      %dma_start3A_40 = tpu.memref_squeeze %dma_start3A_39 : memref<1x40x128xi32, #tpu.memory_space<hbm>> -> memref<40x128xi32, #tpu.memory_space<hbm>>
      %dma_start3A_41 = arith.constant 0 : i32
      %dma_start3A_42 = arith.constant 0 : i32
      %dma_start3A_43 = tpu.memref_slice %arg3[%add3A_6, %dma_start3A_41, %dma_start3A_42] : memref<64x40x128xi32, #tpu.memory_space<hbm>> -> memref<1x40x128xi32, #tpu.memory_space<hbm>>
      %dma_start3A_44 = tpu.memref_squeeze %dma_start3A_43 : memref<1x40x128xi32, #tpu.memory_space<hbm>> -> memref<40x128xi32, #tpu.memory_space<hbm>>
      tpu.enqueue_dma source(%dma_start3A_44 : memref<40x128xi32, #tpu.memory_space<hbm>>) target(%arg8 : memref<40x128xi32, #tpu.memory_space<vmem>>) target_semaphore(%run_scoped3A : memref<!tpu.dma_semaphore, #tpu.memory_space<semaphore_mem>>)
      %dma_wait3A = arith.constant 0 : i32
      %dma_wait3A_45 = arith.constant 0 : i32
      %dma_wait3A_46 = tpu.memref_slice %arg3[%add3A_6, %dma_wait3A, %dma_wait3A_45] : memref<64x40x128xi32, #tpu.memory_space<hbm>> -> memref<1x40x128xi32, #tpu.memory_space<hbm>>
      %dma_wait3A_47 = tpu.memref_squeeze %dma_wait3A_46 : memref<1x40x128xi32, #tpu.memory_space<hbm>> -> memref<40x128xi32, #tpu.memory_space<hbm>>
      %dma_wait3A_48 = arith.constant 0 : i32
      %dma_wait3A_49 = arith.constant 0 : i32
      %dma_wait3A_50 = tpu.memref_slice %arg3[%add3A_6, %dma_wait3A_48, %dma_wait3A_49] : memref<64x40x128xi32, #tpu.memory_space<hbm>> -> memref<1x40x128xi32, #tpu.memory_space<hbm>>
      %dma_wait3A_51 = tpu.memref_squeeze %dma_wait3A_50 : memref<1x40x128xi32, #tpu.memory_space<hbm>> -> memref<40x128xi32, #tpu.memory_space<hbm>>
      tpu.wait_dma2 semaphore(%run_scoped3A : memref<!tpu.dma_semaphore, #tpu.memory_space<semaphore_mem>>) src(%dma_wait3A_51 : memref<40x128xi32, #tpu.memory_space<hbm>>) dst(%arg8 : memref<40x128xi32, #tpu.memory_space<vmem>>)
      tpu.yield
    }) : () -> ()
    %mul3A_7 = arith.constant 2 : i32
    %mul3A_8 = arith.muli %mul3A_7, %add3A : i32
    %add3A_9 = arith.constant 0 : i32
    %add3A_10 = arith.addi %mul3A_8, %add3A_9 : i32
    "tpu.region"() ({
      %run_scoped3A = tpu.sem_alloc : memref<!tpu.dma_semaphore, #tpu.memory_space<semaphore_mem>>
      %dma_start3A = arith.constant 0 : i32
      %dma_start3A_38 = arith.constant 0 : i32
      %dma_start3A_39 = tpu.memref_slice %arg4[%add3A_10, %dma_start3A, %dma_start3A_38] : memref<64x40x128xi32, #tpu.memory_space<hbm>> -> memref<1x40x128xi32, #tpu.memory_space<hbm>>
      %dma_start3A_40 = tpu.memref_squeeze %dma_start3A_39 : memref<1x40x128xi32, #tpu.memory_space<hbm>> -> memref<40x128xi32, #tpu.memory_space<hbm>>
      %dma_start3A_41 = arith.constant 0 : i32
      %dma_start3A_42 = arith.constant 0 : i32
      %dma_start3A_43 = tpu.memref_slice %arg4[%add3A_10, %dma_start3A_41, %dma_start3A_42] : memref<64x40x128xi32, #tpu.memory_space<hbm>> -> memref<1x40x128xi32, #tpu.memory_space<hbm>>
      %dma_start3A_44 = tpu.memref_squeeze %dma_start3A_43 : memref<1x40x128xi32, #tpu.memory_space<hbm>> -> memref<40x128xi32, #tpu.memory_space<hbm>>
      tpu.enqueue_dma source(%dma_start3A_44 : memref<40x128xi32, #tpu.memory_space<hbm>>) target(%arg9 : memref<40x128xi32, #tpu.memory_space<vmem>>) target_semaphore(%run_scoped3A : memref<!tpu.dma_semaphore, #tpu.memory_space<semaphore_mem>>)
      %dma_wait3A = arith.constant 0 : i32
      %dma_wait3A_45 = arith.constant 0 : i32
      %dma_wait3A_46 = tpu.memref_slice %arg4[%add3A_10, %dma_wait3A, %dma_wait3A_45] : memref<64x40x128xi32, #tpu.memory_space<hbm>> -> memref<1x40x128xi32, #tpu.memory_space<hbm>>
      %dma_wait3A_47 = tpu.memref_squeeze %dma_wait3A_46 : memref<1x40x128xi32, #tpu.memory_space<hbm>> -> memref<40x128xi32, #tpu.memory_space<hbm>>
      %dma_wait3A_48 = arith.constant 0 : i32
      %dma_wait3A_49 = arith.constant 0 : i32
      %dma_wait3A_50 = tpu.memref_slice %arg4[%add3A_10, %dma_wait3A_48, %dma_wait3A_49] : memref<64x40x128xi32, #tpu.memory_space<hbm>> -> memref<1x40x128xi32, #tpu.memory_space<hbm>>
      %dma_wait3A_51 = tpu.memref_squeeze %dma_wait3A_50 : memref<1x40x128xi32, #tpu.memory_space<hbm>> -> memref<40x128xi32, #tpu.memory_space<hbm>>
      tpu.wait_dma2 semaphore(%run_scoped3A : memref<!tpu.dma_semaphore, #tpu.memory_space<semaphore_mem>>) src(%dma_wait3A_51 : memref<40x128xi32, #tpu.memory_space<hbm>>) dst(%arg9 : memref<40x128xi32, #tpu.memory_space<vmem>>)
      tpu.yield
    }) : () -> ()
    %scan3A = arith.constant 0 : i32
    %scan3A_11 = arith.constant 0 : i32
    %scan3A_12 = arith.constant 40 : i32
    %scan3A_13 = arith.addi %scan3A_11, %scan3A_12 : i32
    %scan3A_14 = arith.constant 1 : i32
    scf.for %scan3A_38 = %scan3A_11 to %scan3A_13 step %scan3A_14  : i32 {
      %dma_start3A = arith.constant 0 : i32
      %dma_start3A_39 = tpu.memref_slice %arg8[%scan3A_38, %dma_start3A] : memref<40x128xi32, #tpu.memory_space<vmem>> -> memref<1x128xi32, #tpu.memory_space<vmem>>
      %dma_start3A_40 = tpu.memref_squeeze %dma_start3A_39 : memref<1x128xi32, #tpu.memory_space<vmem>> -> memref<128xi32, #tpu.memory_space<vmem>>
      %dma_start3A_41 = arith.constant 0 : i32
      %dma_start3A_42 = arith.constant 0 : i32
      %dma_start3A_43 = tpu.memref_slice %arg2[%dma_start3A_41, %dma_start3A_42] : memref<10112x128xf32, #tpu.memory_space<hbm>> -> memref<10112x128xf32, #tpu.memory_space<hbm>>
      tpu.enqueue_indirect_dma source(%dma_start3A_43 : memref<10112x128xf32, #tpu.memory_space<hbm>>) target(%arg10 : memref<128x128xf32, #tpu.memory_space<vmem>>) offsets(%dma_start3A_40 : memref<128xi32, #tpu.memory_space<vmem>>) semaphore(%arg11 : memref<!tpu.dma_semaphore, #tpu.memory_space<semaphore_mem>>)
      %dma_wait3A = arith.constant 0 : i32
      %dma_wait3A_44 = tpu.memref_slice %arg8[%scan3A_38, %dma_wait3A] : memref<40x128xi32, #tpu.memory_space<vmem>> -> memref<1x128xi32, #tpu.memory_space<vmem>>
      %dma_wait3A_45 = tpu.memref_squeeze %dma_wait3A_44 : memref<1x128xi32, #tpu.memory_space<vmem>> -> memref<128xi32, #tpu.memory_space<vmem>>
      %dma_wait3A_46 = arith.constant 0 : i32
      %dma_wait3A_47 = arith.constant 0 : i32
      %dma_wait3A_48 = tpu.memref_slice %arg2[%dma_wait3A_46, %dma_wait3A_47] : memref<10112x128xf32, #tpu.memory_space<hbm>> -> memref<10112x128xf32, #tpu.memory_space<hbm>>
      tpu.wait_indirect_dma semaphore(%arg11 : memref<!tpu.dma_semaphore, #tpu.memory_space<semaphore_mem>>) src(%dma_wait3A_48 : memref<10112x128xf32, #tpu.memory_space<hbm>>) dst(%arg10 : memref<128x128xf32, #tpu.memory_space<vmem>>)
      "tpu.region"() ({
        %run_scoped3A = tpu.sem_alloc : memref<!tpu.dma_semaphore, #tpu.memory_space<semaphore_mem>>
        %dma_start3A_49 = arith.constant 0 : i32
        %dma_start3A_50 = tpu.memref_slice %arg9[%scan3A_38, %dma_start3A_49] : memref<40x128xi32, #tpu.memory_space<vmem>> -> memref<1x128xi32, #tpu.memory_space<vmem>>
        %dma_start3A_51 = tpu.memref_squeeze %dma_start3A_50 : memref<1x128xi32, #tpu.memory_space<vmem>> -> memref<128xi32, #tpu.memory_space<vmem>>
        %dma_start3A_52 = arith.constant 0 : i32
        %dma_start3A_53 = arith.constant 0 : i32
        %dma_start3A_54 = tpu.memref_slice %arg7[%dma_start3A_52, %dma_start3A_53] : memref<10112x128xf32, #tpu.memory_space<vmem_shared>> -> memref<10112x128xf32, #tpu.memory_space<vmem_shared>>
        tpu.enqueue_indirect_dma source(%arg10 : memref<128x128xf32, #tpu.memory_space<vmem>>) target(%dma_start3A_54 : memref<10112x128xf32, #tpu.memory_space<vmem_shared>>) offsets(%dma_start3A_51 : memref<128xi32, #tpu.memory_space<vmem>>) semaphore(%run_scoped3A : memref<!tpu.dma_semaphore, #tpu.memory_space<semaphore_mem>>) {add = true}
        %dma_wait3A_55 = arith.constant 0 : i32
        %dma_wait3A_56 = tpu.memref_slice %arg9[%scan3A_38, %dma_wait3A_55] : memref<40x128xi32, #tpu.memory_space<vmem>> -> memref<1x128xi32, #tpu.memory_space<vmem>>
        %dma_wait3A_57 = tpu.memref_squeeze %dma_wait3A_56 : memref<1x128xi32, #tpu.memory_space<vmem>> -> memref<128xi32, #tpu.memory_space<vmem>>
        %dma_wait3A_58 = arith.constant 0 : i32
        %dma_wait3A_59 = arith.constant 0 : i32
        %dma_wait3A_60 = tpu.memref_slice %arg7[%dma_wait3A_58, %dma_wait3A_59] : memref<10112x128xf32, #tpu.memory_space<vmem_shared>> -> memref<10112x128xf32, #tpu.memory_space<vmem_shared>>
        tpu.wait_indirect_dma semaphore(%run_scoped3A : memref<!tpu.dma_semaphore, #tpu.memory_space<semaphore_mem>>) src(%arg10 : memref<128x128xf32, #tpu.memory_space<vmem>>) dst(%dma_wait3A_60 : memref<10112x128xf32, #tpu.memory_space<vmem_shared>>)
        tpu.yield
      }) : () -> ()
    }
    %scan3A_15 = arith.constant 40 : i32
    %mul3A_16 = arith.constant 2 : i32
    %mul3A_17 = arith.muli %mul3A_16, %add3A : i32
    %add3A_18 = arith.constant 1 : i32
    %add3A_19 = arith.addi %mul3A_17, %add3A_18 : i32
    "tpu.region"() ({
      %run_scoped3A = tpu.sem_alloc : memref<!tpu.dma_semaphore, #tpu.memory_space<semaphore_mem>>
      %dma_start3A = arith.constant 0 : i32
      %dma_start3A_38 = arith.constant 0 : i32
      %dma_start3A_39 = tpu.memref_slice %arg3[%add3A_19, %dma_start3A, %dma_start3A_38] : memref<64x40x128xi32, #tpu.memory_space<hbm>> -> memref<1x40x128xi32, #tpu.memory_space<hbm>>
      %dma_start3A_40 = tpu.memref_squeeze %dma_start3A_39 : memref<1x40x128xi32, #tpu.memory_space<hbm>> -> memref<40x128xi32, #tpu.memory_space<hbm>>
      %dma_start3A_41 = arith.constant 0 : i32
      %dma_start3A_42 = arith.constant 0 : i32
      %dma_start3A_43 = tpu.memref_slice %arg3[%add3A_19, %dma_start3A_41, %dma_start3A_42] : memref<64x40x128xi32, #tpu.memory_space<hbm>> -> memref<1x40x128xi32, #tpu.memory_space<hbm>>
      %dma_start3A_44 = tpu.memref_squeeze %dma_start3A_43 : memref<1x40x128xi32, #tpu.memory_space<hbm>> -> memref<40x128xi32, #tpu.memory_space<hbm>>
      tpu.enqueue_dma source(%dma_start3A_44 : memref<40x128xi32, #tpu.memory_space<hbm>>) target(%arg8 : memref<40x128xi32, #tpu.memory_space<vmem>>) target_semaphore(%run_scoped3A : memref<!tpu.dma_semaphore, #tpu.memory_space<semaphore_mem>>)
      %dma_wait3A = arith.constant 0 : i32
      %dma_wait3A_45 = arith.constant 0 : i32
      %dma_wait3A_46 = tpu.memref_slice %arg3[%add3A_19, %dma_wait3A, %dma_wait3A_45] : memref<64x40x128xi32, #tpu.memory_space<hbm>> -> memref<1x40x128xi32, #tpu.memory_space<hbm>>
      %dma_wait3A_47 = tpu.memref_squeeze %dma_wait3A_46 : memref<1x40x128xi32, #tpu.memory_space<hbm>> -> memref<40x128xi32, #tpu.memory_space<hbm>>
      %dma_wait3A_48 = arith.constant 0 : i32
      %dma_wait3A_49 = arith.constant 0 : i32
      %dma_wait3A_50 = tpu.memref_slice %arg3[%add3A_19, %dma_wait3A_48, %dma_wait3A_49] : memref<64x40x128xi32, #tpu.memory_space<hbm>> -> memref<1x40x128xi32, #tpu.memory_space<hbm>>
      %dma_wait3A_51 = tpu.memref_squeeze %dma_wait3A_50 : memref<1x40x128xi32, #tpu.memory_space<hbm>> -> memref<40x128xi32, #tpu.memory_space<hbm>>
      tpu.wait_dma2 semaphore(%run_scoped3A : memref<!tpu.dma_semaphore, #tpu.memory_space<semaphore_mem>>) src(%dma_wait3A_51 : memref<40x128xi32, #tpu.memory_space<hbm>>) dst(%arg8 : memref<40x128xi32, #tpu.memory_space<vmem>>)
      tpu.yield
    }) : () -> ()
    %mul3A_20 = arith.constant 2 : i32
    %mul3A_21 = arith.muli %mul3A_20, %add3A : i32
    %add3A_22 = arith.constant 1 : i32
    %add3A_23 = arith.addi %mul3A_21, %add3A_22 : i32
    "tpu.region"() ({
      %run_scoped3A = tpu.sem_alloc : memref<!tpu.dma_semaphore, #tpu.memory_space<semaphore_mem>>
      %dma_start3A = arith.constant 0 : i32
      %dma_start3A_38 = arith.constant 0 : i32
      %dma_start3A_39 = tpu.memref_slice %arg4[%add3A_23, %dma_start3A, %dma_start3A_38] : memref<64x40x128xi32, #tpu.memory_space<hbm>> -> memref<1x40x128xi32, #tpu.memory_space<hbm>>
      %dma_start3A_40 = tpu.memref_squeeze %dma_start3A_39 : memref<1x40x128xi32, #tpu.memory_space<hbm>> -> memref<40x128xi32, #tpu.memory_space<hbm>>
      %dma_start3A_41 = arith.constant 0 : i32
      %dma_start3A_42 = arith.constant 0 : i32
      %dma_start3A_43 = tpu.memref_slice %arg4[%add3A_23, %dma_start3A_41, %dma_start3A_42] : memref<64x40x128xi32, #tpu.memory_space<hbm>> -> memref<1x40x128xi32, #tpu.memory_space<hbm>>
      %dma_start3A_44 = tpu.memref_squeeze %dma_start3A_43 : memref<1x40x128xi32, #tpu.memory_space<hbm>> -> memref<40x128xi32, #tpu.memory_space<hbm>>
      tpu.enqueue_dma source(%dma_start3A_44 : memref<40x128xi32, #tpu.memory_space<hbm>>) target(%arg9 : memref<40x128xi32, #tpu.memory_space<vmem>>) target_semaphore(%run_scoped3A : memref<!tpu.dma_semaphore, #tpu.memory_space<semaphore_mem>>)
      %dma_wait3A = arith.constant 0 : i32
      %dma_wait3A_45 = arith.constant 0 : i32
      %dma_wait3A_46 = tpu.memref_slice %arg4[%add3A_23, %dma_wait3A, %dma_wait3A_45] : memref<64x40x128xi32, #tpu.memory_space<hbm>> -> memref<1x40x128xi32, #tpu.memory_space<hbm>>
      %dma_wait3A_47 = tpu.memref_squeeze %dma_wait3A_46 : memref<1x40x128xi32, #tpu.memory_space<hbm>> -> memref<40x128xi32, #tpu.memory_space<hbm>>
      %dma_wait3A_48 = arith.constant 0 : i32
      %dma_wait3A_49 = arith.constant 0 : i32
      %dma_wait3A_50 = tpu.memref_slice %arg4[%add3A_23, %dma_wait3A_48, %dma_wait3A_49] : memref<64x40x128xi32, #tpu.memory_space<hbm>> -> memref<1x40x128xi32, #tpu.memory_space<hbm>>
      %dma_wait3A_51 = tpu.memref_squeeze %dma_wait3A_50 : memref<1x40x128xi32, #tpu.memory_space<hbm>> -> memref<40x128xi32, #tpu.memory_space<hbm>>
      tpu.wait_dma2 semaphore(%run_scoped3A : memref<!tpu.dma_semaphore, #tpu.memory_space<semaphore_mem>>) src(%dma_wait3A_51 : memref<40x128xi32, #tpu.memory_space<hbm>>) dst(%arg9 : memref<40x128xi32, #tpu.memory_space<vmem>>)
      tpu.yield
    }) : () -> ()
    %scan3A_24 = arith.constant 0 : i32
    %scan3A_25 = arith.constant 0 : i32
    %scan3A_26 = arith.constant 40 : i32
    %scan3A_27 = arith.addi %scan3A_25, %scan3A_26 : i32
    %scan3A_28 = arith.constant 1 : i32
    scf.for %scan3A_38 = %scan3A_25 to %scan3A_27 step %scan3A_28  : i32 {
      %dma_start3A = arith.constant 0 : i32
      %dma_start3A_39 = tpu.memref_slice %arg8[%scan3A_38, %dma_start3A] : memref<40x128xi32, #tpu.memory_space<vmem>> -> memref<1x128xi32, #tpu.memory_space<vmem>>
      %dma_start3A_40 = tpu.memref_squeeze %dma_start3A_39 : memref<1x128xi32, #tpu.memory_space<vmem>> -> memref<128xi32, #tpu.memory_space<vmem>>
      %dma_start3A_41 = arith.constant 0 : i32
      %dma_start3A_42 = arith.constant 0 : i32
      %dma_start3A_43 = tpu.memref_slice %arg2[%dma_start3A_41, %dma_start3A_42] : memref<10112x128xf32, #tpu.memory_space<hbm>> -> memref<10112x128xf32, #tpu.memory_space<hbm>>
      tpu.enqueue_indirect_dma source(%dma_start3A_43 : memref<10112x128xf32, #tpu.memory_space<hbm>>) target(%arg10 : memref<128x128xf32, #tpu.memory_space<vmem>>) offsets(%dma_start3A_40 : memref<128xi32, #tpu.memory_space<vmem>>) semaphore(%arg11 : memref<!tpu.dma_semaphore, #tpu.memory_space<semaphore_mem>>)
      %dma_wait3A = arith.constant 0 : i32
      %dma_wait3A_44 = tpu.memref_slice %arg8[%scan3A_38, %dma_wait3A] : memref<40x128xi32, #tpu.memory_space<vmem>> -> memref<1x128xi32, #tpu.memory_space<vmem>>
      %dma_wait3A_45 = tpu.memref_squeeze %dma_wait3A_44 : memref<1x128xi32, #tpu.memory_space<vmem>> -> memref<128xi32, #tpu.memory_space<vmem>>
      %dma_wait3A_46 = arith.constant 0 : i32
      %dma_wait3A_47 = arith.constant 0 : i32
      %dma_wait3A_48 = tpu.memref_slice %arg2[%dma_wait3A_46, %dma_wait3A_47] : memref<10112x128xf32, #tpu.memory_space<hbm>> -> memref<10112x128xf32, #tpu.memory_space<hbm>>
      tpu.wait_indirect_dma semaphore(%arg11 : memref<!tpu.dma_semaphore, #tpu.memory_space<semaphore_mem>>) src(%dma_wait3A_48 : memref<10112x128xf32, #tpu.memory_space<hbm>>) dst(%arg10 : memref<128x128xf32, #tpu.memory_space<vmem>>)
      "tpu.region"() ({
        %run_scoped3A = tpu.sem_alloc : memref<!tpu.dma_semaphore, #tpu.memory_space<semaphore_mem>>
        %dma_start3A_49 = arith.constant 0 : i32
        %dma_start3A_50 = tpu.memref_slice %arg9[%scan3A_38, %dma_start3A_49] : memref<40x128xi32, #tpu.memory_space<vmem>> -> memref<1x128xi32, #tpu.memory_space<vmem>>
        %dma_start3A_51 = tpu.memref_squeeze %dma_start3A_50 : memref<1x128xi32, #tpu.memory_space<vmem>> -> memref<128xi32, #tpu.memory_space<vmem>>
        %dma_start3A_52 = arith.constant 0 : i32
        %dma_start3A_53 = arith.constant 0 : i32
        %dma_start3A_54 = tpu.memref_slice %arg7[%dma_start3A_52, %dma_start3A_53] : memref<10112x128xf32, #tpu.memory_space<vmem_shared>> -> memref<10112x128xf32, #tpu.memory_space<vmem_shared>>
        tpu.enqueue_indirect_dma source(%arg10 : memref<128x128xf32, #tpu.memory_space<vmem>>) target(%dma_start3A_54 : memref<10112x128xf32, #tpu.memory_space<vmem_shared>>) offsets(%dma_start3A_51 : memref<128xi32, #tpu.memory_space<vmem>>) semaphore(%run_scoped3A : memref<!tpu.dma_semaphore, #tpu.memory_space<semaphore_mem>>) {add = true}
        %dma_wait3A_55 = arith.constant 0 : i32
        %dma_wait3A_56 = tpu.memref_slice %arg9[%scan3A_38, %dma_wait3A_55] : memref<40x128xi32, #tpu.memory_space<vmem>> -> memref<1x128xi32, #tpu.memory_space<vmem>>
        %dma_wait3A_57 = tpu.memref_squeeze %dma_wait3A_56 : memref<1x128xi32, #tpu.memory_space<vmem>> -> memref<128xi32, #tpu.memory_space<vmem>>
        %dma_wait3A_58 = arith.constant 0 : i32
        %dma_wait3A_59 = arith.constant 0 : i32
        %dma_wait3A_60 = tpu.memref_slice %arg7[%dma_wait3A_58, %dma_wait3A_59] : memref<10112x128xf32, #tpu.memory_space<vmem_shared>> -> memref<10112x128xf32, #tpu.memory_space<vmem_shared>>
        tpu.wait_indirect_dma semaphore(%run_scoped3A : memref<!tpu.dma_semaphore, #tpu.memory_space<semaphore_mem>>) src(%arg10 : memref<128x128xf32, #tpu.memory_space<vmem>>) dst(%dma_wait3A_60 : memref<10112x128xf32, #tpu.memory_space<vmem_shared>>)
        tpu.yield
      }) : () -> ()
    }
    %scan3A_29 = arith.constant 40 : i32
    %barrier3A_30 = arith.constant 0 : index
    tpu.barrier barrier_id(%barrier3A_30)
    %mul3A_31 = arith.constant 632 : i32
    %mul3A_32 = arith.muli %arg1, %mul3A_31 : i32
    %mul3A_33 = arith.constant 10112 : i32
    %mul3A_34 = arith.muli %arg0, %mul3A_33 : i32
    %mul3A_35 = arith.constant 632 : i32
    %mul3A_36 = arith.muli %arg1, %mul3A_35 : i32
    %add3A_37 = arith.addi %mul3A_34, %mul3A_36 : i32
    "tpu.region"() ({
      %run_scoped3A = tpu.sem_alloc : memref<!tpu.dma_semaphore, #tpu.memory_space<semaphore_mem>>
      %dma_start3A = arith.constant 0 : i32
      %dma_start3A_38 = tpu.memref_slice %arg6[%add3A_37, %dma_start3A] : memref<20224x128xf32, #tpu.memory_space<hbm>> -> memref<632x128xf32, #tpu.memory_space<hbm>>
      %dma_start3A_39 = arith.constant 0 : i32
      %dma_start3A_40 = tpu.memref_slice %arg7[%mul3A_32, %dma_start3A_39] : memref<10112x128xf32, #tpu.memory_space<vmem_shared>> -> memref<632x128xf32, #tpu.memory_space<vmem_shared>>
      tpu.enqueue_dma source(%dma_start3A_40 : memref<632x128xf32, #tpu.memory_space<vmem_shared>>) target(%dma_start3A_38 : memref<632x128xf32, #tpu.memory_space<hbm>>) target_semaphore(%run_scoped3A : memref<!tpu.dma_semaphore, #tpu.memory_space<semaphore_mem>>)
      %dma_wait3A = arith.constant 0 : i32
      %dma_wait3A_41 = tpu.memref_slice %arg6[%add3A_37, %dma_wait3A] : memref<20224x128xf32, #tpu.memory_space<hbm>> -> memref<632x128xf32, #tpu.memory_space<hbm>>
      %dma_wait3A_42 = arith.constant 0 : i32
      %dma_wait3A_43 = tpu.memref_slice %arg7[%mul3A_32, %dma_wait3A_42] : memref<10112x128xf32, #tpu.memory_space<vmem_shared>> -> memref<632x128xf32, #tpu.memory_space<vmem_shared>>
      tpu.wait_dma2 semaphore(%run_scoped3A : memref<!tpu.dma_semaphore, #tpu.memory_space<semaphore_mem>>) src(%dma_wait3A_43 : memref<632x128xf32, #tpu.memory_space<vmem_shared>>) dst(%dma_wait3A_41 : memref<632x128xf32, #tpu.memory_space<hbm>>)
      tpu.yield
    }) : () -> ()
    return
  }
}

#map = affine_map<(d0, d1) -> (0, 0, 0)>
#map1 = affine_map<(d0, d1) -> (0, 0)>
module attributes {stable_mosaic.version = 14 : i64} {
  func.func @_deg_body(%arg0: i32, %arg1: i32, %arg2: memref<64x40x128xi32, #tpu.memory_space<hbm>>, %arg3: memref<632x128xf32, #tpu.memory_space<hbm>>, %arg4: memref<128x128xf32, #tpu.memory_space<hbm>>, %arg5: memref<20224x128xf32, #tpu.memory_space<hbm>>, %arg6: memref<10112x128xf32, #tpu.memory_space<vmem_shared>>, %arg7: memref<40x128xi32, #tpu.memory_space<vmem>>, %arg8: memref<128x128xf32, #tpu.memory_space<vmem>>) attributes {dimension_semantics = [#tpu.dimension_semantics<core_parallel>, #tpu.dimension_semantics<subcore_parallel>], iteration_bounds = array<i64: 2, 16>, scalar_prefetch = 0 : i64, scratch_operands = 3 : i64, tpu.core_type = #tpu.core_type<sc_vector_subcore>, window_params = [{transform_indices = #map}, {transform_indices = #map1}, {transform_indices = #map1}, {transform_indices = #map1}]} {
    %mul3A = arith.constant 16 : i32
    %mul3A_0 = arith.muli %arg0, %mul3A : i32
    %add3A = arith.addi %mul3A_0, %arg1 : i32
    %mul3A_1 = arith.constant 632 : i32
    %mul3A_2 = arith.muli %arg1, %mul3A_1 : i32
    "tpu.region"() ({
      %run_scoped3A = tpu.sem_alloc : memref<!tpu.dma_semaphore, #tpu.memory_space<semaphore_mem>>
      %dma_start3A = arith.constant 0 : i32
      %dma_start3A_30 = tpu.memref_slice %arg6[%mul3A_2, %dma_start3A] : memref<10112x128xf32, #tpu.memory_space<vmem_shared>> -> memref<632x128xf32, #tpu.memory_space<vmem_shared>>
      tpu.enqueue_dma source(%arg3 : memref<632x128xf32, #tpu.memory_space<hbm>>) target(%dma_start3A_30 : memref<632x128xf32, #tpu.memory_space<vmem_shared>>) target_semaphore(%run_scoped3A : memref<!tpu.dma_semaphore, #tpu.memory_space<semaphore_mem>>)
      %dma_wait3A = arith.constant 0 : i32
      %dma_wait3A_31 = tpu.memref_slice %arg6[%mul3A_2, %dma_wait3A] : memref<10112x128xf32, #tpu.memory_space<vmem_shared>> -> memref<632x128xf32, #tpu.memory_space<vmem_shared>>
      tpu.wait_dma2 semaphore(%run_scoped3A : memref<!tpu.dma_semaphore, #tpu.memory_space<semaphore_mem>>) src(%arg3 : memref<632x128xf32, #tpu.memory_space<hbm>>) dst(%dma_wait3A_31 : memref<632x128xf32, #tpu.memory_space<vmem_shared>>)
      tpu.yield
    }) : () -> ()
    "tpu.region"() ({
      %run_scoped3A = tpu.sem_alloc : memref<!tpu.dma_semaphore, #tpu.memory_space<semaphore_mem>>
      tpu.enqueue_dma source(%arg4 : memref<128x128xf32, #tpu.memory_space<hbm>>) target(%arg8 : memref<128x128xf32, #tpu.memory_space<vmem>>) target_semaphore(%run_scoped3A : memref<!tpu.dma_semaphore, #tpu.memory_space<semaphore_mem>>)
      tpu.wait_dma2 semaphore(%run_scoped3A : memref<!tpu.dma_semaphore, #tpu.memory_space<semaphore_mem>>) src(%arg4 : memref<128x128xf32, #tpu.memory_space<hbm>>) dst(%arg8 : memref<128x128xf32, #tpu.memory_space<vmem>>)
      tpu.yield
    }) : () -> ()
    %barrier3A = arith.constant 0 : index
    tpu.barrier barrier_id(%barrier3A)
    %mul3A_3 = arith.constant 2 : i32
    %mul3A_4 = arith.muli %mul3A_3, %add3A : i32
    %add3A_5 = arith.constant 0 : i32
    %add3A_6 = arith.addi %mul3A_4, %add3A_5 : i32
    "tpu.region"() ({
      %run_scoped3A = tpu.sem_alloc : memref<!tpu.dma_semaphore, #tpu.memory_space<semaphore_mem>>
      %dma_start3A = arith.constant 0 : i32
      %dma_start3A_30 = arith.constant 0 : i32
      %dma_start3A_31 = tpu.memref_slice %arg2[%add3A_6, %dma_start3A, %dma_start3A_30] : memref<64x40x128xi32, #tpu.memory_space<hbm>> -> memref<1x40x128xi32, #tpu.memory_space<hbm>>
      %dma_start3A_32 = tpu.memref_squeeze %dma_start3A_31 : memref<1x40x128xi32, #tpu.memory_space<hbm>> -> memref<40x128xi32, #tpu.memory_space<hbm>>
      %dma_start3A_33 = arith.constant 0 : i32
      %dma_start3A_34 = arith.constant 0 : i32
      %dma_start3A_35 = tpu.memref_slice %arg2[%add3A_6, %dma_start3A_33, %dma_start3A_34] : memref<64x40x128xi32, #tpu.memory_space<hbm>> -> memref<1x40x128xi32, #tpu.memory_space<hbm>>
      %dma_start3A_36 = tpu.memref_squeeze %dma_start3A_35 : memref<1x40x128xi32, #tpu.memory_space<hbm>> -> memref<40x128xi32, #tpu.memory_space<hbm>>
      tpu.enqueue_dma source(%dma_start3A_36 : memref<40x128xi32, #tpu.memory_space<hbm>>) target(%arg7 : memref<40x128xi32, #tpu.memory_space<vmem>>) target_semaphore(%run_scoped3A : memref<!tpu.dma_semaphore, #tpu.memory_space<semaphore_mem>>)
      %dma_wait3A = arith.constant 0 : i32
      %dma_wait3A_37 = arith.constant 0 : i32
      %dma_wait3A_38 = tpu.memref_slice %arg2[%add3A_6, %dma_wait3A, %dma_wait3A_37] : memref<64x40x128xi32, #tpu.memory_space<hbm>> -> memref<1x40x128xi32, #tpu.memory_space<hbm>>
      %dma_wait3A_39 = tpu.memref_squeeze %dma_wait3A_38 : memref<1x40x128xi32, #tpu.memory_space<hbm>> -> memref<40x128xi32, #tpu.memory_space<hbm>>
      %dma_wait3A_40 = arith.constant 0 : i32
      %dma_wait3A_41 = arith.constant 0 : i32
      %dma_wait3A_42 = tpu.memref_slice %arg2[%add3A_6, %dma_wait3A_40, %dma_wait3A_41] : memref<64x40x128xi32, #tpu.memory_space<hbm>> -> memref<1x40x128xi32, #tpu.memory_space<hbm>>
      %dma_wait3A_43 = tpu.memref_squeeze %dma_wait3A_42 : memref<1x40x128xi32, #tpu.memory_space<hbm>> -> memref<40x128xi32, #tpu.memory_space<hbm>>
      tpu.wait_dma2 semaphore(%run_scoped3A : memref<!tpu.dma_semaphore, #tpu.memory_space<semaphore_mem>>) src(%dma_wait3A_43 : memref<40x128xi32, #tpu.memory_space<hbm>>) dst(%arg7 : memref<40x128xi32, #tpu.memory_space<vmem>>)
      tpu.yield
    }) : () -> ()
    %scan3A = arith.constant 0 : i32
    %scan3A_7 = arith.constant 0 : i32
    %scan3A_8 = arith.constant 40 : i32
    %scan3A_9 = arith.addi %scan3A_7, %scan3A_8 : i32
    %scan3A_10 = arith.constant 1 : i32
    scf.for %scan3A_30 = %scan3A_7 to %scan3A_9 step %scan3A_10  : i32 {
      "tpu.region"() ({
        %run_scoped3A = tpu.sem_alloc : memref<!tpu.dma_semaphore, #tpu.memory_space<semaphore_mem>>
        %dma_start3A = arith.constant 0 : i32
        %dma_start3A_31 = tpu.memref_slice %arg7[%scan3A_30, %dma_start3A] : memref<40x128xi32, #tpu.memory_space<vmem>> -> memref<1x128xi32, #tpu.memory_space<vmem>>
        %dma_start3A_32 = tpu.memref_squeeze %dma_start3A_31 : memref<1x128xi32, #tpu.memory_space<vmem>> -> memref<128xi32, #tpu.memory_space<vmem>>
        %dma_start3A_33 = arith.constant 0 : i32
        %dma_start3A_34 = arith.constant 0 : i32
        %dma_start3A_35 = tpu.memref_slice %arg6[%dma_start3A_33, %dma_start3A_34] : memref<10112x128xf32, #tpu.memory_space<vmem_shared>> -> memref<10112x128xf32, #tpu.memory_space<vmem_shared>>
        tpu.enqueue_indirect_dma source(%arg8 : memref<128x128xf32, #tpu.memory_space<vmem>>) target(%dma_start3A_35 : memref<10112x128xf32, #tpu.memory_space<vmem_shared>>) offsets(%dma_start3A_32 : memref<128xi32, #tpu.memory_space<vmem>>) semaphore(%run_scoped3A : memref<!tpu.dma_semaphore, #tpu.memory_space<semaphore_mem>>) {add = true}
        %dma_wait3A = arith.constant 0 : i32
        %dma_wait3A_36 = tpu.memref_slice %arg7[%scan3A_30, %dma_wait3A] : memref<40x128xi32, #tpu.memory_space<vmem>> -> memref<1x128xi32, #tpu.memory_space<vmem>>
        %dma_wait3A_37 = tpu.memref_squeeze %dma_wait3A_36 : memref<1x128xi32, #tpu.memory_space<vmem>> -> memref<128xi32, #tpu.memory_space<vmem>>
        %dma_wait3A_38 = arith.constant 0 : i32
        %dma_wait3A_39 = arith.constant 0 : i32
        %dma_wait3A_40 = tpu.memref_slice %arg6[%dma_wait3A_38, %dma_wait3A_39] : memref<10112x128xf32, #tpu.memory_space<vmem_shared>> -> memref<10112x128xf32, #tpu.memory_space<vmem_shared>>
        tpu.wait_indirect_dma semaphore(%run_scoped3A : memref<!tpu.dma_semaphore, #tpu.memory_space<semaphore_mem>>) src(%arg8 : memref<128x128xf32, #tpu.memory_space<vmem>>) dst(%dma_wait3A_40 : memref<10112x128xf32, #tpu.memory_space<vmem_shared>>)
        tpu.yield
      }) : () -> ()
    }
    %scan3A_11 = arith.constant 40 : i32
    %mul3A_12 = arith.constant 2 : i32
    %mul3A_13 = arith.muli %mul3A_12, %add3A : i32
    %add3A_14 = arith.constant 1 : i32
    %add3A_15 = arith.addi %mul3A_13, %add3A_14 : i32
    "tpu.region"() ({
      %run_scoped3A = tpu.sem_alloc : memref<!tpu.dma_semaphore, #tpu.memory_space<semaphore_mem>>
      %dma_start3A = arith.constant 0 : i32
      %dma_start3A_30 = arith.constant 0 : i32
      %dma_start3A_31 = tpu.memref_slice %arg2[%add3A_15, %dma_start3A, %dma_start3A_30] : memref<64x40x128xi32, #tpu.memory_space<hbm>> -> memref<1x40x128xi32, #tpu.memory_space<hbm>>
      %dma_start3A_32 = tpu.memref_squeeze %dma_start3A_31 : memref<1x40x128xi32, #tpu.memory_space<hbm>> -> memref<40x128xi32, #tpu.memory_space<hbm>>
      %dma_start3A_33 = arith.constant 0 : i32
      %dma_start3A_34 = arith.constant 0 : i32
      %dma_start3A_35 = tpu.memref_slice %arg2[%add3A_15, %dma_start3A_33, %dma_start3A_34] : memref<64x40x128xi32, #tpu.memory_space<hbm>> -> memref<1x40x128xi32, #tpu.memory_space<hbm>>
      %dma_start3A_36 = tpu.memref_squeeze %dma_start3A_35 : memref<1x40x128xi32, #tpu.memory_space<hbm>> -> memref<40x128xi32, #tpu.memory_space<hbm>>
      tpu.enqueue_dma source(%dma_start3A_36 : memref<40x128xi32, #tpu.memory_space<hbm>>) target(%arg7 : memref<40x128xi32, #tpu.memory_space<vmem>>) target_semaphore(%run_scoped3A : memref<!tpu.dma_semaphore, #tpu.memory_space<semaphore_mem>>)
      %dma_wait3A = arith.constant 0 : i32
      %dma_wait3A_37 = arith.constant 0 : i32
      %dma_wait3A_38 = tpu.memref_slice %arg2[%add3A_15, %dma_wait3A, %dma_wait3A_37] : memref<64x40x128xi32, #tpu.memory_space<hbm>> -> memref<1x40x128xi32, #tpu.memory_space<hbm>>
      %dma_wait3A_39 = tpu.memref_squeeze %dma_wait3A_38 : memref<1x40x128xi32, #tpu.memory_space<hbm>> -> memref<40x128xi32, #tpu.memory_space<hbm>>
      %dma_wait3A_40 = arith.constant 0 : i32
      %dma_wait3A_41 = arith.constant 0 : i32
      %dma_wait3A_42 = tpu.memref_slice %arg2[%add3A_15, %dma_wait3A_40, %dma_wait3A_41] : memref<64x40x128xi32, #tpu.memory_space<hbm>> -> memref<1x40x128xi32, #tpu.memory_space<hbm>>
      %dma_wait3A_43 = tpu.memref_squeeze %dma_wait3A_42 : memref<1x40x128xi32, #tpu.memory_space<hbm>> -> memref<40x128xi32, #tpu.memory_space<hbm>>
      tpu.wait_dma2 semaphore(%run_scoped3A : memref<!tpu.dma_semaphore, #tpu.memory_space<semaphore_mem>>) src(%dma_wait3A_43 : memref<40x128xi32, #tpu.memory_space<hbm>>) dst(%arg7 : memref<40x128xi32, #tpu.memory_space<vmem>>)
      tpu.yield
    }) : () -> ()
    %scan3A_16 = arith.constant 0 : i32
    %scan3A_17 = arith.constant 0 : i32
    %scan3A_18 = arith.constant 40 : i32
    %scan3A_19 = arith.addi %scan3A_17, %scan3A_18 : i32
    %scan3A_20 = arith.constant 1 : i32
    scf.for %scan3A_30 = %scan3A_17 to %scan3A_19 step %scan3A_20  : i32 {
      "tpu.region"() ({
        %run_scoped3A = tpu.sem_alloc : memref<!tpu.dma_semaphore, #tpu.memory_space<semaphore_mem>>
        %dma_start3A = arith.constant 0 : i32
        %dma_start3A_31 = tpu.memref_slice %arg7[%scan3A_30, %dma_start3A] : memref<40x128xi32, #tpu.memory_space<vmem>> -> memref<1x128xi32, #tpu.memory_space<vmem>>
        %dma_start3A_32 = tpu.memref_squeeze %dma_start3A_31 : memref<1x128xi32, #tpu.memory_space<vmem>> -> memref<128xi32, #tpu.memory_space<vmem>>
        %dma_start3A_33 = arith.constant 0 : i32
        %dma_start3A_34 = arith.constant 0 : i32
        %dma_start3A_35 = tpu.memref_slice %arg6[%dma_start3A_33, %dma_start3A_34] : memref<10112x128xf32, #tpu.memory_space<vmem_shared>> -> memref<10112x128xf32, #tpu.memory_space<vmem_shared>>
        tpu.enqueue_indirect_dma source(%arg8 : memref<128x128xf32, #tpu.memory_space<vmem>>) target(%dma_start3A_35 : memref<10112x128xf32, #tpu.memory_space<vmem_shared>>) offsets(%dma_start3A_32 : memref<128xi32, #tpu.memory_space<vmem>>) semaphore(%run_scoped3A : memref<!tpu.dma_semaphore, #tpu.memory_space<semaphore_mem>>) {add = true}
        %dma_wait3A = arith.constant 0 : i32
        %dma_wait3A_36 = tpu.memref_slice %arg7[%scan3A_30, %dma_wait3A] : memref<40x128xi32, #tpu.memory_space<vmem>> -> memref<1x128xi32, #tpu.memory_space<vmem>>
        %dma_wait3A_37 = tpu.memref_squeeze %dma_wait3A_36 : memref<1x128xi32, #tpu.memory_space<vmem>> -> memref<128xi32, #tpu.memory_space<vmem>>
        %dma_wait3A_38 = arith.constant 0 : i32
        %dma_wait3A_39 = arith.constant 0 : i32
        %dma_wait3A_40 = tpu.memref_slice %arg6[%dma_wait3A_38, %dma_wait3A_39] : memref<10112x128xf32, #tpu.memory_space<vmem_shared>> -> memref<10112x128xf32, #tpu.memory_space<vmem_shared>>
        tpu.wait_indirect_dma semaphore(%run_scoped3A : memref<!tpu.dma_semaphore, #tpu.memory_space<semaphore_mem>>) src(%arg8 : memref<128x128xf32, #tpu.memory_space<vmem>>) dst(%dma_wait3A_40 : memref<10112x128xf32, #tpu.memory_space<vmem_shared>>)
        tpu.yield
      }) : () -> ()
    }
    %scan3A_21 = arith.constant 40 : i32
    %barrier3A_22 = arith.constant 0 : index
    tpu.barrier barrier_id(%barrier3A_22)
    %mul3A_23 = arith.constant 632 : i32
    %mul3A_24 = arith.muli %arg1, %mul3A_23 : i32
    %mul3A_25 = arith.constant 10112 : i32
    %mul3A_26 = arith.muli %arg0, %mul3A_25 : i32
    %mul3A_27 = arith.constant 632 : i32
    %mul3A_28 = arith.muli %arg1, %mul3A_27 : i32
    %add3A_29 = arith.addi %mul3A_26, %mul3A_28 : i32
    "tpu.region"() ({
      %run_scoped3A = tpu.sem_alloc : memref<!tpu.dma_semaphore, #tpu.memory_space<semaphore_mem>>
      %dma_start3A = arith.constant 0 : i32
      %dma_start3A_30 = tpu.memref_slice %arg5[%add3A_29, %dma_start3A] : memref<20224x128xf32, #tpu.memory_space<hbm>> -> memref<632x128xf32, #tpu.memory_space<hbm>>
      %dma_start3A_31 = arith.constant 0 : i32
      %dma_start3A_32 = tpu.memref_slice %arg6[%mul3A_24, %dma_start3A_31] : memref<10112x128xf32, #tpu.memory_space<vmem_shared>> -> memref<632x128xf32, #tpu.memory_space<vmem_shared>>
      tpu.enqueue_dma source(%dma_start3A_32 : memref<632x128xf32, #tpu.memory_space<vmem_shared>>) target(%dma_start3A_30 : memref<632x128xf32, #tpu.memory_space<hbm>>) target_semaphore(%run_scoped3A : memref<!tpu.dma_semaphore, #tpu.memory_space<semaphore_mem>>)
      %dma_wait3A = arith.constant 0 : i32
      %dma_wait3A_33 = tpu.memref_slice %arg5[%add3A_29, %dma_wait3A] : memref<20224x128xf32, #tpu.memory_space<hbm>> -> memref<632x128xf32, #tpu.memory_space<hbm>>
      %dma_wait3A_34 = arith.constant 0 : i32
      %dma_wait3A_35 = tpu.memref_slice %arg6[%mul3A_24, %dma_wait3A_34] : memref<10112x128xf32, #tpu.memory_space<vmem_shared>> -> memref<632x128xf32, #tpu.memory_space<vmem_shared>>
      tpu.wait_dma2 semaphore(%run_scoped3A : memref<!tpu.dma_semaphore, #tpu.memory_space<semaphore_mem>>) src(%dma_wait3A_35 : memref<632x128xf32, #tpu.memory_space<vmem_shared>>) dst(%dma_wait3A_33 : memref<632x128xf32, #tpu.memory_space<hbm>>)
      tpu.yield
    }) : () -> ()
    return
  }
}

#map = affine_map<(d0, d1) -> (0, 0)>
#map1 = affine_map<(d0, d1) -> (0, 0, 0)>
module attributes {stable_mosaic.version = 14 : i64} {
  func.func @_hop_body(%arg0: i32, %arg1: i32, %arg2: memref<10112x128xf32, #tpu.memory_space<hbm>>, %arg3: memref<64x40x128xi32, #tpu.memory_space<hbm>>, %arg4: memref<64x40x128xi32, #tpu.memory_space<hbm>>, %arg5: memref<632x128xf32, #tpu.memory_space<hbm>>, %arg6: memref<20224x128xf32, #tpu.memory_space<hbm>>, %arg7: memref<10112x128xf32, #tpu.memory_space<vmem_shared>>, %arg8: memref<40x128xi32, #tpu.memory_space<vmem>>, %arg9: memref<40x128xi32, #tpu.memory_space<vmem>>, %arg10: memref<128x128xf32, #tpu.memory_space<vmem>>, %arg11: memref<!tpu.dma_semaphore, #tpu.memory_space<semaphore_mem>>) attributes {dimension_semantics = [#tpu.dimension_semantics<core_parallel>, #tpu.dimension_semantics<subcore_parallel>], iteration_bounds = array<i64: 2, 16>, scalar_prefetch = 0 : i64, scratch_operands = 5 : i64, tpu.core_type = #tpu.core_type<sc_vector_subcore>, window_params = [{transform_indices = #map}, {transform_indices = #map1}, {transform_indices = #map1}, {transform_indices = #map}, {transform_indices = #map}]} {
    %mul3A = arith.constant 16 : i32
    %mul3A_0 = arith.muli %arg0, %mul3A : i32
    %add3A = arith.addi %mul3A_0, %arg1 : i32
    %mul3A_1 = arith.constant 632 : i32
    %mul3A_2 = arith.muli %arg1, %mul3A_1 : i32
    "tpu.region"() ({
      %run_scoped3A = tpu.sem_alloc : memref<!tpu.dma_semaphore, #tpu.memory_space<semaphore_mem>>
      %dma_start3A = arith.constant 0 : i32
      %dma_start3A_38 = tpu.memref_slice %arg7[%mul3A_2, %dma_start3A] : memref<10112x128xf32, #tpu.memory_space<vmem_shared>> -> memref<632x128xf32, #tpu.memory_space<vmem_shared>>
      tpu.enqueue_dma source(%arg5 : memref<632x128xf32, #tpu.memory_space<hbm>>) target(%dma_start3A_38 : memref<632x128xf32, #tpu.memory_space<vmem_shared>>) target_semaphore(%run_scoped3A : memref<!tpu.dma_semaphore, #tpu.memory_space<semaphore_mem>>)
      %dma_wait3A = arith.constant 0 : i32
      %dma_wait3A_39 = tpu.memref_slice %arg7[%mul3A_2, %dma_wait3A] : memref<10112x128xf32, #tpu.memory_space<vmem_shared>> -> memref<632x128xf32, #tpu.memory_space<vmem_shared>>
      tpu.wait_dma2 semaphore(%run_scoped3A : memref<!tpu.dma_semaphore, #tpu.memory_space<semaphore_mem>>) src(%arg5 : memref<632x128xf32, #tpu.memory_space<hbm>>) dst(%dma_wait3A_39 : memref<632x128xf32, #tpu.memory_space<vmem_shared>>)
      tpu.yield
    }) : () -> ()
    %barrier3A = arith.constant 0 : index
    tpu.barrier barrier_id(%barrier3A)
    %mul3A_3 = arith.constant 2 : i32
    %mul3A_4 = arith.muli %mul3A_3, %add3A : i32
    %add3A_5 = arith.constant 0 : i32
    %add3A_6 = arith.addi %mul3A_4, %add3A_5 : i32
    "tpu.region"() ({
      %run_scoped3A = tpu.sem_alloc : memref<!tpu.dma_semaphore, #tpu.memory_space<semaphore_mem>>
      %dma_start3A = arith.constant 0 : i32
      %dma_start3A_38 = arith.constant 0 : i32
      %dma_start3A_39 = tpu.memref_slice %arg3[%add3A_6, %dma_start3A, %dma_start3A_38] : memref<64x40x128xi32, #tpu.memory_space<hbm>> -> memref<1x40x128xi32, #tpu.memory_space<hbm>>
      %dma_start3A_40 = tpu.memref_squeeze %dma_start3A_39 : memref<1x40x128xi32, #tpu.memory_space<hbm>> -> memref<40x128xi32, #tpu.memory_space<hbm>>
      %dma_start3A_41 = arith.constant 0 : i32
      %dma_start3A_42 = arith.constant 0 : i32
      %dma_start3A_43 = tpu.memref_slice %arg3[%add3A_6, %dma_start3A_41, %dma_start3A_42] : memref<64x40x128xi32, #tpu.memory_space<hbm>> -> memref<1x40x128xi32, #tpu.memory_space<hbm>>
      %dma_start3A_44 = tpu.memref_squeeze %dma_start3A_43 : memref<1x40x128xi32, #tpu.memory_space<hbm>> -> memref<40x128xi32, #tpu.memory_space<hbm>>
      tpu.enqueue_dma source(%dma_start3A_44 : memref<40x128xi32, #tpu.memory_space<hbm>>) target(%arg8 : memref<40x128xi32, #tpu.memory_space<vmem>>) target_semaphore(%run_scoped3A : memref<!tpu.dma_semaphore, #tpu.memory_space<semaphore_mem>>)
      %dma_wait3A = arith.constant 0 : i32
      %dma_wait3A_45 = arith.constant 0 : i32
      %dma_wait3A_46 = tpu.memref_slice %arg3[%add3A_6, %dma_wait3A, %dma_wait3A_45] : memref<64x40x128xi32, #tpu.memory_space<hbm>> -> memref<1x40x128xi32, #tpu.memory_space<hbm>>
      %dma_wait3A_47 = tpu.memref_squeeze %dma_wait3A_46 : memref<1x40x128xi32, #tpu.memory_space<hbm>> -> memref<40x128xi32, #tpu.memory_space<hbm>>
      %dma_wait3A_48 = arith.constant 0 : i32
      %dma_wait3A_49 = arith.constant 0 : i32
      %dma_wait3A_50 = tpu.memref_slice %arg3[%add3A_6, %dma_wait3A_48, %dma_wait3A_49] : memref<64x40x128xi32, #tpu.memory_space<hbm>> -> memref<1x40x128xi32, #tpu.memory_space<hbm>>
      %dma_wait3A_51 = tpu.memref_squeeze %dma_wait3A_50 : memref<1x40x128xi32, #tpu.memory_space<hbm>> -> memref<40x128xi32, #tpu.memory_space<hbm>>
      tpu.wait_dma2 semaphore(%run_scoped3A : memref<!tpu.dma_semaphore, #tpu.memory_space<semaphore_mem>>) src(%dma_wait3A_51 : memref<40x128xi32, #tpu.memory_space<hbm>>) dst(%arg8 : memref<40x128xi32, #tpu.memory_space<vmem>>)
      tpu.yield
    }) : () -> ()
    %mul3A_7 = arith.constant 2 : i32
    %mul3A_8 = arith.muli %mul3A_7, %add3A : i32
    %add3A_9 = arith.constant 0 : i32
    %add3A_10 = arith.addi %mul3A_8, %add3A_9 : i32
    "tpu.region"() ({
      %run_scoped3A = tpu.sem_alloc : memref<!tpu.dma_semaphore, #tpu.memory_space<semaphore_mem>>
      %dma_start3A = arith.constant 0 : i32
      %dma_start3A_38 = arith.constant 0 : i32
      %dma_start3A_39 = tpu.memref_slice %arg4[%add3A_10, %dma_start3A, %dma_start3A_38] : memref<64x40x128xi32, #tpu.memory_space<hbm>> -> memref<1x40x128xi32, #tpu.memory_space<hbm>>
      %dma_start3A_40 = tpu.memref_squeeze %dma_start3A_39 : memref<1x40x128xi32, #tpu.memory_space<hbm>> -> memref<40x128xi32, #tpu.memory_space<hbm>>
      %dma_start3A_41 = arith.constant 0 : i32
      %dma_start3A_42 = arith.constant 0 : i32
      %dma_start3A_43 = tpu.memref_slice %arg4[%add3A_10, %dma_start3A_41, %dma_start3A_42] : memref<64x40x128xi32, #tpu.memory_space<hbm>> -> memref<1x40x128xi32, #tpu.memory_space<hbm>>
      %dma_start3A_44 = tpu.memref_squeeze %dma_start3A_43 : memref<1x40x128xi32, #tpu.memory_space<hbm>> -> memref<40x128xi32, #tpu.memory_space<hbm>>
      tpu.enqueue_dma source(%dma_start3A_44 : memref<40x128xi32, #tpu.memory_space<hbm>>) target(%arg9 : memref<40x128xi32, #tpu.memory_space<vmem>>) target_semaphore(%run_scoped3A : memref<!tpu.dma_semaphore, #tpu.memory_space<semaphore_mem>>)
      %dma_wait3A = arith.constant 0 : i32
      %dma_wait3A_45 = arith.constant 0 : i32
      %dma_wait3A_46 = tpu.memref_slice %arg4[%add3A_10, %dma_wait3A, %dma_wait3A_45] : memref<64x40x128xi32, #tpu.memory_space<hbm>> -> memref<1x40x128xi32, #tpu.memory_space<hbm>>
      %dma_wait3A_47 = tpu.memref_squeeze %dma_wait3A_46 : memref<1x40x128xi32, #tpu.memory_space<hbm>> -> memref<40x128xi32, #tpu.memory_space<hbm>>
      %dma_wait3A_48 = arith.constant 0 : i32
      %dma_wait3A_49 = arith.constant 0 : i32
      %dma_wait3A_50 = tpu.memref_slice %arg4[%add3A_10, %dma_wait3A_48, %dma_wait3A_49] : memref<64x40x128xi32, #tpu.memory_space<hbm>> -> memref<1x40x128xi32, #tpu.memory_space<hbm>>
      %dma_wait3A_51 = tpu.memref_squeeze %dma_wait3A_50 : memref<1x40x128xi32, #tpu.memory_space<hbm>> -> memref<40x128xi32, #tpu.memory_space<hbm>>
      tpu.wait_dma2 semaphore(%run_scoped3A : memref<!tpu.dma_semaphore, #tpu.memory_space<semaphore_mem>>) src(%dma_wait3A_51 : memref<40x128xi32, #tpu.memory_space<hbm>>) dst(%arg9 : memref<40x128xi32, #tpu.memory_space<vmem>>)
      tpu.yield
    }) : () -> ()
    %scan3A = arith.constant 0 : i32
    %scan3A_11 = arith.constant 0 : i32
    %scan3A_12 = arith.constant 40 : i32
    %scan3A_13 = arith.addi %scan3A_11, %scan3A_12 : i32
    %scan3A_14 = arith.constant 1 : i32
    scf.for %scan3A_38 = %scan3A_11 to %scan3A_13 step %scan3A_14  : i32 {
      %dma_start3A = arith.constant 0 : i32
      %dma_start3A_39 = tpu.memref_slice %arg8[%scan3A_38, %dma_start3A] : memref<40x128xi32, #tpu.memory_space<vmem>> -> memref<1x128xi32, #tpu.memory_space<vmem>>
      %dma_start3A_40 = tpu.memref_squeeze %dma_start3A_39 : memref<1x128xi32, #tpu.memory_space<vmem>> -> memref<128xi32, #tpu.memory_space<vmem>>
      %dma_start3A_41 = arith.constant 0 : i32
      %dma_start3A_42 = arith.constant 0 : i32
      %dma_start3A_43 = tpu.memref_slice %arg2[%dma_start3A_41, %dma_start3A_42] : memref<10112x128xf32, #tpu.memory_space<hbm>> -> memref<10112x128xf32, #tpu.memory_space<hbm>>
      tpu.enqueue_indirect_dma source(%dma_start3A_43 : memref<10112x128xf32, #tpu.memory_space<hbm>>) target(%arg10 : memref<128x128xf32, #tpu.memory_space<vmem>>) offsets(%dma_start3A_40 : memref<128xi32, #tpu.memory_space<vmem>>) semaphore(%arg11 : memref<!tpu.dma_semaphore, #tpu.memory_space<semaphore_mem>>)
      %dma_wait3A = arith.constant 0 : i32
      %dma_wait3A_44 = tpu.memref_slice %arg8[%scan3A_38, %dma_wait3A] : memref<40x128xi32, #tpu.memory_space<vmem>> -> memref<1x128xi32, #tpu.memory_space<vmem>>
      %dma_wait3A_45 = tpu.memref_squeeze %dma_wait3A_44 : memref<1x128xi32, #tpu.memory_space<vmem>> -> memref<128xi32, #tpu.memory_space<vmem>>
      %dma_wait3A_46 = arith.constant 0 : i32
      %dma_wait3A_47 = arith.constant 0 : i32
      %dma_wait3A_48 = tpu.memref_slice %arg2[%dma_wait3A_46, %dma_wait3A_47] : memref<10112x128xf32, #tpu.memory_space<hbm>> -> memref<10112x128xf32, #tpu.memory_space<hbm>>
      tpu.wait_indirect_dma semaphore(%arg11 : memref<!tpu.dma_semaphore, #tpu.memory_space<semaphore_mem>>) src(%dma_wait3A_48 : memref<10112x128xf32, #tpu.memory_space<hbm>>) dst(%arg10 : memref<128x128xf32, #tpu.memory_space<vmem>>)
      "tpu.region"() ({
        %run_scoped3A = tpu.sem_alloc : memref<!tpu.dma_semaphore, #tpu.memory_space<semaphore_mem>>
        %dma_start3A_49 = arith.constant 0 : i32
        %dma_start3A_50 = tpu.memref_slice %arg9[%scan3A_38, %dma_start3A_49] : memref<40x128xi32, #tpu.memory_space<vmem>> -> memref<1x128xi32, #tpu.memory_space<vmem>>
        %dma_start3A_51 = tpu.memref_squeeze %dma_start3A_50 : memref<1x128xi32, #tpu.memory_space<vmem>> -> memref<128xi32, #tpu.memory_space<vmem>>
        %dma_start3A_52 = arith.constant 0 : i32
        %dma_start3A_53 = arith.constant 0 : i32
        %dma_start3A_54 = tpu.memref_slice %arg7[%dma_start3A_52, %dma_start3A_53] : memref<10112x128xf32, #tpu.memory_space<vmem_shared>> -> memref<10112x128xf32, #tpu.memory_space<vmem_shared>>
        tpu.enqueue_indirect_dma source(%arg10 : memref<128x128xf32, #tpu.memory_space<vmem>>) target(%dma_start3A_54 : memref<10112x128xf32, #tpu.memory_space<vmem_shared>>) offsets(%dma_start3A_51 : memref<128xi32, #tpu.memory_space<vmem>>) semaphore(%run_scoped3A : memref<!tpu.dma_semaphore, #tpu.memory_space<semaphore_mem>>) {add = true}
        %dma_wait3A_55 = arith.constant 0 : i32
        %dma_wait3A_56 = tpu.memref_slice %arg9[%scan3A_38, %dma_wait3A_55] : memref<40x128xi32, #tpu.memory_space<vmem>> -> memref<1x128xi32, #tpu.memory_space<vmem>>
        %dma_wait3A_57 = tpu.memref_squeeze %dma_wait3A_56 : memref<1x128xi32, #tpu.memory_space<vmem>> -> memref<128xi32, #tpu.memory_space<vmem>>
        %dma_wait3A_58 = arith.constant 0 : i32
        %dma_wait3A_59 = arith.constant 0 : i32
        %dma_wait3A_60 = tpu.memref_slice %arg7[%dma_wait3A_58, %dma_wait3A_59] : memref<10112x128xf32, #tpu.memory_space<vmem_shared>> -> memref<10112x128xf32, #tpu.memory_space<vmem_shared>>
        tpu.wait_indirect_dma semaphore(%run_scoped3A : memref<!tpu.dma_semaphore, #tpu.memory_space<semaphore_mem>>) src(%arg10 : memref<128x128xf32, #tpu.memory_space<vmem>>) dst(%dma_wait3A_60 : memref<10112x128xf32, #tpu.memory_space<vmem_shared>>)
        tpu.yield
      }) : () -> ()
    }
    %scan3A_15 = arith.constant 40 : i32
    %mul3A_16 = arith.constant 2 : i32
    %mul3A_17 = arith.muli %mul3A_16, %add3A : i32
    %add3A_18 = arith.constant 1 : i32
    %add3A_19 = arith.addi %mul3A_17, %add3A_18 : i32
    "tpu.region"() ({
      %run_scoped3A = tpu.sem_alloc : memref<!tpu.dma_semaphore, #tpu.memory_space<semaphore_mem>>
      %dma_start3A = arith.constant 0 : i32
      %dma_start3A_38 = arith.constant 0 : i32
      %dma_start3A_39 = tpu.memref_slice %arg3[%add3A_19, %dma_start3A, %dma_start3A_38] : memref<64x40x128xi32, #tpu.memory_space<hbm>> -> memref<1x40x128xi32, #tpu.memory_space<hbm>>
      %dma_start3A_40 = tpu.memref_squeeze %dma_start3A_39 : memref<1x40x128xi32, #tpu.memory_space<hbm>> -> memref<40x128xi32, #tpu.memory_space<hbm>>
      %dma_start3A_41 = arith.constant 0 : i32
      %dma_start3A_42 = arith.constant 0 : i32
      %dma_start3A_43 = tpu.memref_slice %arg3[%add3A_19, %dma_start3A_41, %dma_start3A_42] : memref<64x40x128xi32, #tpu.memory_space<hbm>> -> memref<1x40x128xi32, #tpu.memory_space<hbm>>
      %dma_start3A_44 = tpu.memref_squeeze %dma_start3A_43 : memref<1x40x128xi32, #tpu.memory_space<hbm>> -> memref<40x128xi32, #tpu.memory_space<hbm>>
      tpu.enqueue_dma source(%dma_start3A_44 : memref<40x128xi32, #tpu.memory_space<hbm>>) target(%arg8 : memref<40x128xi32, #tpu.memory_space<vmem>>) target_semaphore(%run_scoped3A : memref<!tpu.dma_semaphore, #tpu.memory_space<semaphore_mem>>)
      %dma_wait3A = arith.constant 0 : i32
      %dma_wait3A_45 = arith.constant 0 : i32
      %dma_wait3A_46 = tpu.memref_slice %arg3[%add3A_19, %dma_wait3A, %dma_wait3A_45] : memref<64x40x128xi32, #tpu.memory_space<hbm>> -> memref<1x40x128xi32, #tpu.memory_space<hbm>>
      %dma_wait3A_47 = tpu.memref_squeeze %dma_wait3A_46 : memref<1x40x128xi32, #tpu.memory_space<hbm>> -> memref<40x128xi32, #tpu.memory_space<hbm>>
      %dma_wait3A_48 = arith.constant 0 : i32
      %dma_wait3A_49 = arith.constant 0 : i32
      %dma_wait3A_50 = tpu.memref_slice %arg3[%add3A_19, %dma_wait3A_48, %dma_wait3A_49] : memref<64x40x128xi32, #tpu.memory_space<hbm>> -> memref<1x40x128xi32, #tpu.memory_space<hbm>>
      %dma_wait3A_51 = tpu.memref_squeeze %dma_wait3A_50 : memref<1x40x128xi32, #tpu.memory_space<hbm>> -> memref<40x128xi32, #tpu.memory_space<hbm>>
      tpu.wait_dma2 semaphore(%run_scoped3A : memref<!tpu.dma_semaphore, #tpu.memory_space<semaphore_mem>>) src(%dma_wait3A_51 : memref<40x128xi32, #tpu.memory_space<hbm>>) dst(%arg8 : memref<40x128xi32, #tpu.memory_space<vmem>>)
      tpu.yield
    }) : () -> ()
    %mul3A_20 = arith.constant 2 : i32
    %mul3A_21 = arith.muli %mul3A_20, %add3A : i32
    %add3A_22 = arith.constant 1 : i32
    %add3A_23 = arith.addi %mul3A_21, %add3A_22 : i32
    "tpu.region"() ({
      %run_scoped3A = tpu.sem_alloc : memref<!tpu.dma_semaphore, #tpu.memory_space<semaphore_mem>>
      %dma_start3A = arith.constant 0 : i32
      %dma_start3A_38 = arith.constant 0 : i32
      %dma_start3A_39 = tpu.memref_slice %arg4[%add3A_23, %dma_start3A, %dma_start3A_38] : memref<64x40x128xi32, #tpu.memory_space<hbm>> -> memref<1x40x128xi32, #tpu.memory_space<hbm>>
      %dma_start3A_40 = tpu.memref_squeeze %dma_start3A_39 : memref<1x40x128xi32, #tpu.memory_space<hbm>> -> memref<40x128xi32, #tpu.memory_space<hbm>>
      %dma_start3A_41 = arith.constant 0 : i32
      %dma_start3A_42 = arith.constant 0 : i32
      %dma_start3A_43 = tpu.memref_slice %arg4[%add3A_23, %dma_start3A_41, %dma_start3A_42] : memref<64x40x128xi32, #tpu.memory_space<hbm>> -> memref<1x40x128xi32, #tpu.memory_space<hbm>>
      %dma_start3A_44 = tpu.memref_squeeze %dma_start3A_43 : memref<1x40x128xi32, #tpu.memory_space<hbm>> -> memref<40x128xi32, #tpu.memory_space<hbm>>
      tpu.enqueue_dma source(%dma_start3A_44 : memref<40x128xi32, #tpu.memory_space<hbm>>) target(%arg9 : memref<40x128xi32, #tpu.memory_space<vmem>>) target_semaphore(%run_scoped3A : memref<!tpu.dma_semaphore, #tpu.memory_space<semaphore_mem>>)
      %dma_wait3A = arith.constant 0 : i32
      %dma_wait3A_45 = arith.constant 0 : i32
      %dma_wait3A_46 = tpu.memref_slice %arg4[%add3A_23, %dma_wait3A, %dma_wait3A_45] : memref<64x40x128xi32, #tpu.memory_space<hbm>> -> memref<1x40x128xi32, #tpu.memory_space<hbm>>
      %dma_wait3A_47 = tpu.memref_squeeze %dma_wait3A_46 : memref<1x40x128xi32, #tpu.memory_space<hbm>> -> memref<40x128xi32, #tpu.memory_space<hbm>>
      %dma_wait3A_48 = arith.constant 0 : i32
      %dma_wait3A_49 = arith.constant 0 : i32
      %dma_wait3A_50 = tpu.memref_slice %arg4[%add3A_23, %dma_wait3A_48, %dma_wait3A_49] : memref<64x40x128xi32, #tpu.memory_space<hbm>> -> memref<1x40x128xi32, #tpu.memory_space<hbm>>
      %dma_wait3A_51 = tpu.memref_squeeze %dma_wait3A_50 : memref<1x40x128xi32, #tpu.memory_space<hbm>> -> memref<40x128xi32, #tpu.memory_space<hbm>>
      tpu.wait_dma2 semaphore(%run_scoped3A : memref<!tpu.dma_semaphore, #tpu.memory_space<semaphore_mem>>) src(%dma_wait3A_51 : memref<40x128xi32, #tpu.memory_space<hbm>>) dst(%arg9 : memref<40x128xi32, #tpu.memory_space<vmem>>)
      tpu.yield
    }) : () -> ()
    %scan3A_24 = arith.constant 0 : i32
    %scan3A_25 = arith.constant 0 : i32
    %scan3A_26 = arith.constant 40 : i32
    %scan3A_27 = arith.addi %scan3A_25, %scan3A_26 : i32
    %scan3A_28 = arith.constant 1 : i32
    scf.for %scan3A_38 = %scan3A_25 to %scan3A_27 step %scan3A_28  : i32 {
      %dma_start3A = arith.constant 0 : i32
      %dma_start3A_39 = tpu.memref_slice %arg8[%scan3A_38, %dma_start3A] : memref<40x128xi32, #tpu.memory_space<vmem>> -> memref<1x128xi32, #tpu.memory_space<vmem>>
      %dma_start3A_40 = tpu.memref_squeeze %dma_start3A_39 : memref<1x128xi32, #tpu.memory_space<vmem>> -> memref<128xi32, #tpu.memory_space<vmem>>
      %dma_start3A_41 = arith.constant 0 : i32
      %dma_start3A_42 = arith.constant 0 : i32
      %dma_start3A_43 = tpu.memref_slice %arg2[%dma_start3A_41, %dma_start3A_42] : memref<10112x128xf32, #tpu.memory_space<hbm>> -> memref<10112x128xf32, #tpu.memory_space<hbm>>
      tpu.enqueue_indirect_dma source(%dma_start3A_43 : memref<10112x128xf32, #tpu.memory_space<hbm>>) target(%arg10 : memref<128x128xf32, #tpu.memory_space<vmem>>) offsets(%dma_start3A_40 : memref<128xi32, #tpu.memory_space<vmem>>) semaphore(%arg11 : memref<!tpu.dma_semaphore, #tpu.memory_space<semaphore_mem>>)
      %dma_wait3A = arith.constant 0 : i32
      %dma_wait3A_44 = tpu.memref_slice %arg8[%scan3A_38, %dma_wait3A] : memref<40x128xi32, #tpu.memory_space<vmem>> -> memref<1x128xi32, #tpu.memory_space<vmem>>
      %dma_wait3A_45 = tpu.memref_squeeze %dma_wait3A_44 : memref<1x128xi32, #tpu.memory_space<vmem>> -> memref<128xi32, #tpu.memory_space<vmem>>
      %dma_wait3A_46 = arith.constant 0 : i32
      %dma_wait3A_47 = arith.constant 0 : i32
      %dma_wait3A_48 = tpu.memref_slice %arg2[%dma_wait3A_46, %dma_wait3A_47] : memref<10112x128xf32, #tpu.memory_space<hbm>> -> memref<10112x128xf32, #tpu.memory_space<hbm>>
      tpu.wait_indirect_dma semaphore(%arg11 : memref<!tpu.dma_semaphore, #tpu.memory_space<semaphore_mem>>) src(%dma_wait3A_48 : memref<10112x128xf32, #tpu.memory_space<hbm>>) dst(%arg10 : memref<128x128xf32, #tpu.memory_space<vmem>>)
      "tpu.region"() ({
        %run_scoped3A = tpu.sem_alloc : memref<!tpu.dma_semaphore, #tpu.memory_space<semaphore_mem>>
        %dma_start3A_49 = arith.constant 0 : i32
        %dma_start3A_50 = tpu.memref_slice %arg9[%scan3A_38, %dma_start3A_49] : memref<40x128xi32, #tpu.memory_space<vmem>> -> memref<1x128xi32, #tpu.memory_space<vmem>>
        %dma_start3A_51 = tpu.memref_squeeze %dma_start3A_50 : memref<1x128xi32, #tpu.memory_space<vmem>> -> memref<128xi32, #tpu.memory_space<vmem>>
        %dma_start3A_52 = arith.constant 0 : i32
        %dma_start3A_53 = arith.constant 0 : i32
        %dma_start3A_54 = tpu.memref_slice %arg7[%dma_start3A_52, %dma_start3A_53] : memref<10112x128xf32, #tpu.memory_space<vmem_shared>> -> memref<10112x128xf32, #tpu.memory_space<vmem_shared>>
        tpu.enqueue_indirect_dma source(%arg10 : memref<128x128xf32, #tpu.memory_space<vmem>>) target(%dma_start3A_54 : memref<10112x128xf32, #tpu.memory_space<vmem_shared>>) offsets(%dma_start3A_51 : memref<128xi32, #tpu.memory_space<vmem>>) semaphore(%run_scoped3A : memref<!tpu.dma_semaphore, #tpu.memory_space<semaphore_mem>>) {add = true}
        %dma_wait3A_55 = arith.constant 0 : i32
        %dma_wait3A_56 = tpu.memref_slice %arg9[%scan3A_38, %dma_wait3A_55] : memref<40x128xi32, #tpu.memory_space<vmem>> -> memref<1x128xi32, #tpu.memory_space<vmem>>
        %dma_wait3A_57 = tpu.memref_squeeze %dma_wait3A_56 : memref<1x128xi32, #tpu.memory_space<vmem>> -> memref<128xi32, #tpu.memory_space<vmem>>
        %dma_wait3A_58 = arith.constant 0 : i32
        %dma_wait3A_59 = arith.constant 0 : i32
        %dma_wait3A_60 = tpu.memref_slice %arg7[%dma_wait3A_58, %dma_wait3A_59] : memref<10112x128xf32, #tpu.memory_space<vmem_shared>> -> memref<10112x128xf32, #tpu.memory_space<vmem_shared>>
        tpu.wait_indirect_dma semaphore(%run_scoped3A : memref<!tpu.dma_semaphore, #tpu.memory_space<semaphore_mem>>) src(%arg10 : memref<128x128xf32, #tpu.memory_space<vmem>>) dst(%dma_wait3A_60 : memref<10112x128xf32, #tpu.memory_space<vmem_shared>>)
        tpu.yield
      }) : () -> ()
    }
    %scan3A_29 = arith.constant 40 : i32
    %barrier3A_30 = arith.constant 0 : index
    tpu.barrier barrier_id(%barrier3A_30)
    %mul3A_31 = arith.constant 632 : i32
    %mul3A_32 = arith.muli %arg1, %mul3A_31 : i32
    %mul3A_33 = arith.constant 10112 : i32
    %mul3A_34 = arith.muli %arg0, %mul3A_33 : i32
    %mul3A_35 = arith.constant 632 : i32
    %mul3A_36 = arith.muli %arg1, %mul3A_35 : i32
    %add3A_37 = arith.addi %mul3A_34, %mul3A_36 : i32
    "tpu.region"() ({
      %run_scoped3A = tpu.sem_alloc : memref<!tpu.dma_semaphore, #tpu.memory_space<semaphore_mem>>
      %dma_start3A = arith.constant 0 : i32
      %dma_start3A_38 = tpu.memref_slice %arg6[%add3A_37, %dma_start3A] : memref<20224x128xf32, #tpu.memory_space<hbm>> -> memref<632x128xf32, #tpu.memory_space<hbm>>
      %dma_start3A_39 = arith.constant 0 : i32
      %dma_start3A_40 = tpu.memref_slice %arg7[%mul3A_32, %dma_start3A_39] : memref<10112x128xf32, #tpu.memory_space<vmem_shared>> -> memref<632x128xf32, #tpu.memory_space<vmem_shared>>
      tpu.enqueue_dma source(%dma_start3A_40 : memref<632x128xf32, #tpu.memory_space<vmem_shared>>) target(%dma_start3A_38 : memref<632x128xf32, #tpu.memory_space<hbm>>) target_semaphore(%run_scoped3A : memref<!tpu.dma_semaphore, #tpu.memory_space<semaphore_mem>>)
      %dma_wait3A = arith.constant 0 : i32
      %dma_wait3A_41 = tpu.memref_slice %arg6[%add3A_37, %dma_wait3A] : memref<20224x128xf32, #tpu.memory_space<hbm>> -> memref<632x128xf32, #tpu.memory_space<hbm>>
      %dma_wait3A_42 = arith.constant 0 : i32
      %dma_wait3A_43 = tpu.memref_slice %arg7[%mul3A_32, %dma_wait3A_42] : memref<10112x128xf32, #tpu.memory_space<vmem_shared>> -> memref<632x128xf32, #tpu.memory_space<vmem_shared>>
      tpu.wait_dma2 semaphore(%run_scoped3A : memref<!tpu.dma_semaphore, #tpu.memory_space<semaphore_mem>>) src(%dma_wait3A_43 : memref<632x128xf32, #tpu.memory_space<vmem_shared>>) dst(%dma_wait3A_41 : memref<632x128xf32, #tpu.memory_space<hbm>>)
      tpu.yield
    }) : () -> ()
    return
  }
}

#map = affine_map<(d0, d1) -> (0, 0)>
#map1 = affine_map<(d0, d1) -> (0, 0, 0)>
module attributes {stable_mosaic.version = 14 : i64} {
  func.func @_hop_body(%arg0: i32, %arg1: i32, %arg2: memref<10112x128xf32, #tpu.memory_space<hbm>>, %arg3: memref<64x40x128xi32, #tpu.memory_space<hbm>>, %arg4: memref<64x40x128xi32, #tpu.memory_space<hbm>>, %arg5: memref<632x128xf32, #tpu.memory_space<hbm>>, %arg6: memref<20224x128xf32, #tpu.memory_space<hbm>>, %arg7: memref<10112x128xf32, #tpu.memory_space<vmem_shared>>, %arg8: memref<40x128xi32, #tpu.memory_space<vmem>>, %arg9: memref<40x128xi32, #tpu.memory_space<vmem>>, %arg10: memref<128x128xf32, #tpu.memory_space<vmem>>, %arg11: memref<!tpu.dma_semaphore, #tpu.memory_space<semaphore_mem>>) attributes {dimension_semantics = [#tpu.dimension_semantics<core_parallel>, #tpu.dimension_semantics<subcore_parallel>], iteration_bounds = array<i64: 2, 16>, scalar_prefetch = 0 : i64, scratch_operands = 5 : i64, tpu.core_type = #tpu.core_type<sc_vector_subcore>, window_params = [{transform_indices = #map}, {transform_indices = #map1}, {transform_indices = #map1}, {transform_indices = #map}, {transform_indices = #map}]} {
    %mul3A = arith.constant 16 : i32
    %mul3A_0 = arith.muli %arg0, %mul3A : i32
    %add3A = arith.addi %mul3A_0, %arg1 : i32
    %mul3A_1 = arith.constant 632 : i32
    %mul3A_2 = arith.muli %arg1, %mul3A_1 : i32
    "tpu.region"() ({
      %run_scoped3A = tpu.sem_alloc : memref<!tpu.dma_semaphore, #tpu.memory_space<semaphore_mem>>
      %dma_start3A = arith.constant 0 : i32
      %dma_start3A_38 = tpu.memref_slice %arg7[%mul3A_2, %dma_start3A] : memref<10112x128xf32, #tpu.memory_space<vmem_shared>> -> memref<632x128xf32, #tpu.memory_space<vmem_shared>>
      tpu.enqueue_dma source(%arg5 : memref<632x128xf32, #tpu.memory_space<hbm>>) target(%dma_start3A_38 : memref<632x128xf32, #tpu.memory_space<vmem_shared>>) target_semaphore(%run_scoped3A : memref<!tpu.dma_semaphore, #tpu.memory_space<semaphore_mem>>)
      %dma_wait3A = arith.constant 0 : i32
      %dma_wait3A_39 = tpu.memref_slice %arg7[%mul3A_2, %dma_wait3A] : memref<10112x128xf32, #tpu.memory_space<vmem_shared>> -> memref<632x128xf32, #tpu.memory_space<vmem_shared>>
      tpu.wait_dma2 semaphore(%run_scoped3A : memref<!tpu.dma_semaphore, #tpu.memory_space<semaphore_mem>>) src(%arg5 : memref<632x128xf32, #tpu.memory_space<hbm>>) dst(%dma_wait3A_39 : memref<632x128xf32, #tpu.memory_space<vmem_shared>>)
      tpu.yield
    }) : () -> ()
    %barrier3A = arith.constant 0 : index
    tpu.barrier barrier_id(%barrier3A)
    %mul3A_3 = arith.constant 2 : i32
    %mul3A_4 = arith.muli %mul3A_3, %add3A : i32
    %add3A_5 = arith.constant 0 : i32
    %add3A_6 = arith.addi %mul3A_4, %add3A_5 : i32
    "tpu.region"() ({
      %run_scoped3A = tpu.sem_alloc : memref<!tpu.dma_semaphore, #tpu.memory_space<semaphore_mem>>
      %dma_start3A = arith.constant 0 : i32
      %dma_start3A_38 = arith.constant 0 : i32
      %dma_start3A_39 = tpu.memref_slice %arg3[%add3A_6, %dma_start3A, %dma_start3A_38] : memref<64x40x128xi32, #tpu.memory_space<hbm>> -> memref<1x40x128xi32, #tpu.memory_space<hbm>>
      %dma_start3A_40 = tpu.memref_squeeze %dma_start3A_39 : memref<1x40x128xi32, #tpu.memory_space<hbm>> -> memref<40x128xi32, #tpu.memory_space<hbm>>
      %dma_start3A_41 = arith.constant 0 : i32
      %dma_start3A_42 = arith.constant 0 : i32
      %dma_start3A_43 = tpu.memref_slice %arg3[%add3A_6, %dma_start3A_41, %dma_start3A_42] : memref<64x40x128xi32, #tpu.memory_space<hbm>> -> memref<1x40x128xi32, #tpu.memory_space<hbm>>
      %dma_start3A_44 = tpu.memref_squeeze %dma_start3A_43 : memref<1x40x128xi32, #tpu.memory_space<hbm>> -> memref<40x128xi32, #tpu.memory_space<hbm>>
      tpu.enqueue_dma source(%dma_start3A_44 : memref<40x128xi32, #tpu.memory_space<hbm>>) target(%arg8 : memref<40x128xi32, #tpu.memory_space<vmem>>) target_semaphore(%run_scoped3A : memref<!tpu.dma_semaphore, #tpu.memory_space<semaphore_mem>>)
      %dma_wait3A = arith.constant 0 : i32
      %dma_wait3A_45 = arith.constant 0 : i32
      %dma_wait3A_46 = tpu.memref_slice %arg3[%add3A_6, %dma_wait3A, %dma_wait3A_45] : memref<64x40x128xi32, #tpu.memory_space<hbm>> -> memref<1x40x128xi32, #tpu.memory_space<hbm>>
      %dma_wait3A_47 = tpu.memref_squeeze %dma_wait3A_46 : memref<1x40x128xi32, #tpu.memory_space<hbm>> -> memref<40x128xi32, #tpu.memory_space<hbm>>
      %dma_wait3A_48 = arith.constant 0 : i32
      %dma_wait3A_49 = arith.constant 0 : i32
      %dma_wait3A_50 = tpu.memref_slice %arg3[%add3A_6, %dma_wait3A_48, %dma_wait3A_49] : memref<64x40x128xi32, #tpu.memory_space<hbm>> -> memref<1x40x128xi32, #tpu.memory_space<hbm>>
      %dma_wait3A_51 = tpu.memref_squeeze %dma_wait3A_50 : memref<1x40x128xi32, #tpu.memory_space<hbm>> -> memref<40x128xi32, #tpu.memory_space<hbm>>
      tpu.wait_dma2 semaphore(%run_scoped3A : memref<!tpu.dma_semaphore, #tpu.memory_space<semaphore_mem>>) src(%dma_wait3A_51 : memref<40x128xi32, #tpu.memory_space<hbm>>) dst(%arg8 : memref<40x128xi32, #tpu.memory_space<vmem>>)
      tpu.yield
    }) : () -> ()
    %mul3A_7 = arith.constant 2 : i32
    %mul3A_8 = arith.muli %mul3A_7, %add3A : i32
    %add3A_9 = arith.constant 0 : i32
    %add3A_10 = arith.addi %mul3A_8, %add3A_9 : i32
    "tpu.region"() ({
      %run_scoped3A = tpu.sem_alloc : memref<!tpu.dma_semaphore, #tpu.memory_space<semaphore_mem>>
      %dma_start3A = arith.constant 0 : i32
      %dma_start3A_38 = arith.constant 0 : i32
      %dma_start3A_39 = tpu.memref_slice %arg4[%add3A_10, %dma_start3A, %dma_start3A_38] : memref<64x40x128xi32, #tpu.memory_space<hbm>> -> memref<1x40x128xi32, #tpu.memory_space<hbm>>
      %dma_start3A_40 = tpu.memref_squeeze %dma_start3A_39 : memref<1x40x128xi32, #tpu.memory_space<hbm>> -> memref<40x128xi32, #tpu.memory_space<hbm>>
      %dma_start3A_41 = arith.constant 0 : i32
      %dma_start3A_42 = arith.constant 0 : i32
      %dma_start3A_43 = tpu.memref_slice %arg4[%add3A_10, %dma_start3A_41, %dma_start3A_42] : memref<64x40x128xi32, #tpu.memory_space<hbm>> -> memref<1x40x128xi32, #tpu.memory_space<hbm>>
      %dma_start3A_44 = tpu.memref_squeeze %dma_start3A_43 : memref<1x40x128xi32, #tpu.memory_space<hbm>> -> memref<40x128xi32, #tpu.memory_space<hbm>>
      tpu.enqueue_dma source(%dma_start3A_44 : memref<40x128xi32, #tpu.memory_space<hbm>>) target(%arg9 : memref<40x128xi32, #tpu.memory_space<vmem>>) target_semaphore(%run_scoped3A : memref<!tpu.dma_semaphore, #tpu.memory_space<semaphore_mem>>)
      %dma_wait3A = arith.constant 0 : i32
      %dma_wait3A_45 = arith.constant 0 : i32
      %dma_wait3A_46 = tpu.memref_slice %arg4[%add3A_10, %dma_wait3A, %dma_wait3A_45] : memref<64x40x128xi32, #tpu.memory_space<hbm>> -> memref<1x40x128xi32, #tpu.memory_space<hbm>>
      %dma_wait3A_47 = tpu.memref_squeeze %dma_wait3A_46 : memref<1x40x128xi32, #tpu.memory_space<hbm>> -> memref<40x128xi32, #tpu.memory_space<hbm>>
      %dma_wait3A_48 = arith.constant 0 : i32
      %dma_wait3A_49 = arith.constant 0 : i32
      %dma_wait3A_50 = tpu.memref_slice %arg4[%add3A_10, %dma_wait3A_48, %dma_wait3A_49] : memref<64x40x128xi32, #tpu.memory_space<hbm>> -> memref<1x40x128xi32, #tpu.memory_space<hbm>>
      %dma_wait3A_51 = tpu.memref_squeeze %dma_wait3A_50 : memref<1x40x128xi32, #tpu.memory_space<hbm>> -> memref<40x128xi32, #tpu.memory_space<hbm>>
      tpu.wait_dma2 semaphore(%run_scoped3A : memref<!tpu.dma_semaphore, #tpu.memory_space<semaphore_mem>>) src(%dma_wait3A_51 : memref<40x128xi32, #tpu.memory_space<hbm>>) dst(%arg9 : memref<40x128xi32, #tpu.memory_space<vmem>>)
      tpu.yield
    }) : () -> ()
    %scan3A = arith.constant 0 : i32
    %scan3A_11 = arith.constant 0 : i32
    %scan3A_12 = arith.constant 40 : i32
    %scan3A_13 = arith.addi %scan3A_11, %scan3A_12 : i32
    %scan3A_14 = arith.constant 1 : i32
    scf.for %scan3A_38 = %scan3A_11 to %scan3A_13 step %scan3A_14  : i32 {
      %dma_start3A = arith.constant 0 : i32
      %dma_start3A_39 = tpu.memref_slice %arg8[%scan3A_38, %dma_start3A] : memref<40x128xi32, #tpu.memory_space<vmem>> -> memref<1x128xi32, #tpu.memory_space<vmem>>
      %dma_start3A_40 = tpu.memref_squeeze %dma_start3A_39 : memref<1x128xi32, #tpu.memory_space<vmem>> -> memref<128xi32, #tpu.memory_space<vmem>>
      %dma_start3A_41 = arith.constant 0 : i32
      %dma_start3A_42 = arith.constant 0 : i32
      %dma_start3A_43 = tpu.memref_slice %arg2[%dma_start3A_41, %dma_start3A_42] : memref<10112x128xf32, #tpu.memory_space<hbm>> -> memref<10112x128xf32, #tpu.memory_space<hbm>>
      tpu.enqueue_indirect_dma source(%dma_start3A_43 : memref<10112x128xf32, #tpu.memory_space<hbm>>) target(%arg10 : memref<128x128xf32, #tpu.memory_space<vmem>>) offsets(%dma_start3A_40 : memref<128xi32, #tpu.memory_space<vmem>>) semaphore(%arg11 : memref<!tpu.dma_semaphore, #tpu.memory_space<semaphore_mem>>)
      %dma_wait3A = arith.constant 0 : i32
      %dma_wait3A_44 = tpu.memref_slice %arg8[%scan3A_38, %dma_wait3A] : memref<40x128xi32, #tpu.memory_space<vmem>> -> memref<1x128xi32, #tpu.memory_space<vmem>>
      %dma_wait3A_45 = tpu.memref_squeeze %dma_wait3A_44 : memref<1x128xi32, #tpu.memory_space<vmem>> -> memref<128xi32, #tpu.memory_space<vmem>>
      %dma_wait3A_46 = arith.constant 0 : i32
      %dma_wait3A_47 = arith.constant 0 : i32
      %dma_wait3A_48 = tpu.memref_slice %arg2[%dma_wait3A_46, %dma_wait3A_47] : memref<10112x128xf32, #tpu.memory_space<hbm>> -> memref<10112x128xf32, #tpu.memory_space<hbm>>
      tpu.wait_indirect_dma semaphore(%arg11 : memref<!tpu.dma_semaphore, #tpu.memory_space<semaphore_mem>>) src(%dma_wait3A_48 : memref<10112x128xf32, #tpu.memory_space<hbm>>) dst(%arg10 : memref<128x128xf32, #tpu.memory_space<vmem>>)
      "tpu.region"() ({
        %run_scoped3A = tpu.sem_alloc : memref<!tpu.dma_semaphore, #tpu.memory_space<semaphore_mem>>
        %dma_start3A_49 = arith.constant 0 : i32
        %dma_start3A_50 = tpu.memref_slice %arg9[%scan3A_38, %dma_start3A_49] : memref<40x128xi32, #tpu.memory_space<vmem>> -> memref<1x128xi32, #tpu.memory_space<vmem>>
        %dma_start3A_51 = tpu.memref_squeeze %dma_start3A_50 : memref<1x128xi32, #tpu.memory_space<vmem>> -> memref<128xi32, #tpu.memory_space<vmem>>
        %dma_start3A_52 = arith.constant 0 : i32
        %dma_start3A_53 = arith.constant 0 : i32
        %dma_start3A_54 = tpu.memref_slice %arg7[%dma_start3A_52, %dma_start3A_53] : memref<10112x128xf32, #tpu.memory_space<vmem_shared>> -> memref<10112x128xf32, #tpu.memory_space<vmem_shared>>
        tpu.enqueue_indirect_dma source(%arg10 : memref<128x128xf32, #tpu.memory_space<vmem>>) target(%dma_start3A_54 : memref<10112x128xf32, #tpu.memory_space<vmem_shared>>) offsets(%dma_start3A_51 : memref<128xi32, #tpu.memory_space<vmem>>) semaphore(%run_scoped3A : memref<!tpu.dma_semaphore, #tpu.memory_space<semaphore_mem>>) {add = true}
        %dma_wait3A_55 = arith.constant 0 : i32
        %dma_wait3A_56 = tpu.memref_slice %arg9[%scan3A_38, %dma_wait3A_55] : memref<40x128xi32, #tpu.memory_space<vmem>> -> memref<1x128xi32, #tpu.memory_space<vmem>>
        %dma_wait3A_57 = tpu.memref_squeeze %dma_wait3A_56 : memref<1x128xi32, #tpu.memory_space<vmem>> -> memref<128xi32, #tpu.memory_space<vmem>>
        %dma_wait3A_58 = arith.constant 0 : i32
        %dma_wait3A_59 = arith.constant 0 : i32
        %dma_wait3A_60 = tpu.memref_slice %arg7[%dma_wait3A_58, %dma_wait3A_59] : memref<10112x128xf32, #tpu.memory_space<vmem_shared>> -> memref<10112x128xf32, #tpu.memory_space<vmem_shared>>
        tpu.wait_indirect_dma semaphore(%run_scoped3A : memref<!tpu.dma_semaphore, #tpu.memory_space<semaphore_mem>>) src(%arg10 : memref<128x128xf32, #tpu.memory_space<vmem>>) dst(%dma_wait3A_60 : memref<10112x128xf32, #tpu.memory_space<vmem_shared>>)
        tpu.yield
      }) : () -> ()
    }
    %scan3A_15 = arith.constant 40 : i32
    %mul3A_16 = arith.constant 2 : i32
    %mul3A_17 = arith.muli %mul3A_16, %add3A : i32
    %add3A_18 = arith.constant 1 : i32
    %add3A_19 = arith.addi %mul3A_17, %add3A_18 : i32
    "tpu.region"() ({
      %run_scoped3A = tpu.sem_alloc : memref<!tpu.dma_semaphore, #tpu.memory_space<semaphore_mem>>
      %dma_start3A = arith.constant 0 : i32
      %dma_start3A_38 = arith.constant 0 : i32
      %dma_start3A_39 = tpu.memref_slice %arg3[%add3A_19, %dma_start3A, %dma_start3A_38] : memref<64x40x128xi32, #tpu.memory_space<hbm>> -> memref<1x40x128xi32, #tpu.memory_space<hbm>>
      %dma_start3A_40 = tpu.memref_squeeze %dma_start3A_39 : memref<1x40x128xi32, #tpu.memory_space<hbm>> -> memref<40x128xi32, #tpu.memory_space<hbm>>
      %dma_start3A_41 = arith.constant 0 : i32
      %dma_start3A_42 = arith.constant 0 : i32
      %dma_start3A_43 = tpu.memref_slice %arg3[%add3A_19, %dma_start3A_41, %dma_start3A_42] : memref<64x40x128xi32, #tpu.memory_space<hbm>> -> memref<1x40x128xi32, #tpu.memory_space<hbm>>
      %dma_start3A_44 = tpu.memref_squeeze %dma_start3A_43 : memref<1x40x128xi32, #tpu.memory_space<hbm>> -> memref<40x128xi32, #tpu.memory_space<hbm>>
      tpu.enqueue_dma source(%dma_start3A_44 : memref<40x128xi32, #tpu.memory_space<hbm>>) target(%arg8 : memref<40x128xi32, #tpu.memory_space<vmem>>) target_semaphore(%run_scoped3A : memref<!tpu.dma_semaphore, #tpu.memory_space<semaphore_mem>>)
      %dma_wait3A = arith.constant 0 : i32
      %dma_wait3A_45 = arith.constant 0 : i32
      %dma_wait3A_46 = tpu.memref_slice %arg3[%add3A_19, %dma_wait3A, %dma_wait3A_45] : memref<64x40x128xi32, #tpu.memory_space<hbm>> -> memref<1x40x128xi32, #tpu.memory_space<hbm>>
      %dma_wait3A_47 = tpu.memref_squeeze %dma_wait3A_46 : memref<1x40x128xi32, #tpu.memory_space<hbm>> -> memref<40x128xi32, #tpu.memory_space<hbm>>
      %dma_wait3A_48 = arith.constant 0 : i32
      %dma_wait3A_49 = arith.constant 0 : i32
      %dma_wait3A_50 = tpu.memref_slice %arg3[%add3A_19, %dma_wait3A_48, %dma_wait3A_49] : memref<64x40x128xi32, #tpu.memory_space<hbm>> -> memref<1x40x128xi32, #tpu.memory_space<hbm>>
      %dma_wait3A_51 = tpu.memref_squeeze %dma_wait3A_50 : memref<1x40x128xi32, #tpu.memory_space<hbm>> -> memref<40x128xi32, #tpu.memory_space<hbm>>
      tpu.wait_dma2 semaphore(%run_scoped3A : memref<!tpu.dma_semaphore, #tpu.memory_space<semaphore_mem>>) src(%dma_wait3A_51 : memref<40x128xi32, #tpu.memory_space<hbm>>) dst(%arg8 : memref<40x128xi32, #tpu.memory_space<vmem>>)
      tpu.yield
    }) : () -> ()
    %mul3A_20 = arith.constant 2 : i32
    %mul3A_21 = arith.muli %mul3A_20, %add3A : i32
    %add3A_22 = arith.constant 1 : i32
    %add3A_23 = arith.addi %mul3A_21, %add3A_22 : i32
    "tpu.region"() ({
      %run_scoped3A = tpu.sem_alloc : memref<!tpu.dma_semaphore, #tpu.memory_space<semaphore_mem>>
      %dma_start3A = arith.constant 0 : i32
      %dma_start3A_38 = arith.constant 0 : i32
      %dma_start3A_39 = tpu.memref_slice %arg4[%add3A_23, %dma_start3A, %dma_start3A_38] : memref<64x40x128xi32, #tpu.memory_space<hbm>> -> memref<1x40x128xi32, #tpu.memory_space<hbm>>
      %dma_start3A_40 = tpu.memref_squeeze %dma_start3A_39 : memref<1x40x128xi32, #tpu.memory_space<hbm>> -> memref<40x128xi32, #tpu.memory_space<hbm>>
      %dma_start3A_41 = arith.constant 0 : i32
      %dma_start3A_42 = arith.constant 0 : i32
      %dma_start3A_43 = tpu.memref_slice %arg4[%add3A_23, %dma_start3A_41, %dma_start3A_42] : memref<64x40x128xi32, #tpu.memory_space<hbm>> -> memref<1x40x128xi32, #tpu.memory_space<hbm>>
      %dma_start3A_44 = tpu.memref_squeeze %dma_start3A_43 : memref<1x40x128xi32, #tpu.memory_space<hbm>> -> memref<40x128xi32, #tpu.memory_space<hbm>>
      tpu.enqueue_dma source(%dma_start3A_44 : memref<40x128xi32, #tpu.memory_space<hbm>>) target(%arg9 : memref<40x128xi32, #tpu.memory_space<vmem>>) target_semaphore(%run_scoped3A : memref<!tpu.dma_semaphore, #tpu.memory_space<semaphore_mem>>)
      %dma_wait3A = arith.constant 0 : i32
      %dma_wait3A_45 = arith.constant 0 : i32
      %dma_wait3A_46 = tpu.memref_slice %arg4[%add3A_23, %dma_wait3A, %dma_wait3A_45] : memref<64x40x128xi32, #tpu.memory_space<hbm>> -> memref<1x40x128xi32, #tpu.memory_space<hbm>>
      %dma_wait3A_47 = tpu.memref_squeeze %dma_wait3A_46 : memref<1x40x128xi32, #tpu.memory_space<hbm>> -> memref<40x128xi32, #tpu.memory_space<hbm>>
      %dma_wait3A_48 = arith.constant 0 : i32
      %dma_wait3A_49 = arith.constant 0 : i32
      %dma_wait3A_50 = tpu.memref_slice %arg4[%add3A_23, %dma_wait3A_48, %dma_wait3A_49] : memref<64x40x128xi32, #tpu.memory_space<hbm>> -> memref<1x40x128xi32, #tpu.memory_space<hbm>>
      %dma_wait3A_51 = tpu.memref_squeeze %dma_wait3A_50 : memref<1x40x128xi32, #tpu.memory_space<hbm>> -> memref<40x128xi32, #tpu.memory_space<hbm>>
      tpu.wait_dma2 semaphore(%run_scoped3A : memref<!tpu.dma_semaphore, #tpu.memory_space<semaphore_mem>>) src(%dma_wait3A_51 : memref<40x128xi32, #tpu.memory_space<hbm>>) dst(%arg9 : memref<40x128xi32, #tpu.memory_space<vmem>>)
      tpu.yield
    }) : () -> ()
    %scan3A_24 = arith.constant 0 : i32
    %scan3A_25 = arith.constant 0 : i32
    %scan3A_26 = arith.constant 40 : i32
    %scan3A_27 = arith.addi %scan3A_25, %scan3A_26 : i32
    %scan3A_28 = arith.constant 1 : i32
    scf.for %scan3A_38 = %scan3A_25 to %scan3A_27 step %scan3A_28  : i32 {
      %dma_start3A = arith.constant 0 : i32
      %dma_start3A_39 = tpu.memref_slice %arg8[%scan3A_38, %dma_start3A] : memref<40x128xi32, #tpu.memory_space<vmem>> -> memref<1x128xi32, #tpu.memory_space<vmem>>
      %dma_start3A_40 = tpu.memref_squeeze %dma_start3A_39 : memref<1x128xi32, #tpu.memory_space<vmem>> -> memref<128xi32, #tpu.memory_space<vmem>>
      %dma_start3A_41 = arith.constant 0 : i32
      %dma_start3A_42 = arith.constant 0 : i32
      %dma_start3A_43 = tpu.memref_slice %arg2[%dma_start3A_41, %dma_start3A_42] : memref<10112x128xf32, #tpu.memory_space<hbm>> -> memref<10112x128xf32, #tpu.memory_space<hbm>>
      tpu.enqueue_indirect_dma source(%dma_start3A_43 : memref<10112x128xf32, #tpu.memory_space<hbm>>) target(%arg10 : memref<128x128xf32, #tpu.memory_space<vmem>>) offsets(%dma_start3A_40 : memref<128xi32, #tpu.memory_space<vmem>>) semaphore(%arg11 : memref<!tpu.dma_semaphore, #tpu.memory_space<semaphore_mem>>)
      %dma_wait3A = arith.constant 0 : i32
      %dma_wait3A_44 = tpu.memref_slice %arg8[%scan3A_38, %dma_wait3A] : memref<40x128xi32, #tpu.memory_space<vmem>> -> memref<1x128xi32, #tpu.memory_space<vmem>>
      %dma_wait3A_45 = tpu.memref_squeeze %dma_wait3A_44 : memref<1x128xi32, #tpu.memory_space<vmem>> -> memref<128xi32, #tpu.memory_space<vmem>>
      %dma_wait3A_46 = arith.constant 0 : i32
      %dma_wait3A_47 = arith.constant 0 : i32
      %dma_wait3A_48 = tpu.memref_slice %arg2[%dma_wait3A_46, %dma_wait3A_47] : memref<10112x128xf32, #tpu.memory_space<hbm>> -> memref<10112x128xf32, #tpu.memory_space<hbm>>
      tpu.wait_indirect_dma semaphore(%arg11 : memref<!tpu.dma_semaphore, #tpu.memory_space<semaphore_mem>>) src(%dma_wait3A_48 : memref<10112x128xf32, #tpu.memory_space<hbm>>) dst(%arg10 : memref<128x128xf32, #tpu.memory_space<vmem>>)
      "tpu.region"() ({
        %run_scoped3A = tpu.sem_alloc : memref<!tpu.dma_semaphore, #tpu.memory_space<semaphore_mem>>
        %dma_start3A_49 = arith.constant 0 : i32
        %dma_start3A_50 = tpu.memref_slice %arg9[%scan3A_38, %dma_start3A_49] : memref<40x128xi32, #tpu.memory_space<vmem>> -> memref<1x128xi32, #tpu.memory_space<vmem>>
        %dma_start3A_51 = tpu.memref_squeeze %dma_start3A_50 : memref<1x128xi32, #tpu.memory_space<vmem>> -> memref<128xi32, #tpu.memory_space<vmem>>
        %dma_start3A_52 = arith.constant 0 : i32
        %dma_start3A_53 = arith.constant 0 : i32
        %dma_start3A_54 = tpu.memref_slice %arg7[%dma_start3A_52, %dma_start3A_53] : memref<10112x128xf32, #tpu.memory_space<vmem_shared>> -> memref<10112x128xf32, #tpu.memory_space<vmem_shared>>
        tpu.enqueue_indirect_dma source(%arg10 : memref<128x128xf32, #tpu.memory_space<vmem>>) target(%dma_start3A_54 : memref<10112x128xf32, #tpu.memory_space<vmem_shared>>) offsets(%dma_start3A_51 : memref<128xi32, #tpu.memory_space<vmem>>) semaphore(%run_scoped3A : memref<!tpu.dma_semaphore, #tpu.memory_space<semaphore_mem>>) {add = true}
        %dma_wait3A_55 = arith.constant 0 : i32
        %dma_wait3A_56 = tpu.memref_slice %arg9[%scan3A_38, %dma_wait3A_55] : memref<40x128xi32, #tpu.memory_space<vmem>> -> memref<1x128xi32, #tpu.memory_space<vmem>>
        %dma_wait3A_57 = tpu.memref_squeeze %dma_wait3A_56 : memref<1x128xi32, #tpu.memory_space<vmem>> -> memref<128xi32, #tpu.memory_space<vmem>>
        %dma_wait3A_58 = arith.constant 0 : i32
        %dma_wait3A_59 = arith.constant 0 : i32
        %dma_wait3A_60 = tpu.memref_slice %arg7[%dma_wait3A_58, %dma_wait3A_59] : memref<10112x128xf32, #tpu.memory_space<vmem_shared>> -> memref<10112x128xf32, #tpu.memory_space<vmem_shared>>
        tpu.wait_indirect_dma semaphore(%run_scoped3A : memref<!tpu.dma_semaphore, #tpu.memory_space<semaphore_mem>>) src(%arg10 : memref<128x128xf32, #tpu.memory_space<vmem>>) dst(%dma_wait3A_60 : memref<10112x128xf32, #tpu.memory_space<vmem_shared>>)
        tpu.yield
      }) : () -> ()
    }
    %scan3A_29 = arith.constant 40 : i32
    %barrier3A_30 = arith.constant 0 : index
    tpu.barrier barrier_id(%barrier3A_30)
    %mul3A_31 = arith.constant 632 : i32
    %mul3A_32 = arith.muli %arg1, %mul3A_31 : i32
    %mul3A_33 = arith.constant 10112 : i32
    %mul3A_34 = arith.muli %arg0, %mul3A_33 : i32
    %mul3A_35 = arith.constant 632 : i32
    %mul3A_36 = arith.muli %arg1, %mul3A_35 : i32
    %add3A_37 = arith.addi %mul3A_34, %mul3A_36 : i32
    "tpu.region"() ({
      %run_scoped3A = tpu.sem_alloc : memref<!tpu.dma_semaphore, #tpu.memory_space<semaphore_mem>>
      %dma_start3A = arith.constant 0 : i32
      %dma_start3A_38 = tpu.memref_slice %arg6[%add3A_37, %dma_start3A] : memref<20224x128xf32, #tpu.memory_space<hbm>> -> memref<632x128xf32, #tpu.memory_space<hbm>>
      %dma_start3A_39 = arith.constant 0 : i32
      %dma_start3A_40 = tpu.memref_slice %arg7[%mul3A_32, %dma_start3A_39] : memref<10112x128xf32, #tpu.memory_space<vmem_shared>> -> memref<632x128xf32, #tpu.memory_space<vmem_shared>>
      tpu.enqueue_dma source(%dma_start3A_40 : memref<632x128xf32, #tpu.memory_space<vmem_shared>>) target(%dma_start3A_38 : memref<632x128xf32, #tpu.memory_space<hbm>>) target_semaphore(%run_scoped3A : memref<!tpu.dma_semaphore, #tpu.memory_space<semaphore_mem>>)
      %dma_wait3A = arith.constant 0 : i32
      %dma_wait3A_41 = tpu.memref_slice %arg6[%add3A_37, %dma_wait3A] : memref<20224x128xf32, #tpu.memory_space<hbm>> -> memref<632x128xf32, #tpu.memory_space<hbm>>
      %dma_wait3A_42 = arith.constant 0 : i32
      %dma_wait3A_43 = tpu.memref_slice %arg7[%mul3A_32, %dma_wait3A_42] : memref<10112x128xf32, #tpu.memory_space<vmem_shared>> -> memref<632x128xf32, #tpu.memory_space<vmem_shared>>
      tpu.wait_dma2 semaphore(%run_scoped3A : memref<!tpu.dma_semaphore, #tpu.memory_space<semaphore_mem>>) src(%dma_wait3A_43 : memref<632x128xf32, #tpu.memory_space<vmem_shared>>) dst(%dma_wait3A_41 : memref<632x128xf32, #tpu.memory_space<hbm>>)
      tpu.yield
    }) : () -> ()
    return
  }
}

module attributes {stable_mosaic.version = 14 : i64} {
  func.func @_norm_body(%arg0: i32, %arg1: memref<2x64x128xf32, #tpu.memory_space<vmem>>, %arg2: memref<64x128xf32, #tpu.memory_space<vmem>>, %arg3: memref<64x1xf32, #tpu.memory_space<vmem>>, %arg4: memref<64x1xf32, #tpu.memory_space<vmem>>, %arg5: memref<64x128xf32, #tpu.memory_space<vmem>>) attributes {dimension_semantics = [#tpu.dimension_semantics<arbitrary>], iteration_bounds = array<i64: 158>, scalar_prefetch = 0 : i64, scratch_operands = 0 : i64, tpu.core_type = #tpu.core_type<tc>, window_params = [{transform_indices = @transform_0, window_bounds = array<i64: 2, 64, 128>}, {transform_indices = @transform_1, window_bounds = array<i64: 64, 128>}, {transform_indices = @transform_2, window_bounds = array<i64: 64, 1>}, {transform_indices = @transform_3, window_bounds = array<i64: 64, 1>}, {transform_indices = @transform_4, window_bounds = array<i64: 64, 128>}]} {
    %get3A = arith.constant 0 : index
    %get3A_0 = arith.constant 0 : index
    %get3A_1 = arith.constant 0 : index
    %get3A_2 = vector.load %arg1[%get3A, %get3A_0, %get3A_1] : memref<2x64x128xf32, #tpu.memory_space<vmem>>, vector<1x64x1xf32>
    %get3A_3 = vector.shape_cast %get3A_2 : vector<1x64x1xf32> to vector<64x1xf32>
    %get3A_4 = arith.constant 1 : index
    %get3A_5 = arith.constant 0 : index
    %get3A_6 = arith.constant 0 : index
    %get3A_7 = vector.load %arg1[%get3A_4, %get3A_5, %get3A_6] : memref<2x64x128xf32, #tpu.memory_space<vmem>>, vector<1x64x1xf32>
    %get3A_8 = vector.shape_cast %get3A_7 : vector<1x64x1xf32> to vector<64x1xf32>
    %add3A = arith.addf %get3A_3, %get3A_8 : vector<64x1xf32>
    %add3A_9 = arith.constant 1.000000e+00 : f32
    %add3A_10 = vector.broadcast %add3A_9 : f32 to vector<64x1xf32>
    %add3A_11 = arith.addf %add3A, %add3A_10 : vector<64x1xf32>
    %rsqrt3A = math.rsqrt %add3A_11 : vector<64x1xf32>
    %swap3A = arith.constant 0 : index
    %swap3A_12 = arith.constant 0 : index
    %swap3A_13 = vector.load %arg3[%swap3A, %swap3A_12] : memref<64x1xf32, #tpu.memory_space<vmem>>, vector<64x1xf32>
    tpu.vector_store %arg3[%swap3A, %swap3A_12], %rsqrt3A {strides = array<i32>} : memref<64x1xf32, #tpu.memory_space<vmem>>, vector<64x1xf32>,
    %div3A = arith.constant 1.000000e+00 : f32
    %div3A_14 = vector.broadcast %div3A : f32 to vector<64x1xf32>
    %div3A_15 = arith.divf %div3A_14, %add3A_11 : vector<64x1xf32>
    %swap3A_16 = arith.constant 0 : index
    %swap3A_17 = arith.constant 0 : index
    %swap3A_18 = vector.load %arg4[%swap3A_16, %swap3A_17] : memref<64x1xf32, #tpu.memory_space<vmem>>, vector<64x1xf32>
    tpu.vector_store %arg4[%swap3A_16, %swap3A_17], %div3A_15 {strides = array<i32>} : memref<64x1xf32, #tpu.memory_space<vmem>>, vector<64x1xf32>,
    %get3A_19 = arith.constant 0 : index
    %get3A_20 = arith.constant 0 : index
    %get3A_21 = vector.load %arg2[%get3A_19, %get3A_20] : memref<64x128xf32, #tpu.memory_space<vmem>>, vector<64x128xf32>
    %mul3A = vector.broadcast %rsqrt3A : vector<64x1xf32> to vector<64x128xf32>
    %mul3A_22 = arith.mulf %get3A_21, %mul3A : vector<64x128xf32>
    %swap3A_23 = arith.constant 0 : index
    %swap3A_24 = arith.constant 0 : index
    %swap3A_25 = vector.load %arg5[%swap3A_23, %swap3A_24] : memref<64x128xf32, #tpu.memory_space<vmem>>, vector<64x128xf32>
    tpu.vector_store %arg5[%swap3A_23, %swap3A_24], %mul3A_22 {strides = array<i32>} : memref<64x128xf32, #tpu.memory_space<vmem>>, vector<64x128xf32>,
    return
  }
  func.func @transform_0(%arg0: i32) -> (i32, i32, i32) {
    %c0_i32 = arith.constant 0 : i32
    %c0_i32_0 = arith.constant 0 : i32
    %c0_i32_1 = arith.constant 0 : i32
    return %c0_i32, %arg0, %c0_i32_0 : i32, i32, i32
  }
  func.func @transform_1(%arg0: i32) -> (i32, i32) {
    %c0_i32 = arith.constant 0 : i32
    %c0_i32_0 = arith.constant 0 : i32
    return %arg0, %c0_i32 : i32, i32
  }
  func.func @transform_2(%arg0: i32) -> (i32, i32) {
    %c0_i32 = arith.constant 0 : i32
    %c0_i32_0 = arith.constant 0 : i32
    return %arg0, %c0_i32 : i32, i32
  }
  func.func @transform_3(%arg0: i32) -> (i32, i32) {
    %c0_i32 = arith.constant 0 : i32
    %c0_i32_0 = arith.constant 0 : i32
    return %arg0, %c0_i32 : i32, i32
  }
  func.func @transform_4(%arg0: i32) -> (i32, i32) {
    %c0_i32 = arith.constant 0 : i32
    %c0_i32_0 = arith.constant 0 : i32
    return %arg0, %c0_i32 : i32, i32
  }
}

module attributes {stable_mosaic.version = 14 : i64} {
  func.func @_comb_body(%arg0: i32, %arg1: memref<2x64x128xf32, #tpu.memory_space<vmem>>, %arg2: memref<64x128xf32, #tpu.memory_space<vmem>>, %arg3: memref<64x1xf32, #tpu.memory_space<vmem>>, %arg4: memref<64x1xf32, #tpu.memory_space<vmem>>, %arg5: memref<64x128xf32, #tpu.memory_space<vmem>>, %arg6: memref<64x128xf32, #tpu.memory_space<vmem>>) attributes {dimension_semantics = [#tpu.dimension_semantics<arbitrary>], iteration_bounds = array<i64: 158>, scalar_prefetch = 0 : i64, scratch_operands = 0 : i64, tpu.core_type = #tpu.core_type<tc>, window_params = [{transform_indices = @transform_0, window_bounds = array<i64: 2, 64, 128>}, {transform_indices = @transform_1, window_bounds = array<i64: 64, 128>}, {transform_indices = @transform_2, window_bounds = array<i64: 64, 1>}, {transform_indices = @transform_3, window_bounds = array<i64: 64, 1>}, {transform_indices = @transform_4, window_bounds = array<i64: 64, 128>}, {transform_indices = @transform_5, window_bounds = array<i64: 64, 128>}]} {
    %get3A = arith.constant 0 : index
    %get3A_0 = arith.constant 0 : index
    %get3A_1 = arith.constant 0 : index
    %get3A_2 = vector.load %arg1[%get3A, %get3A_0, %get3A_1] : memref<2x64x128xf32, #tpu.memory_space<vmem>>, vector<1x64x128xf32>
    %get3A_3 = vector.shape_cast %get3A_2 : vector<1x64x128xf32> to vector<64x128xf32>
    %get3A_4 = arith.constant 1 : index
    %get3A_5 = arith.constant 0 : index
    %get3A_6 = arith.constant 0 : index
    %get3A_7 = vector.load %arg1[%get3A_4, %get3A_5, %get3A_6] : memref<2x64x128xf32, #tpu.memory_space<vmem>>, vector<1x64x128xf32>
    %get3A_8 = vector.shape_cast %get3A_7 : vector<1x64x128xf32> to vector<64x128xf32>
    %add3A = arith.addf %get3A_3, %get3A_8 : vector<64x128xf32>
    %get3A_9 = arith.constant 0 : index
    %get3A_10 = arith.constant 0 : index
    %get3A_11 = vector.load %arg2[%get3A_9, %get3A_10] : memref<64x128xf32, #tpu.memory_space<vmem>>, vector<64x128xf32>
    %add3A_12 = arith.addf %add3A, %get3A_11 : vector<64x128xf32>
    %get3A_13 = arith.constant 0 : index
    %get3A_14 = arith.constant 0 : index
    %get3A_15 = vector.load %arg3[%get3A_13, %get3A_14] : memref<64x1xf32, #tpu.memory_space<vmem>>, vector<64x1xf32>
    %mul3A = vector.broadcast %get3A_15 : vector<64x1xf32> to vector<64x128xf32>
    %mul3A_16 = arith.mulf %add3A_12, %mul3A : vector<64x128xf32>
    %swap3A = arith.constant 0 : index
    %swap3A_17 = arith.constant 0 : index
    %swap3A_18 = vector.load %arg5[%swap3A, %swap3A_17] : memref<64x128xf32, #tpu.memory_space<vmem>>, vector<64x128xf32>
    tpu.vector_store %arg5[%swap3A, %swap3A_17], %mul3A_16 {strides = array<i32>} : memref<64x128xf32, #tpu.memory_space<vmem>>, vector<64x128xf32>,
    %get3A_19 = arith.constant 0 : index
    %get3A_20 = arith.constant 0 : index
    %get3A_21 = vector.load %arg4[%get3A_19, %get3A_20] : memref<64x1xf32, #tpu.memory_space<vmem>>, vector<64x1xf32>
    %mul3A_22 = vector.broadcast %get3A_21 : vector<64x1xf32> to vector<64x128xf32>
    %mul3A_23 = arith.mulf %add3A_12, %mul3A_22 : vector<64x128xf32>
    %swap3A_24 = arith.constant 0 : index
    %swap3A_25 = arith.constant 0 : index
    %swap3A_26 = vector.load %arg6[%swap3A_24, %swap3A_25] : memref<64x128xf32, #tpu.memory_space<vmem>>, vector<64x128xf32>
    tpu.vector_store %arg6[%swap3A_24, %swap3A_25], %mul3A_23 {strides = array<i32>} : memref<64x128xf32, #tpu.memory_space<vmem>>, vector<64x128xf32>,
    return
  }
  func.func @transform_0(%arg0: i32) -> (i32, i32, i32) {
    %c0_i32 = arith.constant 0 : i32
    %c0_i32_0 = arith.constant 0 : i32
    %c0_i32_1 = arith.constant 0 : i32
    return %c0_i32, %arg0, %c0_i32_0 : i32, i32, i32
  }
  func.func @transform_1(%arg0: i32) -> (i32, i32) {
    %c0_i32 = arith.constant 0 : i32
    %c0_i32_0 = arith.constant 0 : i32
    return %arg0, %c0_i32 : i32, i32
  }
  func.func @transform_2(%arg0: i32) -> (i32, i32) {
    %c0_i32 = arith.constant 0 : i32
    %c0_i32_0 = arith.constant 0 : i32
    return %arg0, %c0_i32 : i32, i32
  }
  func.func @transform_3(%arg0: i32) -> (i32, i32) {
    %c0_i32 = arith.constant 0 : i32
    %c0_i32_0 = arith.constant 0 : i32
    return %arg0, %c0_i32 : i32, i32
  }
  func.func @transform_4(%arg0: i32) -> (i32, i32) {
    %c0_i32 = arith.constant 0 : i32
    %c0_i32_0 = arith.constant 0 : i32
    return %arg0, %c0_i32 : i32, i32
  }
  func.func @transform_5(%arg0: i32) -> (i32, i32) {
    %c0_i32 = arith.constant 0 : i32
    %c0_i32_0 = arith.constant 0 : i32
    return %arg0, %c0_i32 : i32, i32
  }
}

module attributes {stable_mosaic.version = 14 : i64} {
  func.func @_comb_body(%arg0: i32, %arg1: memref<2x64x128xf32, #tpu.memory_space<vmem>>, %arg2: memref<64x128xf32, #tpu.memory_space<vmem>>, %arg3: memref<64x1xf32, #tpu.memory_space<vmem>>, %arg4: memref<64x1xf32, #tpu.memory_space<vmem>>, %arg5: memref<64x128xf32, #tpu.memory_space<vmem>>, %arg6: memref<64x128xf32, #tpu.memory_space<vmem>>) attributes {dimension_semantics = [#tpu.dimension_semantics<arbitrary>], iteration_bounds = array<i64: 158>, scalar_prefetch = 0 : i64, scratch_operands = 0 : i64, tpu.core_type = #tpu.core_type<tc>, window_params = [{transform_indices = @transform_0, window_bounds = array<i64: 2, 64, 128>}, {transform_indices = @transform_1, window_bounds = array<i64: 64, 128>}, {transform_indices = @transform_2, window_bounds = array<i64: 64, 1>}, {transform_indices = @transform_3, window_bounds = array<i64: 64, 1>}, {transform_indices = @transform_4, window_bounds = array<i64: 64, 128>}, {transform_indices = @transform_5, window_bounds = array<i64: 64, 128>}]} {
    %get3A = arith.constant 0 : index
    %get3A_0 = arith.constant 0 : index
    %get3A_1 = arith.constant 0 : index
    %get3A_2 = vector.load %arg1[%get3A, %get3A_0, %get3A_1] : memref<2x64x128xf32, #tpu.memory_space<vmem>>, vector<1x64x128xf32>
    %get3A_3 = vector.shape_cast %get3A_2 : vector<1x64x128xf32> to vector<64x128xf32>
    %get3A_4 = arith.constant 1 : index
    %get3A_5 = arith.constant 0 : index
    %get3A_6 = arith.constant 0 : index
    %get3A_7 = vector.load %arg1[%get3A_4, %get3A_5, %get3A_6] : memref<2x64x128xf32, #tpu.memory_space<vmem>>, vector<1x64x128xf32>
    %get3A_8 = vector.shape_cast %get3A_7 : vector<1x64x128xf32> to vector<64x128xf32>
    %add3A = arith.addf %get3A_3, %get3A_8 : vector<64x128xf32>
    %get3A_9 = arith.constant 0 : index
    %get3A_10 = arith.constant 0 : index
    %get3A_11 = vector.load %arg2[%get3A_9, %get3A_10] : memref<64x128xf32, #tpu.memory_space<vmem>>, vector<64x128xf32>
    %add3A_12 = arith.addf %add3A, %get3A_11 : vector<64x128xf32>
    %get3A_13 = arith.constant 0 : index
    %get3A_14 = arith.constant 0 : index
    %get3A_15 = vector.load %arg3[%get3A_13, %get3A_14] : memref<64x1xf32, #tpu.memory_space<vmem>>, vector<64x1xf32>
    %mul3A = vector.broadcast %get3A_15 : vector<64x1xf32> to vector<64x128xf32>
    %mul3A_16 = arith.mulf %add3A_12, %mul3A : vector<64x128xf32>
    %swap3A = arith.constant 0 : index
    %swap3A_17 = arith.constant 0 : index
    %swap3A_18 = vector.load %arg5[%swap3A, %swap3A_17] : memref<64x128xf32, #tpu.memory_space<vmem>>, vector<64x128xf32>
    tpu.vector_store %arg5[%swap3A, %swap3A_17], %mul3A_16 {strides = array<i32>} : memref<64x128xf32, #tpu.memory_space<vmem>>, vector<64x128xf32>,
    %get3A_19 = arith.constant 0 : index
    %get3A_20 = arith.constant 0 : index
    %get3A_21 = vector.load %arg4[%get3A_19, %get3A_20] : memref<64x1xf32, #tpu.memory_space<vmem>>, vector<64x1xf32>
    %mul3A_22 = vector.broadcast %get3A_21 : vector<64x1xf32> to vector<64x128xf32>
    %mul3A_23 = arith.mulf %add3A_12, %mul3A_22 : vector<64x128xf32>
    %swap3A_24 = arith.constant 0 : index
    %swap3A_25 = arith.constant 0 : index
    %swap3A_26 = vector.load %arg6[%swap3A_24, %swap3A_25] : memref<64x128xf32, #tpu.memory_space<vmem>>, vector<64x128xf32>
    tpu.vector_store %arg6[%swap3A_24, %swap3A_25], %mul3A_23 {strides = array<i32>} : memref<64x128xf32, #tpu.memory_space<vmem>>, vector<64x128xf32>,
    return
  }
  func.func @transform_0(%arg0: i32) -> (i32, i32, i32) {
    %c0_i32 = arith.constant 0 : i32
    %c0_i32_0 = arith.constant 0 : i32
    %c0_i32_1 = arith.constant 0 : i32
    return %c0_i32, %arg0, %c0_i32_0 : i32, i32, i32
  }
  func.func @transform_1(%arg0: i32) -> (i32, i32) {
    %c0_i32 = arith.constant 0 : i32
    %c0_i32_0 = arith.constant 0 : i32
    return %arg0, %c0_i32 : i32, i32
  }
  func.func @transform_2(%arg0: i32) -> (i32, i32) {
    %c0_i32 = arith.constant 0 : i32
    %c0_i32_0 = arith.constant 0 : i32
    return %arg0, %c0_i32 : i32, i32
  }
  func.func @transform_3(%arg0: i32) -> (i32, i32) {
    %c0_i32 = arith.constant 0 : i32
    %c0_i32_0 = arith.constant 0 : i32
    return %arg0, %c0_i32 : i32, i32
  }
  func.func @transform_4(%arg0: i32) -> (i32, i32) {
    %c0_i32 = arith.constant 0 : i32
    %c0_i32_0 = arith.constant 0 : i32
    return %arg0, %c0_i32 : i32, i32
  }
  func.func @transform_5(%arg0: i32) -> (i32, i32) {
    %c0_i32 = arith.constant 0 : i32
    %c0_i32_0 = arith.constant 0 : i32
    return %arg0, %c0_i32 : i32, i32
  }
}

module attributes {stable_mosaic.version = 14 : i64} {
  func.func @_mm_body(%arg0: i32, %arg1: memref<64x640xf32, #tpu.memory_space<vmem>>, %arg2: memref<640x128xf32, #tpu.memory_space<vmem>>, %arg3: memref<1x128xf32, #tpu.memory_space<vmem>>, %arg4: memref<64x128xf32, #tpu.memory_space<vmem>>) attributes {dimension_semantics = [#tpu.dimension_semantics<arbitrary>], iteration_bounds = array<i64: 158>, scalar_prefetch = 0 : i64, scratch_operands = 0 : i64, tpu.core_type = #tpu.core_type<tc>, window_params = [{transform_indices = @transform_0, window_bounds = array<i64: 64, 640>}, {pipeline_mode = #tpu.pipeline_mode<synchronous>, transform_indices = @transform_1, window_bounds = array<i64: 640, 128>}, {pipeline_mode = #tpu.pipeline_mode<synchronous>, transform_indices = @transform_2, window_bounds = array<i64: 1, 128>}, {transform_indices = @transform_3, window_bounds = array<i64: 64, 128>}]} {
    %get3A = arith.constant 0 : index
    %get3A_0 = arith.constant 0 : index
    %get3A_1 = vector.load %arg1[%get3A, %get3A_0] : memref<64x640xf32, #tpu.memory_space<vmem>>, vector<64x640xf32>
    %get3A_2 = arith.constant 0 : index
    %get3A_3 = arith.constant 0 : index
    %get3A_4 = vector.load %arg2[%get3A_2, %get3A_3] : memref<640x128xf32, #tpu.memory_space<vmem>>, vector<640x128xf32>
    %dot_general3A = arith.constant dense<0.000000e+00> : vector<64x128xf32>
    %dot_general3A_5 = tpu.matmul %get3A_1, %get3A_4, %dot_general3A {dimension_numbers = #tpu.dot_dimension_numbers<[1], [0], [0], [1], [0, 0, 1, 1], [], []>, transpose_lhs_hint = false} : vector<64x640xf32>, vector<640x128xf32>, vector<64x128xf32> -> vector<64x128xf32>
    %get3A_6 = arith.constant 0 : index
    %get3A_7 = arith.constant 0 : index
    %get3A_8 = vector.load %arg3[%get3A_6, %get3A_7] : memref<1x128xf32, #tpu.memory_space<vmem>>, vector<1x128xf32>
    %add3A = vector.broadcast %get3A_8 : vector<1x128xf32> to vector<64x128xf32>
    %add3A_9 = arith.addf %dot_general3A_5, %add3A : vector<64x128xf32>
    %swap3A = arith.constant 0 : index
    %swap3A_10 = arith.constant 0 : index
    %swap3A_11 = vector.load %arg4[%swap3A, %swap3A_10] : memref<64x128xf32, #tpu.memory_space<vmem>>, vector<64x128xf32>
    tpu.vector_store %arg4[%swap3A, %swap3A_10], %add3A_9 {strides = array<i32>} : memref<64x128xf32, #tpu.memory_space<vmem>>, vector<64x128xf32>,
    return
  }
  func.func @transform_0(%arg0: i32) -> (i32, i32) {
    %c0_i32 = arith.constant 0 : i32
    %c0_i32_0 = arith.constant 0 : i32
    return %arg0, %c0_i32 : i32, i32
  }
  func.func @transform_1(%arg0: i32) -> (i32, i32) {
    %c0_i32 = arith.constant 0 : i32
    %c0_i32_0 = arith.constant 0 : i32
    %c0_i32_1 = arith.constant 0 : i32
    return %c0_i32, %c0_i32_0 : i32, i32
  }
  func.func @transform_2(%arg0: i32) -> (i32, i32) {
    %c0_i32 = arith.constant 0 : i32
    %c0_i32_0 = arith.constant 0 : i32
    %c0_i32_1 = arith.constant 0 : i32
    return %c0_i32, %c0_i32_0 : i32, i32
  }
  func.func @transform_3(%arg0: i32) -> (i32, i32) {
    %c0_i32 = arith.constant 0 : i32
    %c0_i32_0 = arith.constant 0 : i32
    return %arg0, %c0_i32 : i32, i32
  }
}

</mosaic_0001>

<sc_bundles>
// kernel: kernel.13.cloned.1.call-start
scs
__scs_entry_jumppad:
0x0: {  	(pc) =	sbr.rel $0x88, $3  }
0x1: {  	(tag) =	ssettag $0x0;
	lr =	simm.s32 $0x1  }
0x2: {  	[smem:$0x3F9D] =	sst lr;
	_ =	strace $0xD0000000  }
0x3: {  	_ = 	snop  }
0x4: {  	_ = 	snop  }
0x5: {  	_ = 	snop  }
0x6: {  	_ = 	snop  }
0x7: {  	_ = 	snop  }
__scs_overlays_trampoline_lowered:
0x8: {  	[smem:$0x3FAC] =	sst s0  }
0x9: {  	[smem:$0x3FAD] =	sst s1  }
0xa: {  	[smem:$0x3FAE] =	sst s2  }
0xb: {  	[smem:$0x3FAF] =	sst s3  }
0xc: {  	[smem:$0x3FB0] =	sst s4  }
0xd: {  	[smem:$0x3FB1] =	sst s5  }
0xe: {  	[smem:$0x3FB2] =	sst s6  }
0xf: {  	[smem:$0x3FB3] =	sst s7  }
0x10: {  	[smem:$0x3FB4] =	sst s8  }
0x11: {  	[smem:$0x3FB5] =	sst s9;
	s0 =	simm.s32 @!p0 $0x0  }
0x12: {  	s1 =	sld [smem:$0x3F9B];
	s0 =	simm.s32 @p0 $0x1  }
0x13: {  	[smem:$0x3FB6] =	sst s0;
	s0 =	simm.s32 @!p1 $0x0  }
0x14: {  	s2 =	sld [smem:$0x3F9A];
	s0 =	simm.s32 @p1 $0x1  }
0x15: {  	[smem:$0x3FB7] =	sst s0;
	s0 =	simm.s32 @!p2 $0x0  }
0x16: {  	s3 =	sld [smem:$0x3FDB];
	s0 =	simm.s32 @p2 $0x1  }
0x17: {  	s4 =	simm.s32 $0x1BF5;
	[smem:$0x3FB9] =	sst s0  }
0x18: {  	s0 =	sld [smem:$0x3F9C];
	_ =	swait.ge [sflag:s4], $0x0  }
0x19: {  	s7 =	sld [smem:$0x3F9D]  }
0x1a: {  	s8 =	sadd.s32 $0xFFFFE003, lr  }
0x1b: {  	s9 =	sadd.s32 $0xFFFFFEF7, lr;
	s5 =	simm.s32 $0xFFFFFFFF;
	p2 =	slt.u32 s8, $0xFFFFF086  }
0x1c: {  	p1 =	slt.u32 s9, $0xF7A;
	s5 =	simm.s32 @!p2 $0x0  }
0x1d: {  	s5 =	simm.s32 @p1 $0x1;
	p0 =	seq.s32 s7, s2  }
0x1e: {  	s7 =	smul.u32 @!p0 $0xF7A, s2;
	p2 =	seq.s32 @!p0 s5, $0x0  }
0x1f: {  	s9 =	smul.u32 $0xF7A, s1;
	s8 =	simm.s32 @!p0 $0x1BF5;
	p2 =	por !p2, p0  }
0x20: {  	[sflag:s8] =	ssyncset.s32 @!p0 $0xFFFFF086;
	s6 =	sadd.s32 @!p0 s3, s7;
	s7 =	simm.s32 @!p0 $0x108  }
0x21: {  	s3 =	sadd.s32 s3, s9;
	s6 =	sadd.s32 @!p0 $0x88, s6;
	s7 =	simm.s32 @p2 $0x1082  }
0x22: {  	[simem:s7], [sflag:s8] =	dma.local @!p0 [hbm:s6], $0xF7A  }
0x23: {  	s9 =	sor.u32 $0xD0000000, s2;
	s6 =	simm.s32 $0x108;
	_ =	swait.ge @!p0 [sflag:s8], $0x0  }
0x24: {  	s3 =	sadd.s32 $0x88, s3;
	s6 =	simm.s32 @!p1 $0x1082;
	[sflag:s4] =	ssyncset.s32 $0xFFFFF086  }
0x25: {  	[simem:s6], [sflag:s4] =	dma.local [hbm:s3], $0xF7A  }
0x26: {  	[smem:$0x3F9D] =	sst s1;
	(tag) =	ssettag s2;
	_ =	strace s9  }
0x27: {  	s1 =	sld [smem:$0x3FAD]  }
0x28: {  	s2 =	sld [smem:$0x3FAE]  }
0x29: {  	s4 =	sld [smem:$0x3FB0]  }
0x2a: {  	p0 =	seq.s32 s5, $0x0;
	s5 =	sld [smem:$0x3FB1]  }
0x2b: {  	s6 =	sld [smem:$0x3FB2]  }
0x2c: {  	s7 =	sld [smem:$0x3FB3]  }
0x2d: {  	s3 =	simm.s32 $0x108;
	s8 =	sld [smem:$0x3FB4]  }
0x2e: {  	s3 =	simm.s32 @!p0 $0x1082;
	s9 =	sld [smem:$0x3FB5]  }
0x2f: {  	lr =	sadd.s32 s0, s3;
	s0 =	sld [smem:$0x3FAC]  }
0x30: {  	s3 =	sld [smem:$0x3FAF]  }
0x31: {  	[smem:$0x3FB8] =	sst s10  }
0x32: {  	s10 =	sld [smem:$0x3FB6];
	_ =	sdelay $0x3  }
0x33: {  	p0 =	seq.s32 s10, $0x1;
	s10 =	sld [smem:$0x3FB8];
	_ =	sdelay $0x3  }
0x34: {  	[smem:$0x3FB8] =	sst s10  }
0x35: {  	s10 =	sld [smem:$0x3FB7];
	_ =	sdelay $0x3  }
0x36: {  	p1 =	seq.s32 s10, $0x1;
	s10 =	sld [smem:$0x3FB8];
	_ =	sdelay $0x3  }
0x37: {  	[smem:$0x3FB8] =	sst s10  }
0x38: {  	s10 =	sld [smem:$0x3FB9]  }
0x39: {  	_ = 	snop;
	(pc) =	sbr.ind lr, $3  }
0x3a: {  	_ = 	snop  }
0x3b: {  	_ = 	snop  }
0x3c: {  	p2 =	seq.s32 s10, $0x1;
	s10 =	sld [smem:$0x3FB8]  }
0x3d: {  	_ =	shalt  }
0x3e: {  	_ =	shalt  }
0x3f: {  	_ =	shalt  }
0x40: {  	_ =	shalt  }
0x41: {  	_ =	shalt  }
0x42: {  	_ =	shalt  }
0x43: {  	_ =	shalt  }
0x44: {  	_ =	shalt  }
0x45: {  	_ =	shalt  }
0x46: {  	_ =	shalt  }
0x47: {  	_ =	shalt  }
0x48: {  	_ =	shalt  }
0x49: {  	_ =	shalt  }
0x4a: {  	_ =	shalt  }
0x4b: {  	_ =	shalt  }
0x4c: {  	_ =	shalt  }
0x4d: {  	_ =	shalt  }
0x4e: {  	_ =	shalt  }
0x4f: {  	_ =	shalt  }
0x50: {  	_ =	shalt  }
0x51: {  	_ =	shalt  }
0x52: {  	_ =	shalt  }
0x53: {  	_ =	shalt  }
0x54: {  	_ =	shalt  }
0x55: {  	_ =	shalt  }
0x56: {  	_ =	shalt  }
0x57: {  	_ =	shalt  }
0x58: {  	_ =	shalt  }
0x59: {  	_ =	shalt  }
0x5a: {  	_ =	shalt  }
0x5b: {  	_ =	shalt  }
0x5c: {  	_ =	shalt  }
0x5d: {  	_ =	shalt  }
0x5e: {  	_ =	shalt  }
0x5f: {  	_ =	shalt  }
0x60: {  	_ =	shalt  }
0x61: {  	_ =	shalt  }
0x62: {  	_ =	shalt  }
0x63: {  	_ =	shalt  }
0x64: {  	_ =	shalt  }
0x65: {  	_ =	shalt  }
0x66: {  	_ =	shalt  }
0x67: {  	_ =	shalt  }
0x68: {  	_ =	shalt  }
0x69: {  	_ =	shalt  }
0x6a: {  	_ =	shalt  }
0x6b: {  	_ =	shalt  }
0x6c: {  	_ =	shalt  }
0x6d: {  	_ =	shalt  }
0x6e: {  	_ =	shalt  }
0x6f: {  	_ =	shalt  }
0x70: {  	_ =	shalt  }
0x71: {  	_ =	shalt  }
0x72: {  	_ =	shalt  }
0x73: {  	_ =	shalt  }
0x74: {  	_ =	shalt  }
0x75: {  	_ =	shalt  }
0x76: {  	_ =	shalt  }
0x77: {  	_ =	shalt  }
0x78: {  	_ =	shalt  }
0x79: {  	_ =	shalt  }
0x7a: {  	_ =	shalt  }
0x7b: {  	_ =	shalt  }
0x7c: {  	_ =	shalt  }
0x7d: {  	_ =	shalt  }
0x7e: {  	_ =	shalt  }
0x7f: {  	_ =	shalt  }
0x80: {  	_ =	shalt  }
0x81: {  	_ =	shalt  }
0x82: {  	_ =	shalt  }
0x83: {  	_ =	shalt  }
0x84: {  	_ =	shalt  }
0x85: {  	_ =	shalt  }
0x86: {  	_ =	shalt  }
0x87: {  	_ =	shalt  }
.Lfunc_end0:
.L_simem_size_0:
called_computation_lowered:
.L_overlay_start_0:
0x88: {  	s2 =	sld [smem:$0x3FD9]  }
0x89: {  	s3 =	sld [smem:$0x3FFE];
	_ =	sdelay $0x1  }
0x8a: {  	s1 =	srdreg.scid  }
0x8b: {  	s0 =	sand.u32 $0x1, s1  }
0x8c: {  	s16 =	sshll.u32 s0, $0xA;
	s2 =	sadd.s32 s3, s2  }
0x8d: {  	s2 =	sadd.s32 s2, s16  }
0x8e: {  	[smem:$0x3FC4] =	sst s2  }
0x8f: {  	_ = 	snop  }
0x90: {  	(tm) =	ssettm $0x1  }
0x91: {  	s17 =	sld [smem:$0x3FFB];
	_ =	sdelay $0x3  }
0x92: {  	_ =	strace s17  }
0x93: {  	s2 =	sld [smem:$0x3FFC];
	_ =	sdelay $0x3  }
0x94: {  	_ =	strace s2  }
0x95: {  	s2 =	sld [smem:$0x3FFD];
	_ =	sdelay $0x3  }
0x96: {  	_ =	strace s2  }
0x97: {  	_ =	strace $0x8FFFFFFF  }
0x98: {  	s18 =	sld [smem:$0x3FDB];
	_ =	sdelay $0x1  }
0x99: {  	s19 =	simm.s32 $_scs_section_size  }
0x9a: {  	s4 =	simm.s32 $_size__tile_overlayer_lowered;
	s5 =	simm.s32 $_tile_overlayer_lowered  }
0x9b: {  	s22 =	simm.s32 $0x1BFF;
	s21 =	sshll.u32 s5, $0x1;
	s2 =	sadd.s32 s19, s18  }
0x9c: {  	s6 =	simm.s32 $0x0;
	s20 =	sshll.u32 s4, $0x1;
	s4 =	sadd.s32 s21, s2  }
0x9d: {  	[timem:s6], [sflag:s22] =	dma.local [hbm:s4], s20  }
0x9e: {  	_ =	swait.ge [sflag:s22], s20  }
0x9f: {  	s3 =	ssub.s32 $0x0, s20;
	[sflag:s22] =	ssyncset.done $0x0  }
0xa0: {  	[sflag:s22] =	ssyncadd.s32 s3;
	_ =	sdelay $0x1  }
0xa1: {  	s23 =	simm.s32 $0x1B8B  }
0xa2: {  	_ =	swait.ge [sflag:s23], $0x1  }
0xa3: {  	[sflag:s23] =	ssyncset.done $0x0  }
0xa4: {  	s25 =	simm.s32 $0x1B8E;
	s24 =	sld [smem:$0x3FFE];
	[sflag:s23] =	ssyncadd.s32 $0xFFFFFFFF  }
0xa5: {  	s26 =	simm.s32 $execute0_lowered;
	[smem:$0x3FD2] =	sst s25  }
0xa6: {  	s4 =	sshll.u32 s26, $0x1;
	_ =	strace $0x80000046;
	[dreg:$0x1] =	wrdreg $0xFFFFFFFF  }
0xa7: {  	s28 =	simm.s32 $_size_execute0_lowered;
	s2 =	sadd.s32 s2, s4;
	[dreg:$0x0] =	wrdreg $0x0  }
0xa8: {  	s4 =	sshll.u32 s28, $0x1;
	[dreg:$0x2] =	wrdreg s2  }
0xa9: {  	[dreg:$0x3] =	wrdreg s4  }
0xaa: {  	[dreg:$0x4] =	wrdreg $0xC0  }
0xab: {  	_ =	task [dreg:s6], $0x5FFFF  }
0xac: {  	[dreg:$0x1] =	wrdreg $0xFFFFFFFF  }
0xad: {  	[dreg:$0x0] =	wrdreg $0x60  }
0xae: {  	[dreg:$0x2] =	wrdreg s24  }
0xaf: {  	[dreg:$0x3] =	wrdreg $0x0  }
0xb0: {  	[dreg:$0x4] =	wrdreg $0x9  }
0xb1: {  	_ =	task.clear_ibuf [dreg:s6], $0x5FFFF;
	_ =	strace $0x90000046  }
0xb2: {  	s29 =	simm.s32 $0x9;
	_ =	strace $0x80000048  }
0xb3: {  	_ =	swait.ge [sflag:s29], $0x1  }
0xb4: {  	[sflag:s29] =	ssyncadd.s32 $0xFFFFFFFF  }
0xb5: {  	_ =	strace $0x90000048  }
0xb6: {  	_ =	sfence  }
0xb7: {  	s30 =	sld [smem:$0x0];
	_ =	sdelay $0x2  }
0xb8: {  	s31 =	sshll.u32 s1, $0xD;
	s1 =	sshrl.u32 s1, $0x2  }
0xb9: {  	s3 =	sand.u32 $0x4000, s31;
	s1 =	sadd.s32 s1, s30  }
0xba: {  	s0 =	sor.u32 s3, s0;
	s1 =	sshll.u32 s1, $0x11  }
0xbb: {  	s0 =	sor.u32 s1, s0  }
0xbc: {  	s0 =	sadd.s32 $0x8F2B, s0  }
0xbd: {  	[sflag:s0] =	ssyncadd.remote.s32 $0x1  }
0xbe: {  	_ =	sfence.sel $0xFFFF  }
0xbf: {  	[dreg:$0x0] =	wrdreg $0xFFFFFFFF;
	(pc) =	sbr.abs _section_cstart, $3  }
0xc0: {  	[dreg:$0x1] =	wrdreg $0xFFFFFFFF  }
0xc1: {  	_ =	task.clear_ibuf [dreg:s6], $0x2FFFF;
	_ =	strace $0x9FFFFFFF  }
0xc2: {  	(tm) =	ssettm $0x7FFFFFFF  }
0xc3: {  	_ =	shalt  }
tec
execute0_lowered:
.L_overlay_start_1:
0x0: {  	(tag) =	ssettag $0x1  }
0x1: {  	s6 =	rddreg [dreg:$0x0]  }
0x2: {  	s2 =	rddreg [dreg:$0x1]  }
0x3: {  	s0 =	rddreg [dreg:$0x2];
	s3 =	simm.s32 $0x0;
	s4 =	srdreg.scid  }
0x4: {  	s1 =	stileid.u32;
	s14 =	simm.s32 $0x13C00;
	s15 =	simm.s32 $0x80  }
0x5: {  	s16 =	simm.s32 $0x0;
	[smem:$0x7FF] =	sst s3;
	s7 =	sand.u32 $0x1, s4  }
0x6: {  	s8 =	smul.u32 $0x2780, s1;
	s10 =	sadd.s32 $0x17E00, s6;
	s4 =	sadd.s32 $0x21E00, s6  }
0x7: {  	s5 =	sadd.s32 $0x24600, s6;
	s11 =	sshll.u32 s1, $0x1;
	s12 =	smul.u32 $0x4F000, s1  }
0x8: {  	s9 =	smul.u32 $0x27800, s7;
	s24 =	sshll.u32 s7, $0x5;
	s7 =	ssub.s32 $0x2, s7  }
0x9: {  	s31 =	sshll.u32 s1, $0x6;
	_ =	strace $0x80000047;
	s26 =	sshrl.u32 s7, $0x1  }
0xa: {  	s29 =	sshrl.u32 s12, $0x2;
	s8 =	sadd.s32 s8, s9;
	s9 =	sor.u32 s11, s24  }
0xb: {  	s13 =	ssub.s32 s7, s26;
	s12 =	sadd.s32 s29, s2;
	s28 =	smul.u32 $0x1400, s9  }
0xc: {  	s25 =	sadd.s32 s8, s6;
	s30 =	smul.u32 $0x280, s9;
	s6 =	sor.u32 $0x1C01, s31  }
0xd: {  	s11 =	sshrl.u32 s12, $0x3;
	s12 =	simm.s32 $0x1;
	s8 =	sshrl.u32 s28, $0x3  }
0xe: {  	s9 =	sadd.s32 $0x24E00, s25;
	s7 =	sadd.s32 s10, s30;
	s8 =	sadd.s32 s10, s8  }
0xf: {  	s10 =	smax.u32 s13, $0x1;
	s13 =	simm.s32 $0x15000;
	s8 =	sadd.s32 $0x280, s8  }
.LBB2_1:
0x10: {  	[spmem:s11], [sflag:s6] =	dma.local [hbm:s4], $0x2780  }
0x11: {  	_ =	swait.ge [sflag:s12], $0x2780  }
0x12: {  	[sflag:s12] =	ssyncset.done $0x0  }
0x13: {  	[sflag:s12] =	ssyncadd.s32 $0xFFFFD880  }
0x14: {  	[tilespmem:s13], [sflag:$0x1] =	stream.linear.gather [hbm4b:s5+s3], $0x4000, $0x38;
	[tilespmem:$0x19000] =	vst v63  }
0x15: {  	_ =	swait.ge [sflag:s12], $0x4000  }
0x16: {  	[sflag:s12] =	ssyncset.done $0x0  }
0x17: {  	[sflag:s12] =	ssyncadd.s32 $0xFFFFC000  }
0x18: {  	[bflag:$0x0] =	sbarrier.arrive $0xFFFF  }
0x19: {  	[tilespmem:s14], [sflag:$0x1] =	stream.linear.gather [hbm4b:s7+s3], $0x1400, $0x38;
	[tilespmem:$0x19000] =	vst v63  }
0x1a: {  	_ =	swait.ge [sflag:s12], $0x1400  }
0x1b: {  	[sflag:s12] =	ssyncset.done $0x0  }
0x1c: {  	s17 =	simm.s32 $0x13C00;
	[sflag:s12] =	ssyncadd.s32 $0xFFFFEC00  }
0x1d: {  	[spmem:s2] =	stream.indirect.scatter.add.f32 [tilespmem:s13], [sflag:$0x1], $0x80, s17, s15, $0xb8;
	[tilespmem:$0x19000] =	vst v63  }
0x1e: {  	s17 =	simm.s32 $0x200;
	_ =	swait.ge [sflag:s12], $0x4000  }
.LBB2_2:
0x1f: {  	s18 =	sshra.s32 s17, $0x2;
	[sflag:s12] =	ssyncset.done $0x0;
	p0 =	sne.s32 s17, $0x4E00  }
.Ltmp0:
0x20: {  	s18 =	sadd.s32 $0x13C00, s18;
	[sflag:s12] =	ssyncadd.s32 $0xFFFFC000;
	(pc) =	sbr.rel @p0 .LBB2_2-.Ltmp0, $3  }
0x21: {  	[spmem:s2] =	stream.indirect.scatter.add.f32 [tilespmem:s13], [sflag:$0x1], $0x80, s18, s15, $0xb8;
	[tilespmem:$0x19000] =	vst v63  }
0x22: {  	s17 =	sadd.s32 $0x200, s17;
	_ =	sdelay $0x1  }
0x23: {  	_ =	swait.ge [sflag:s12], $0x4000  }
0x24: {  	[sflag:s12] =	ssyncset.done $0x0  }
0x25: {  	s17 =	simm.s32 $0x0;
	[sflag:s12] =	ssyncadd.s32 $0xFFFFC000  }
0x26: {  	[tilespmem:s14], [sflag:$0x1] =	stream.linear.gather [hbm4b:s8+s17], $0x1400, $0x38;
	[tilespmem:$0x19000] =	vst v63  }
0x27: {  	_ =	swait.ge [sflag:s12], $0x1400  }
0x28: {  	[sflag:s12] =	ssyncset.done $0x0  }
0x29: {  	s31 =	simm.s32 $0x13C00;
	[sflag:s12] =	ssyncadd.s32 $0xFFFFEC00  }
0x2a: {  	[spmem:s2] =	stream.indirect.scatter.add.f32 [tilespmem:s13], [sflag:$0x1], $0x80, s31, s15, $0xb8;
	[tilespmem:$0x19000] =	vst v63  }
0x2b: {  	s17 =	simm.s32 $0x200;
	_ =	swait.ge [sflag:s12], $0x4000  }
.LBB2_4:
0x2c: {  	s18 =	sshra.s32 s17, $0x2;
	[sflag:s12] =	ssyncset.done $0x0;
	p0 =	sne.s32 s17, $0x4E00  }
.Ltmp1:
0x2d: {  	s18 =	sadd.s32 $0x13C00, s18;
	[sflag:s12] =	ssyncadd.s32 $0xFFFFC000;
	(pc) =	sbr.rel @p0 .LBB2_4-.Ltmp1, $3  }
0x2e: {  	[spmem:s2] =	stream.indirect.scatter.add.f32 [tilespmem:s13], [sflag:$0x1], $0x80, s18, s15, $0xb8;
	[tilespmem:$0x19000] =	vst v63  }
0x2f: {  	s17 =	sadd.s32 $0x200, s17;
	_ =	sdelay $0x1  }
0x30: {  	_ =	swait.ge [sflag:s12], $0x4000  }
0x31: {  	[sflag:s12] =	ssyncset.done $0x0;
	s16 =	sadd.s32 $0x1, s16  }
0x32: {  	[sflag:s12] =	ssyncadd.s32 $0xFFFFC000;
	p0 =	sne.s32 s16, s10  }
.Ltmp2:
0x33: {  	[bflag:$0x0] =	sbarrier.arrive $0xFFFF;
	(pc) =	sbr.rel @p0 .LBB2_1-.Ltmp2, $4  }
0x34: {  	[hbm:s9], [sflag:s6] =	dma.local [spmem:s11], $0x2780  }
0x35: {  	_ =	swait.ge [sflag:s12], $0x2780  }
0x36: {  	[sflag:s12] =	ssyncset.done $0x0  }
0x37: {  	[sflag:s12] =	ssyncadd.s32 $0xFFFFD880  }
0x38: {  	_ =	sfence.sel $0x180000  }
0x39: {  	[bflag:$0x0] =	sbarrier.arrive $0xFFFF  }
0x3a: {  	p0 =	sne.s32 s1, $0x0;
	_ =	strace $0x90000047  }
0x3b: {  	s0 =	sadd.s32 @!p0 $0x100000, s0;
	[bflag:$0x2] =	sbarrier.arrive $0xFFFF  }
0x3c: {  	[sflag:s0] =	ssyncadd.tile.s32 @!p0 $0x1;
	_ =	shalt  }
.Lfunc_end2:
_tile_overlayer_lowered:
.L_overlay_start_2:
0x3d: {  	(tag) =	ssettag $0x2  }
0x3e: {  	s0 =	rddreg [dreg:$0x0];
	s2 =	stileid.u32  }
0x3f: {  	s1 =	rddreg [dreg:$0x1];
	p0 =	sne.s32 s2, $0x0  }
0x40: {  	s3 =	rddreg [dreg:$0x2];
	[bflag:$0x3] =	sbarrier.arrive $0xFFFF;
	s2 =	simm.s32 @!p0 $0x1C01  }
0x41: {  	[timem:s3], [sflag:s2] =	dma.local @!p0 [hbm:s0], s1  }
0x42: {  	s0 =	simm.s32 @!p0 $0x1  }
0x43: {  	_ =	swait.ge @!p0 [sflag:s0], s1  }
0x44: {  	s1 =	ssub.s32 @!p0 $0x0, s1;
	[sflag:s0] =	ssyncset.done @!p0 $0x0  }
0x45: {  	[sflag:s0] =	ssyncadd.s32 @!p0 s1  }
0x46: {  	[bflag:$0x3] =	sbarrier.arrive $0xFFFF  }
0x47: {  	_ =	shalt  }

// kernel: kernel.16.cloned.1.call-start
scs
__scs_entry_jumppad:
0x0: {  	(pc) =	sbr.rel $0x88, $3  }
0x1: {  	(tag) =	ssettag $0x0;
	lr =	simm.s32 $0x1  }
0x2: {  	[smem:$0x3F9D] =	sst lr;
	_ =	strace $0xD0000000  }
0x3: {  	_ = 	snop  }
0x4: {  	_ = 	snop  }
0x5: {  	_ = 	snop  }
0x6: {  	_ = 	snop  }
0x7: {  	_ = 	snop  }
__scs_overlays_trampoline_lowered:
0x8: {  	[smem:$0x3FAC] =	sst s0  }
0x9: {  	[smem:$0x3FAD] =	sst s1  }
0xa: {  	[smem:$0x3FAE] =	sst s2  }
0xb: {  	[smem:$0x3FAF] =	sst s3  }
0xc: {  	[smem:$0x3FB0] =	sst s4  }
0xd: {  	[smem:$0x3FB1] =	sst s5  }
0xe: {  	[smem:$0x3FB2] =	sst s6  }
0xf: {  	[smem:$0x3FB3] =	sst s7  }
0x10: {  	[smem:$0x3FB4] =	sst s8  }
0x11: {  	[smem:$0x3FB5] =	sst s9;
	s0 =	simm.s32 @!p0 $0x0  }
0x12: {  	s1 =	sld [smem:$0x3F9B];
	s0 =	simm.s32 @p0 $0x1  }
0x13: {  	[smem:$0x3FB6] =	sst s0;
	s0 =	simm.s32 @!p1 $0x0  }
0x14: {  	s2 =	sld [smem:$0x3F9A];
	s0 =	simm.s32 @p1 $0x1  }
0x15: {  	[smem:$0x3FB7] =	sst s0;
	s0 =	simm.s32 @!p2 $0x0  }
0x16: {  	s3 =	sld [smem:$0x3FDB];
	s0 =	simm.s32 @p2 $0x1  }
0x17: {  	s4 =	simm.s32 $0x1BF5;
	[smem:$0x3FB9] =	sst s0  }
0x18: {  	s0 =	sld [smem:$0x3F9C];
	_ =	swait.ge [sflag:s4], $0x0  }
0x19: {  	s7 =	sld [smem:$0x3F9D]  }
0x1a: {  	s8 =	sadd.s32 $0xFFFFE003, lr  }
0x1b: {  	s9 =	sadd.s32 $0xFFFFFEF7, lr;
	s5 =	simm.s32 $0xFFFFFFFF;
	p2 =	slt.u32 s8, $0xFFFFF086  }
0x1c: {  	p1 =	slt.u32 s9, $0xF7A;
	s5 =	simm.s32 @!p2 $0x0  }
0x1d: {  	s5 =	simm.s32 @p1 $0x1;
	p0 =	seq.s32 s7, s2  }
0x1e: {  	s7 =	smul.u32 @!p0 $0xF7A, s2;
	p2 =	seq.s32 @!p0 s5, $0x0  }
0x1f: {  	s9 =	smul.u32 $0xF7A, s1;
	s8 =	simm.s32 @!p0 $0x1BF5;
	p2 =	por !p2, p0  }
0x20: {  	[sflag:s8] =	ssyncset.s32 @!p0 $0xFFFFF086;
	s6 =	sadd.s32 @!p0 s3, s7;
	s7 =	simm.s32 @!p0 $0x108  }
0x21: {  	s3 =	sadd.s32 s3, s9;
	s6 =	sadd.s32 @!p0 $0x88, s6;
	s7 =	simm.s32 @p2 $0x1082  }
0x22: {  	[simem:s7], [sflag:s8] =	dma.local @!p0 [hbm:s6], $0xF7A  }
0x23: {  	s9 =	sor.u32 $0xD0000000, s2;
	s6 =	simm.s32 $0x108;
	_ =	swait.ge @!p0 [sflag:s8], $0x0  }
0x24: {  	s3 =	sadd.s32 $0x88, s3;
	s6 =	simm.s32 @!p1 $0x1082;
	[sflag:s4] =	ssyncset.s32 $0xFFFFF086  }
0x25: {  	[simem:s6], [sflag:s4] =	dma.local [hbm:s3], $0xF7A  }
0x26: {  	[smem:$0x3F9D] =	sst s1;
	(tag) =	ssettag s2;
	_ =	strace s9  }
0x27: {  	s1 =	sld [smem:$0x3FAD]  }
0x28: {  	s2 =	sld [smem:$0x3FAE]  }
0x29: {  	s4 =	sld [smem:$0x3FB0]  }
0x2a: {  	p0 =	seq.s32 s5, $0x0;
	s5 =	sld [smem:$0x3FB1]  }
0x2b: {  	s6 =	sld [smem:$0x3FB2]  }
0x2c: {  	s7 =	sld [smem:$0x3FB3]  }
0x2d: {  	s3 =	simm.s32 $0x108;
	s8 =	sld [smem:$0x3FB4]  }
0x2e: {  	s3 =	simm.s32 @!p0 $0x1082;
	s9 =	sld [smem:$0x3FB5]  }
0x2f: {  	lr =	sadd.s32 s0, s3;
	s0 =	sld [smem:$0x3FAC]  }
0x30: {  	s3 =	sld [smem:$0x3FAF]  }
0x31: {  	[smem:$0x3FB8] =	sst s10  }
0x32: {  	s10 =	sld [smem:$0x3FB6];
	_ =	sdelay $0x3  }
0x33: {  	p0 =	seq.s32 s10, $0x1;
	s10 =	sld [smem:$0x3FB8];
	_ =	sdelay $0x3  }
0x34: {  	[smem:$0x3FB8] =	sst s10  }
0x35: {  	s10 =	sld [smem:$0x3FB7];
	_ =	sdelay $0x3  }
0x36: {  	p1 =	seq.s32 s10, $0x1;
	s10 =	sld [smem:$0x3FB8];
	_ =	sdelay $0x3  }
0x37: {  	[smem:$0x3FB8] =	sst s10  }
0x38: {  	s10 =	sld [smem:$0x3FB9]  }
0x39: {  	_ = 	snop;
	(pc) =	sbr.ind lr, $3  }
0x3a: {  	_ = 	snop  }
0x3b: {  	_ = 	snop  }
0x3c: {  	p2 =	seq.s32 s10, $0x1;
	s10 =	sld [smem:$0x3FB8]  }
0x3d: {  	_ =	shalt  }
0x3e: {  	_ =	shalt  }
0x3f: {  	_ =	shalt  }
0x40: {  	_ =	shalt  }
0x41: {  	_ =	shalt  }
0x42: {  	_ =	shalt  }
0x43: {  	_ =	shalt  }
0x44: {  	_ =	shalt  }
0x45: {  	_ =	shalt  }
0x46: {  	_ =	shalt  }
0x47: {  	_ =	shalt  }
0x48: {  	_ =	shalt  }
0x49: {  	_ =	shalt  }
0x4a: {  	_ =	shalt  }
0x4b: {  	_ =	shalt  }
0x4c: {  	_ =	shalt  }
0x4d: {  	_ =	shalt  }
0x4e: {  	_ =	shalt  }
0x4f: {  	_ =	shalt  }
0x50: {  	_ =	shalt  }
0x51: {  	_ =	shalt  }
0x52: {  	_ =	shalt  }
0x53: {  	_ =	shalt  }
0x54: {  	_ =	shalt  }
0x55: {  	_ =	shalt  }
0x56: {  	_ =	shalt  }
0x57: {  	_ =	shalt  }
0x58: {  	_ =	shalt  }
0x59: {  	_ =	shalt  }
0x5a: {  	_ =	shalt  }
0x5b: {  	_ =	shalt  }
0x5c: {  	_ =	shalt  }
0x5d: {  	_ =	shalt  }
0x5e: {  	_ =	shalt  }
0x5f: {  	_ =	shalt  }
0x60: {  	_ =	shalt  }
0x61: {  	_ =	shalt  }
0x62: {  	_ =	shalt  }
0x63: {  	_ =	shalt  }
0x64: {  	_ =	shalt  }
0x65: {  	_ =	shalt  }
0x66: {  	_ =	shalt  }
0x67: {  	_ =	shalt  }
0x68: {  	_ =	shalt  }
0x69: {  	_ =	shalt  }
0x6a: {  	_ =	shalt  }
0x6b: {  	_ =	shalt  }
0x6c: {  	_ =	shalt  }
0x6d: {  	_ =	shalt  }
0x6e: {  	_ =	shalt  }
0x6f: {  	_ =	shalt  }
0x70: {  	_ =	shalt  }
0x71: {  	_ =	shalt  }
0x72: {  	_ =	shalt  }
0x73: {  	_ =	shalt  }
0x74: {  	_ =	shalt  }
0x75: {  	_ =	shalt  }
0x76: {  	_ =	shalt  }
0x77: {  	_ =	shalt  }
0x78: {  	_ =	shalt  }
0x79: {  	_ =	shalt  }
0x7a: {  	_ =	shalt  }
0x7b: {  	_ =	shalt  }
0x7c: {  	_ =	shalt  }
0x7d: {  	_ =	shalt  }
0x7e: {  	_ =	shalt  }
0x7f: {  	_ =	shalt  }
0x80: {  	_ =	shalt  }
0x81: {  	_ =	shalt  }
0x82: {  	_ =	shalt  }
0x83: {  	_ =	shalt  }
0x84: {  	_ =	shalt  }
0x85: {  	_ =	shalt  }
0x86: {  	_ =	shalt  }
0x87: {  	_ =	shalt  }
.Lfunc_end0:
.L_simem_size_0:
called_computation.1_lowered:
.L_overlay_start_0:
0x88: {  	s2 =	sld [smem:$0x3FD9]  }
0x89: {  	s3 =	sld [smem:$0x3FFE];
	_ =	sdelay $0x1  }
0x8a: {  	s1 =	srdreg.scid  }
0x8b: {  	s0 =	sand.u32 $0x1, s1  }
0x8c: {  	s16 =	sshll.u32 s0, $0xA;
	s2 =	sadd.s32 s3, s2  }
0x8d: {  	s2 =	sadd.s32 s2, s16  }
0x8e: {  	[smem:$0x3FC4] =	sst s2  }
0x8f: {  	_ = 	snop  }
0x90: {  	(tm) =	ssettm $0x1  }
0x91: {  	s17 =	sld [smem:$0x3FFB];
	_ =	sdelay $0x3  }
0x92: {  	_ =	strace s17  }
0x93: {  	s2 =	sld [smem:$0x3FFC];
	_ =	sdelay $0x3  }
0x94: {  	_ =	strace s2  }
0x95: {  	s2 =	sld [smem:$0x3FFD];
	_ =	sdelay $0x3  }
0x96: {  	_ =	strace s2  }
0x97: {  	_ =	strace $0x8FFFFFFF  }
0x98: {  	s18 =	sld [smem:$0x3FDB];
	_ =	sdelay $0x1  }
0x99: {  	s19 =	simm.s32 $_scs_section_size  }
0x9a: {  	s4 =	simm.s32 $_size__tile_overlayer_lowered;
	s5 =	simm.s32 $_tile_overlayer_lowered  }
0x9b: {  	s22 =	simm.s32 $0x1BFF;
	s21 =	sshll.u32 s5, $0x1;
	s2 =	sadd.s32 s19, s18  }
0x9c: {  	s6 =	simm.s32 $0x0;
	s20 =	sshll.u32 s4, $0x1;
	s4 =	sadd.s32 s21, s2  }
0x9d: {  	[timem:s6], [sflag:s22] =	dma.local [hbm:s4], s20  }
0x9e: {  	_ =	swait.ge [sflag:s22], s20  }
0x9f: {  	s3 =	ssub.s32 $0x0, s20;
	[sflag:s22] =	ssyncset.done $0x0  }
0xa0: {  	[sflag:s22] =	ssyncadd.s32 s3;
	_ =	sdelay $0x1  }
0xa1: {  	s23 =	simm.s32 $0x1B8B  }
0xa2: {  	_ =	swait.ge [sflag:s23], $0x1  }
0xa3: {  	[sflag:s23] =	ssyncset.done $0x0  }
0xa4: {  	s25 =	simm.s32 $0x1B8E;
	s24 =	sld [smem:$0x3FFE];
	[sflag:s23] =	ssyncadd.s32 $0xFFFFFFFF  }
0xa5: {  	s26 =	simm.s32 $execute0_lowered;
	[smem:$0x3FD2] =	sst s25  }
0xa6: {  	s4 =	sshll.u32 s26, $0x1;
	_ =	strace $0x80000049;
	[dreg:$0x1] =	wrdreg $0xFFFFFFFF  }
0xa7: {  	s28 =	simm.s32 $_size_execute0_lowered;
	s2 =	sadd.s32 s2, s4;
	[dreg:$0x0] =	wrdreg $0x0  }
0xa8: {  	s4 =	sshll.u32 s28, $0x1;
	[dreg:$0x2] =	wrdreg s2  }
0xa9: {  	[dreg:$0x3] =	wrdreg s4  }
0xaa: {  	[dreg:$0x4] =	wrdreg $0xC0  }
0xab: {  	_ =	task [dreg:s6], $0x5FFFF  }
0xac: {  	[dreg:$0x1] =	wrdreg $0xFFFFFFFF  }
0xad: {  	[dreg:$0x0] =	wrdreg $0x60  }
0xae: {  	[dreg:$0x2] =	wrdreg s24  }
0xaf: {  	[dreg:$0x3] =	wrdreg $0x0  }
0xb0: {  	[dreg:$0x4] =	wrdreg $0x9  }
0xb1: {  	_ =	task.clear_ibuf [dreg:s6], $0x5FFFF;
	_ =	strace $0x90000049  }
0xb2: {  	s29 =	simm.s32 $0x9;
	_ =	strace $0x8000004B  }
0xb3: {  	_ =	swait.ge [sflag:s29], $0x1  }
0xb4: {  	[sflag:s29] =	ssyncadd.s32 $0xFFFFFFFF  }
0xb5: {  	_ =	strace $0x9000004B  }
0xb6: {  	_ =	sfence  }
0xb7: {  	s30 =	sld [smem:$0x0];
	_ =	sdelay $0x2  }
0xb8: {  	s31 =	sshll.u32 s1, $0xD;
	s1 =	sshrl.u32 s1, $0x2  }
0xb9: {  	s3 =	sand.u32 $0x4000, s31;
	s1 =	sadd.s32 s1, s30  }
0xba: {  	s0 =	sor.u32 s3, s0;
	s1 =	sshll.u32 s1, $0x11  }
0xbb: {  	s0 =	sor.u32 s1, s0  }
0xbc: {  	s0 =	sadd.s32 $0x8F2B, s0  }
0xbd: {  	[sflag:s0] =	ssyncadd.remote.s32 $0x1  }
0xbe: {  	_ =	sfence.sel $0xFFFF  }
0xbf: {  	[dreg:$0x0] =	wrdreg $0xFFFFFFFF;
	(pc) =	sbr.abs _section_cstart, $3  }
0xc0: {  	[dreg:$0x1] =	wrdreg $0xFFFFFFFF  }
0xc1: {  	_ =	task.clear_ibuf [dreg:s6], $0x2FFFF;
	_ =	strace $0x9FFFFFFF  }
0xc2: {  	(tm) =	ssettm $0x7FFFFFFF  }
0xc3: {  	_ =	shalt  }
tec
execute0_lowered:
.L_overlay_start_1:
0x0: {  	(tag) =	ssettag $0x1  }
0x1: {  	s6 =	rddreg [dreg:$0x0]  }
0x2: {  	s2 =	rddreg [dreg:$0x1]  }
0x3: {  	s0 =	rddreg [dreg:$0x2];
	s4 =	srdreg.scid  }
0x4: {  	s1 =	stileid.u32;
	s3 =	simm.s32 $0x0;
	s16 =	simm.s32 $0x15000  }
0x5: {  	s17 =	simm.s32 $0x80;
	s18 =	simm.s32 $0x16400;
	s19 =	simm.s32 $0x1  }
0x6: {  	s20 =	simm.s32 $0x0;
	s7 =	sand.u32 $0x1, s4;
	s8 =	smul.u32 $0x2780, s1  }
0x7: {  	[smem:$0x7FF] =	sst s3;
	s4 =	sadd.s32 $0x24600, s6;
	s10 =	sadd.s32 $0xDE00, s6  }
0x8: {  	s11 =	sadd.s32 $0x3E00, s6;
	s5 =	sadd.s32 $0x21E00, s6;
	s14 =	smul.u32 $0x4F000, s1  }
0x9: {  	s12 =	sshll.u32 s1, $0x1;
	s28 =	sshll.u32 s1, $0x6;
	s9 =	smul.u32 $0x27800, s7  }
0xa: {  	_ =	strace $0x8000004A;
	s23 =	ssub.s32 $0x2, s7;
	s7 =	sshll.u32 s7, $0x5  }
0xb: {  	s13 =	sshrl.u32 s23, $0x1;
	s7 =	sor.u32 s12, s7;
	s26 =	sshrl.u32 s14, $0x2  }
0xc: {  	s14 =	simm.s32 $0x2;
	s8 =	sadd.s32 s8, s9;
	s25 =	smul.u32 $0x1400, s7  }
0xd: {  	s13 =	ssub.s32 s23, s13;
	s29 =	smul.u32 $0x280, s7;
	s15 =	sadd.s32 s26, s2  }
0xe: {  	s24 =	sadd.s32 s8, s6;
	s6 =	sor.u32 $0x1C02, s28;
	s12 =	smax.u32 s13, $0x1  }
0xf: {  	s13 =	sshrl.u32 s15, $0x3;
	s15 =	simm.s32 $0x13C00;
	s30 =	sshrl.u32 s25, $0x3  }
0x10: {  	s7 =	sadd.s32 s10, s29;
	s8 =	sadd.s32 s11, s29;
	s31 =	sadd.s32 $0x280, s30  }
0x11: {  	s9 =	sadd.s32 s10, s31;
	s10 =	sadd.s32 s11, s31;
	s11 =	sadd.s32 $0x139600, s24  }
.LBB2_1:
0x12: {  	[spmem:s13], [sflag:s6] =	dma.local [hbm:s5], $0x2780  }
0x13: {  	_ =	swait.ge [sflag:s14], $0x2780  }
0x14: {  	[sflag:s14] =	ssyncset.done $0x0  }
0x15: {  	[sflag:s14] =	ssyncadd.s32 $0xFFFFD880  }
0x16: {  	[bflag:$0x0] =	sbarrier.arrive $0xFFFF  }
0x17: {  	[tilespmem:s15], [sflag:$0x2] =	stream.linear.gather [hbm4b:s7+s3], $0x1400, $0x38;
	[tilespmem:$0x1A400] =	vst v63  }
0x18: {  	_ =	swait.ge [sflag:s14], $0x1400  }
0x19: {  	[sflag:s14] =	ssyncset.done $0x0  }
0x1a: {  	[sflag:s14] =	ssyncadd.s32 $0xFFFFEC00  }
0x1b: {  	[tilespmem:s16], [sflag:$0x2] =	stream.linear.gather [hbm4b:s8+s3], $0x1400, $0x38;
	[tilespmem:$0x1A400] =	vst v63  }
0x1c: {  	_ =	swait.ge [sflag:s14], $0x1400  }
0x1d: {  	[sflag:s14] =	ssyncset.done $0x0  }
0x1e: {  	s21 =	simm.s32 $0x13C00;
	[sflag:s14] =	ssyncadd.s32 $0xFFFFEC00  }
0x1f: {  	[tilespmem:s18], [sflag:$0x1] =	stream.indirect.gather [hbm4b:s4+s17], $0x80, s21, s17, $0xb8;
	[tilespmem:$0x1A400] =	vst v63  }
0x20: {  	_ =	swait.ge [sflag:s19], $0x4000  }
0x21: {  	[sflag:s19] =	ssyncset.done $0x0  }
0x22: {  	s31 =	simm.s32 $0x15000;
	[sflag:s19] =	ssyncadd.s32 $0xFFFFC000  }
0x23: {  	[spmem:s2] =	stream.indirect.scatter.add.f32 [tilespmem:s18], [sflag:$0x2], $0x80, s31, s17, $0xb8;
	[tilespmem:$0x1A400] =	vst v63  }
0x24: {  	_ =	swait.ge [sflag:s14], $0x4000  }
0x25: {  	s22 =	simm.s32 $0x400;
	s21 =	simm.s32 $0x80;
	[sflag:s14] =	ssyncset.done $0x0  }
.LBB2_2:
0x26: {  	s23 =	sadd.s32 $0x13C00, s21  }
0x27: {  	[sflag:s14] =	ssyncadd.s32 $0xFFFFC000;
	s24 =	smov.u32 s22;
	s25 =	sadd.s32 $0x200, s22  }
0x28: {  	[tilespmem:s18], [sflag:$0x1] =	stream.indirect.gather [hbm4b:s4+s17], $0x80, s23, s17, $0xb8;
	[tilespmem:$0x1A400] =	vst v63  }
0x29: {  	p0 =	sne.s32 s22, $0x4E00;
	_ =	swait.ge [sflag:s19], $0x4000  }
.Ltmp0:
0x2a: {  	[sflag:s19] =	ssyncset.done $0x0;
	(pc) =	sbr.rel @p0 .LBB2_2-.Ltmp0, $4  }
0x2b: {  	s21 =	sadd.s32 $0x15000, s21;
	[sflag:s19] =	ssyncadd.s32 $0xFFFFC000  }
0x2c: {  	[spmem:s2] =	stream.indirect.scatter.add.f32 [tilespmem:s18], [sflag:$0x2], $0x80, s21, s17, $0xb8;
	[tilespmem:$0x1A400] =	vst v63  }
0x2d: {  	_ =	swait.ge [sflag:s14], $0x4000  }
0x2e: {  	s22 =	smov.u32 s25;
	s21 =	sshra.s32 s24, $0x2;
	[sflag:s14] =	ssyncset.done $0x0  }
0x2f: {  	s22 =	sadd.s32 $0x13C00, s21;
	[sflag:s14] =	ssyncadd.s32 $0xFFFFC000  }
0x30: {  	[tilespmem:s18], [sflag:$0x1] =	stream.indirect.gather [hbm4b:s4+s17], $0x80, s22, s17, $0xb8;
	[tilespmem:$0x1A400] =	vst v63  }
0x31: {  	_ =	swait.ge [sflag:s19], $0x4000  }
0x32: {  	[sflag:s19] =	ssyncset.done $0x0  }
0x33: {  	s28 =	sadd.s32 $0x15000, s21;
	[sflag:s19] =	ssyncadd.s32 $0xFFFFC000  }
0x34: {  	[spmem:s2] =	stream.indirect.scatter.add.f32 [tilespmem:s18], [sflag:$0x2], $0x80, s28, s17, $0xb8;
	[tilespmem:$0x1A400] =	vst v63  }
0x35: {  	_ =	swait.ge [sflag:s14], $0x4000  }
0x36: {  	[sflag:s14] =	ssyncset.done $0x0  }
0x37: {  	s29 =	simm.s32 $0x0;
	[sflag:s14] =	ssyncadd.s32 $0xFFFFC000  }
0x38: {  	[tilespmem:s15], [sflag:$0x2] =	stream.linear.gather [hbm4b:s9+s29], $0x1400, $0x38;
	[tilespmem:$0x1A400] =	vst v63  }
0x39: {  	_ =	swait.ge [sflag:s14], $0x1400  }
0x3a: {  	[sflag:s14] =	ssyncset.done $0x0  }
0x3b: {  	[sflag:s14] =	ssyncadd.s32 $0xFFFFEC00  }
0x3c: {  	[tilespmem:s16], [sflag:$0x2] =	stream.linear.gather [hbm4b:s10+s29], $0x1400, $0x38;
	[tilespmem:$0x1A400] =	vst v63  }
0x3d: {  	_ =	swait.ge [sflag:s14], $0x1400  }
0x3e: {  	[sflag:s14] =	ssyncset.done $0x0  }
0x3f: {  	s30 =	simm.s32 $0x13C00;
	[sflag:s14] =	ssyncadd.s32 $0xFFFFEC00  }
0x40: {  	[tilespmem:s18], [sflag:$0x1] =	stream.indirect.gather [hbm4b:s4+s17], $0x80, s30, s17, $0xb8;
	[tilespmem:$0x1A400] =	vst v63  }
0x41: {  	_ =	swait.ge [sflag:s19], $0x4000  }
0x42: {  	[sflag:s19] =	ssyncset.done $0x0  }
0x43: {  	s31 =	simm.s32 $0x15000;
	[sflag:s19] =	ssyncadd.s32 $0xFFFFC000  }
0x44: {  	[spmem:s2] =	stream.indirect.scatter.add.f32 [tilespmem:s18], [sflag:$0x2], $0x80, s31, s17, $0xb8;
	[tilespmem:$0x1A400] =	vst v63  }
0x45: {  	_ =	swait.ge [sflag:s14], $0x4000  }
0x46: {  	s21 =	simm.s32 $0x80;
	s22 =	simm.s32 $0x400;
	[sflag:s14] =	ssyncset.done $0x0  }
.LBB2_4:
0x47: {  	s23 =	sadd.s32 $0x13C00, s21  }
0x48: {  	[sflag:s14] =	ssyncadd.s32 $0xFFFFC000;
	s24 =	smov.u32 s22;
	s25 =	sadd.s32 $0x200, s22  }
0x49: {  	[tilespmem:s18], [sflag:$0x1] =	stream.indirect.gather [hbm4b:s4+s17], $0x80, s23, s17, $0xb8;
	[tilespmem:$0x1A400] =	vst v63  }
0x4a: {  	p0 =	sne.s32 s22, $0x4E00;
	_ =	swait.ge [sflag:s19], $0x4000  }
.Ltmp1:
0x4b: {  	[sflag:s19] =	ssyncset.done $0x0;
	(pc) =	sbr.rel @p0 .LBB2_4-.Ltmp1, $4  }
0x4c: {  	s21 =	sadd.s32 $0x15000, s21;
	[sflag:s19] =	ssyncadd.s32 $0xFFFFC000  }
0x4d: {  	[spmem:s2] =	stream.indirect.scatter.add.f32 [tilespmem:s18], [sflag:$0x2], $0x80, s21, s17, $0xb8;
	[tilespmem:$0x1A400] =	vst v63  }
0x4e: {  	_ =	swait.ge [sflag:s14], $0x4000  }
0x4f: {  	s22 =	smov.u32 s25;
	s21 =	sshra.s32 s24, $0x2;
	[sflag:s14] =	ssyncset.done $0x0  }
0x50: {  	s22 =	sadd.s32 $0x13C00, s21;
	[sflag:s14] =	ssyncadd.s32 $0xFFFFC000  }
0x51: {  	[tilespmem:s18], [sflag:$0x1] =	stream.indirect.gather [hbm4b:s4+s17], $0x80, s22, s17, $0xb8;
	[tilespmem:$0x1A400] =	vst v63  }
0x52: {  	_ =	swait.ge [sflag:s19], $0x4000  }
0x53: {  	[sflag:s19] =	ssyncset.done $0x0  }
0x54: {  	s31 =	sadd.s32 $0x15000, s21;
	[sflag:s19] =	ssyncadd.s32 $0xFFFFC000  }
0x55: {  	[spmem:s2] =	stream.indirect.scatter.add.f32 [tilespmem:s18], [sflag:$0x2], $0x80, s31, s17, $0xb8;
	[tilespmem:$0x1A400] =	vst v63  }
0x56: {  	_ =	swait.ge [sflag:s14], $0x4000  }
0x57: {  	s20 =	sadd.s32 $0x1, s20;
	[sflag:s14] =	ssyncset.done $0x0  }
0x58: {  	p0 =	sne.s32 s20, s12;
	[sflag:s14] =	ssyncadd.s32 $0xFFFFC000  }
.Ltmp2:
0x59: {  	[bflag:$0x0] =	sbarrier.arrive $0xFFFF;
	(pc) =	sbr.rel @p0 .LBB2_1-.Ltmp2, $4  }
0x5a: {  	[hbm:s11], [sflag:s6] =	dma.local [spmem:s13], $0x2780  }
0x5b: {  	_ =	swait.ge [sflag:s14], $0x2780  }
0x5c: {  	[sflag:s14] =	ssyncset.done $0x0  }
0x5d: {  	[sflag:s14] =	ssyncadd.s32 $0xFFFFD880  }
0x5e: {  	_ =	sfence.sel $0x180000  }
0x5f: {  	[bflag:$0x0] =	sbarrier.arrive $0xFFFF  }
0x60: {  	p0 =	sne.s32 s1, $0x0;
	_ =	strace $0x9000004A  }
0x61: {  	s0 =	sadd.s32 @!p0 $0x100000, s0;
	[bflag:$0x2] =	sbarrier.arrive $0xFFFF  }
0x62: {  	[sflag:s0] =	ssyncadd.tile.s32 @!p0 $0x1;
	_ =	shalt  }
.Lfunc_end2:
_tile_overlayer_lowered:
.L_overlay_start_2:
0x63: {  	(tag) =	ssettag $0x2  }
0x64: {  	s0 =	rddreg [dreg:$0x0];
	s2 =	stileid.u32  }
0x65: {  	s1 =	rddreg [dreg:$0x1];
	p0 =	sne.s32 s2, $0x0  }
0x66: {  	s3 =	rddreg [dreg:$0x2];
	[bflag:$0x3] =	sbarrier.arrive $0xFFFF;
	s2 =	simm.s32 @!p0 $0x1C02  }
0x67: {  	[timem:s3], [sflag:s2] =	dma.local @!p0 [hbm:s0], s1  }
0x68: {  	s0 =	simm.s32 @!p0 $0x2  }
0x69: {  	_ =	swait.ge @!p0 [sflag:s0], s1  }
0x6a: {  	s1 =	ssub.s32 @!p0 $0x0, s1;
	[sflag:s0] =	ssyncset.done @!p0 $0x0  }
0x6b: {  	[sflag:s0] =	ssyncadd.s32 @!p0 s1  }
0x6c: {  	[bflag:$0x3] =	sbarrier.arrive $0xFFFF  }
0x6d: {  	_ =	shalt  }

// kernel: kernel.19.cloned.1.call-start
scs
__scs_entry_jumppad:
0x0: {  	(pc) =	sbr.rel $0x88, $3  }
0x1: {  	(tag) =	ssettag $0x0;
	lr =	simm.s32 $0x1  }
0x2: {  	[smem:$0x3F9D] =	sst lr;
	_ =	strace $0xD0000000  }
0x3: {  	_ = 	snop  }
0x4: {  	_ = 	snop  }
0x5: {  	_ = 	snop  }
0x6: {  	_ = 	snop  }
0x7: {  	_ = 	snop  }
__scs_overlays_trampoline_lowered:
0x8: {  	[smem:$0x3FAC] =	sst s0  }
0x9: {  	[smem:$0x3FAD] =	sst s1  }
0xa: {  	[smem:$0x3FAE] =	sst s2  }
0xb: {  	[smem:$0x3FAF] =	sst s3  }
0xc: {  	[smem:$0x3FB0] =	sst s4  }
0xd: {  	[smem:$0x3FB1] =	sst s5  }
0xe: {  	[smem:$0x3FB2] =	sst s6  }
0xf: {  	[smem:$0x3FB3] =	sst s7  }
0x10: {  	[smem:$0x3FB4] =	sst s8  }
0x11: {  	[smem:$0x3FB5] =	sst s9;
	s0 =	simm.s32 @!p0 $0x0  }
0x12: {  	s1 =	sld [smem:$0x3F9B];
	s0 =	simm.s32 @p0 $0x1  }
0x13: {  	[smem:$0x3FB6] =	sst s0;
	s0 =	simm.s32 @!p1 $0x0  }
0x14: {  	s2 =	sld [smem:$0x3F9A];
	s0 =	simm.s32 @p1 $0x1  }
0x15: {  	[smem:$0x3FB7] =	sst s0;
	s0 =	simm.s32 @!p2 $0x0  }
0x16: {  	s3 =	sld [smem:$0x3FDB];
	s0 =	simm.s32 @p2 $0x1  }
0x17: {  	s4 =	simm.s32 $0x1BF5;
	[smem:$0x3FB9] =	sst s0  }
0x18: {  	s0 =	sld [smem:$0x3F9C];
	_ =	swait.ge [sflag:s4], $0x0  }
0x19: {  	s7 =	sld [smem:$0x3F9D]  }
0x1a: {  	s8 =	sadd.s32 $0xFFFFE003, lr  }
0x1b: {  	s9 =	sadd.s32 $0xFFFFFEF7, lr;
	s5 =	simm.s32 $0xFFFFFFFF;
	p2 =	slt.u32 s8, $0xFFFFF086  }
0x1c: {  	p1 =	slt.u32 s9, $0xF7A;
	s5 =	simm.s32 @!p2 $0x0  }
0x1d: {  	s5 =	simm.s32 @p1 $0x1;
	p0 =	seq.s32 s7, s2  }
0x1e: {  	s7 =	smul.u32 @!p0 $0xF7A, s2;
	p2 =	seq.s32 @!p0 s5, $0x0  }
0x1f: {  	s9 =	smul.u32 $0xF7A, s1;
	s8 =	simm.s32 @!p0 $0x1BF5;
	p2 =	por !p2, p0  }
0x20: {  	[sflag:s8] =	ssyncset.s32 @!p0 $0xFFFFF086;
	s6 =	sadd.s32 @!p0 s3, s7;
	s7 =	simm.s32 @!p0 $0x108  }
0x21: {  	s3 =	sadd.s32 s3, s9;
	s6 =	sadd.s32 @!p0 $0x88, s6;
	s7 =	simm.s32 @p2 $0x1082  }
0x22: {  	[simem:s7], [sflag:s8] =	dma.local @!p0 [hbm:s6], $0xF7A  }
0x23: {  	s9 =	sor.u32 $0xD0000000, s2;
	s6 =	simm.s32 $0x108;
	_ =	swait.ge @!p0 [sflag:s8], $0x0  }
0x24: {  	s3 =	sadd.s32 $0x88, s3;
	s6 =	simm.s32 @!p1 $0x1082;
	[sflag:s4] =	ssyncset.s32 $0xFFFFF086  }
0x25: {  	[simem:s6], [sflag:s4] =	dma.local [hbm:s3], $0xF7A  }
0x26: {  	[smem:$0x3F9D] =	sst s1;
	(tag) =	ssettag s2;
	_ =	strace s9  }
0x27: {  	s1 =	sld [smem:$0x3FAD]  }
0x28: {  	s2 =	sld [smem:$0x3FAE]  }
0x29: {  	s4 =	sld [smem:$0x3FB0]  }
0x2a: {  	p0 =	seq.s32 s5, $0x0;
	s5 =	sld [smem:$0x3FB1]  }
0x2b: {  	s6 =	sld [smem:$0x3FB2]  }
0x2c: {  	s7 =	sld [smem:$0x3FB3]  }
0x2d: {  	s3 =	simm.s32 $0x108;
	s8 =	sld [smem:$0x3FB4]  }
0x2e: {  	s3 =	simm.s32 @!p0 $0x1082;
	s9 =	sld [smem:$0x3FB5]  }
0x2f: {  	lr =	sadd.s32 s0, s3;
	s0 =	sld [smem:$0x3FAC]  }
0x30: {  	s3 =	sld [smem:$0x3FAF]  }
0x31: {  	[smem:$0x3FB8] =	sst s10  }
0x32: {  	s10 =	sld [smem:$0x3FB6];
	_ =	sdelay $0x3  }
0x33: {  	p0 =	seq.s32 s10, $0x1;
	s10 =	sld [smem:$0x3FB8];
	_ =	sdelay $0x3  }
0x34: {  	[smem:$0x3FB8] =	sst s10  }
0x35: {  	s10 =	sld [smem:$0x3FB7];
	_ =	sdelay $0x3  }
0x36: {  	p1 =	seq.s32 s10, $0x1;
	s10 =	sld [smem:$0x3FB8];
	_ =	sdelay $0x3  }
0x37: {  	[smem:$0x3FB8] =	sst s10  }
0x38: {  	s10 =	sld [smem:$0x3FB9]  }
0x39: {  	_ = 	snop;
	(pc) =	sbr.ind lr, $3  }
0x3a: {  	_ = 	snop  }
0x3b: {  	_ = 	snop  }
0x3c: {  	p2 =	seq.s32 s10, $0x1;
	s10 =	sld [smem:$0x3FB8]  }
0x3d: {  	_ =	shalt  }
0x3e: {  	_ =	shalt  }
0x3f: {  	_ =	shalt  }
0x40: {  	_ =	shalt  }
0x41: {  	_ =	shalt  }
0x42: {  	_ =	shalt  }
0x43: {  	_ =	shalt  }
0x44: {  	_ =	shalt  }
0x45: {  	_ =	shalt  }
0x46: {  	_ =	shalt  }
0x47: {  	_ =	shalt  }
0x48: {  	_ =	shalt  }
0x49: {  	_ =	shalt  }
0x4a: {  	_ =	shalt  }
0x4b: {  	_ =	shalt  }
0x4c: {  	_ =	shalt  }
0x4d: {  	_ =	shalt  }
0x4e: {  	_ =	shalt  }
0x4f: {  	_ =	shalt  }
0x50: {  	_ =	shalt  }
0x51: {  	_ =	shalt  }
0x52: {  	_ =	shalt  }
0x53: {  	_ =	shalt  }
0x54: {  	_ =	shalt  }
0x55: {  	_ =	shalt  }
0x56: {  	_ =	shalt  }
0x57: {  	_ =	shalt  }
0x58: {  	_ =	shalt  }
0x59: {  	_ =	shalt  }
0x5a: {  	_ =	shalt  }
0x5b: {  	_ =	shalt  }
0x5c: {  	_ =	shalt  }
0x5d: {  	_ =	shalt  }
0x5e: {  	_ =	shalt  }
0x5f: {  	_ =	shalt  }
0x60: {  	_ =	shalt  }
0x61: {  	_ =	shalt  }
0x62: {  	_ =	shalt  }
0x63: {  	_ =	shalt  }
0x64: {  	_ =	shalt  }
0x65: {  	_ =	shalt  }
0x66: {  	_ =	shalt  }
0x67: {  	_ =	shalt  }
0x68: {  	_ =	shalt  }
0x69: {  	_ =	shalt  }
0x6a: {  	_ =	shalt  }
0x6b: {  	_ =	shalt  }
0x6c: {  	_ =	shalt  }
0x6d: {  	_ =	shalt  }
0x6e: {  	_ =	shalt  }
0x6f: {  	_ =	shalt  }
0x70: {  	_ =	shalt  }
0x71: {  	_ =	shalt  }
0x72: {  	_ =	shalt  }
0x73: {  	_ =	shalt  }
0x74: {  	_ =	shalt  }
0x75: {  	_ =	shalt  }
0x76: {  	_ =	shalt  }
0x77: {  	_ =	shalt  }
0x78: {  	_ =	shalt  }
0x79: {  	_ =	shalt  }
0x7a: {  	_ =	shalt  }
0x7b: {  	_ =	shalt  }
0x7c: {  	_ =	shalt  }
0x7d: {  	_ =	shalt  }
0x7e: {  	_ =	shalt  }
0x7f: {  	_ =	shalt  }
0x80: {  	_ =	shalt  }
0x81: {  	_ =	shalt  }
0x82: {  	_ =	shalt  }
0x83: {  	_ =	shalt  }
0x84: {  	_ =	shalt  }
0x85: {  	_ =	shalt  }
0x86: {  	_ =	shalt  }
0x87: {  	_ =	shalt  }
.Lfunc_end0:
.L_simem_size_0:
called_computation.2_lowered:
.L_overlay_start_0:
0x88: {  	s2 =	sld [smem:$0x3FD9]  }
0x89: {  	s3 =	sld [smem:$0x3FFE];
	_ =	sdelay $0x1  }
0x8a: {  	s1 =	srdreg.scid  }
0x8b: {  	s0 =	sand.u32 $0x1, s1  }
0x8c: {  	s16 =	sshll.u32 s0, $0xA;
	s2 =	sadd.s32 s3, s2  }
0x8d: {  	s2 =	sadd.s32 s2, s16  }
0x8e: {  	[smem:$0x3FC4] =	sst s2  }
0x8f: {  	_ = 	snop  }
0x90: {  	(tm) =	ssettm $0x1  }
0x91: {  	s17 =	sld [smem:$0x3FFB];
	_ =	sdelay $0x3  }
0x92: {  	_ =	strace s17  }
0x93: {  	s2 =	sld [smem:$0x3FFC];
	_ =	sdelay $0x3  }
0x94: {  	_ =	strace s2  }
0x95: {  	s2 =	sld [smem:$0x3FFD];
	_ =	sdelay $0x3  }
0x96: {  	_ =	strace s2  }
0x97: {  	_ =	strace $0x8FFFFFFF  }
0x98: {  	s18 =	sld [smem:$0x3FDB];
	_ =	sdelay $0x1  }
0x99: {  	s19 =	simm.s32 $_scs_section_size  }
0x9a: {  	s4 =	simm.s32 $_size__tile_overlayer_lowered;
	s5 =	simm.s32 $_tile_overlayer_lowered  }
0x9b: {  	s22 =	simm.s32 $0x1BFF;
	s21 =	sshll.u32 s5, $0x1;
	s2 =	sadd.s32 s19, s18  }
0x9c: {  	s6 =	simm.s32 $0x0;
	s20 =	sshll.u32 s4, $0x1;
	s4 =	sadd.s32 s21, s2  }
0x9d: {  	[timem:s6], [sflag:s22] =	dma.local [hbm:s4], s20  }
0x9e: {  	_ =	swait.ge [sflag:s22], s20  }
0x9f: {  	s3 =	ssub.s32 $0x0, s20;
	[sflag:s22] =	ssyncset.done $0x0  }
0xa0: {  	[sflag:s22] =	ssyncadd.s32 s3;
	_ =	sdelay $0x1  }
0xa1: {  	s23 =	simm.s32 $0x1B8B  }
0xa2: {  	_ =	swait.ge [sflag:s23], $0x1  }
0xa3: {  	[sflag:s23] =	ssyncset.done $0x0  }
0xa4: {  	s25 =	simm.s32 $0x1B8E;
	s24 =	sld [smem:$0x3FFE];
	[sflag:s23] =	ssyncadd.s32 $0xFFFFFFFF  }
0xa5: {  	s26 =	simm.s32 $execute0_lowered;
	[smem:$0x3FD2] =	sst s25  }
0xa6: {  	s4 =	sshll.u32 s26, $0x1;
	_ =	strace $0x8000004C;
	[dreg:$0x1] =	wrdreg $0xFFFFFFFF  }
0xa7: {  	s28 =	simm.s32 $_size_execute0_lowered;
	s2 =	sadd.s32 s2, s4;
	[dreg:$0x0] =	wrdreg $0x0  }
0xa8: {  	s4 =	sshll.u32 s28, $0x1;
	[dreg:$0x2] =	wrdreg s2  }
0xa9: {  	[dreg:$0x3] =	wrdreg s4  }
0xaa: {  	[dreg:$0x4] =	wrdreg $0xC0  }
0xab: {  	_ =	task [dreg:s6], $0x5FFFF  }
0xac: {  	[dreg:$0x1] =	wrdreg $0xFFFFFFFF  }
0xad: {  	[dreg:$0x0] =	wrdreg $0x60  }
0xae: {  	[dreg:$0x2] =	wrdreg s24  }
0xaf: {  	[dreg:$0x3] =	wrdreg $0x0  }
0xb0: {  	[dreg:$0x4] =	wrdreg $0x9  }
0xb1: {  	_ =	task.clear_ibuf [dreg:s6], $0x5FFFF;
	_ =	strace $0x9000004C  }
0xb2: {  	s29 =	simm.s32 $0x9;
	_ =	strace $0x8000004E  }
0xb3: {  	_ =	swait.ge [sflag:s29], $0x1  }
0xb4: {  	[sflag:s29] =	ssyncadd.s32 $0xFFFFFFFF  }
0xb5: {  	_ =	strace $0x9000004E  }
0xb6: {  	_ =	sfence  }
0xb7: {  	s30 =	sld [smem:$0x0];
	_ =	sdelay $0x2  }
0xb8: {  	s31 =	sshll.u32 s1, $0xD;
	s1 =	sshrl.u32 s1, $0x2  }
0xb9: {  	s3 =	sand.u32 $0x4000, s31;
	s1 =	sadd.s32 s1, s30  }
0xba: {  	s0 =	sor.u32 s3, s0;
	s1 =	sshll.u32 s1, $0x11  }
0xbb: {  	s0 =	sor.u32 s1, s0  }
0xbc: {  	s0 =	sadd.s32 $0x8F2B, s0  }
0xbd: {  	[sflag:s0] =	ssyncadd.remote.s32 $0x1  }
0xbe: {  	_ =	sfence.sel $0xFFFF  }
0xbf: {  	[dreg:$0x0] =	wrdreg $0xFFFFFFFF;
	(pc) =	sbr.abs _section_cstart, $3  }
0xc0: {  	[dreg:$0x1] =	wrdreg $0xFFFFFFFF  }
0xc1: {  	_ =	task.clear_ibuf [dreg:s6], $0x2FFFF;
	_ =	strace $0x9FFFFFFF  }
0xc2: {  	(tm) =	ssettm $0x7FFFFFFF  }
0xc3: {  	_ =	shalt  }
tec
execute0_lowered:
.L_overlay_start_1:
0x0: {  	(tag) =	ssettag $0x1  }
0x1: {  	s6 =	rddreg [dreg:$0x0]  }
0x2: {  	s2 =	rddreg [dreg:$0x1]  }
0x3: {  	s0 =	rddreg [dreg:$0x2];
	s4 =	srdreg.scid  }
0x4: {  	s1 =	stileid.u32;
	s3 =	simm.s32 $0x0;
	s16 =	simm.s32 $0x15000  }
0x5: {  	s17 =	simm.s32 $0x80;
	s18 =	simm.s32 $0x16400;
	s19 =	simm.s32 $0x1  }
0x6: {  	s20 =	simm.s32 $0x0;
	s7 =	sand.u32 $0x1, s4;
	s8 =	smul.u32 $0x2780, s1  }
0x7: {  	[smem:$0x7FF] =	sst s3;
	s4 =	sadd.s32 $0x24600, s6;
	s10 =	sadd.s32 $0xDE00, s6  }
0x8: {  	s11 =	sadd.s32 $0x3E00, s6;
	s5 =	sadd.s32 $0x21E00, s6;
	s14 =	smul.u32 $0x4F000, s1  }
0x9: {  	s12 =	sshll.u32 s1, $0x1;
	s28 =	sshll.u32 s1, $0x6;
	s9 =	smul.u32 $0x27800, s7  }
0xa: {  	_ =	strace $0x8000004D;
	s23 =	ssub.s32 $0x2, s7;
	s7 =	sshll.u32 s7, $0x5  }
0xb: {  	s13 =	sshrl.u32 s23, $0x1;
	s7 =	sor.u32 s12, s7;
	s26 =	sshrl.u32 s14, $0x2  }
0xc: {  	s14 =	simm.s32 $0x2;
	s8 =	sadd.s32 s8, s9;
	s25 =	smul.u32 $0x1400, s7  }
0xd: {  	s13 =	ssub.s32 s23, s13;
	s29 =	smul.u32 $0x280, s7;
	s15 =	sadd.s32 s26, s2  }
0xe: {  	s24 =	sadd.s32 s8, s6;
	s6 =	sor.u32 $0x1C02, s28;
	s12 =	smax.u32 s13, $0x1  }
0xf: {  	s13 =	sshrl.u32 s15, $0x3;
	s15 =	simm.s32 $0x13C00;
	s30 =	sshrl.u32 s25, $0x3  }
0x10: {  	s7 =	sadd.s32 s10, s29;
	s8 =	sadd.s32 s11, s29;
	s31 =	sadd.s32 $0x280, s30  }
0x11: {  	s9 =	sadd.s32 s10, s31;
	s10 =	sadd.s32 s11, s31;
	s11 =	sadd.s32 $0x139600, s24  }
.LBB2_1:
0x12: {  	[spmem:s13], [sflag:s6] =	dma.local [hbm:s5], $0x2780  }
0x13: {  	_ =	swait.ge [sflag:s14], $0x2780  }
0x14: {  	[sflag:s14] =	ssyncset.done $0x0  }
0x15: {  	[sflag:s14] =	ssyncadd.s32 $0xFFFFD880  }
0x16: {  	[bflag:$0x0] =	sbarrier.arrive $0xFFFF  }
0x17: {  	[tilespmem:s15], [sflag:$0x2] =	stream.linear.gather [hbm4b:s7+s3], $0x1400, $0x38;
	[tilespmem:$0x1A400] =	vst v63  }
0x18: {  	_ =	swait.ge [sflag:s14], $0x1400  }
0x19: {  	[sflag:s14] =	ssyncset.done $0x0  }
0x1a: {  	[sflag:s14] =	ssyncadd.s32 $0xFFFFEC00  }
0x1b: {  	[tilespmem:s16], [sflag:$0x2] =	stream.linear.gather [hbm4b:s8+s3], $0x1400, $0x38;
	[tilespmem:$0x1A400] =	vst v63  }
0x1c: {  	_ =	swait.ge [sflag:s14], $0x1400  }
0x1d: {  	[sflag:s14] =	ssyncset.done $0x0  }
0x1e: {  	s21 =	simm.s32 $0x13C00;
	[sflag:s14] =	ssyncadd.s32 $0xFFFFEC00  }
0x1f: {  	[tilespmem:s18], [sflag:$0x1] =	stream.indirect.gather [hbm4b:s4+s17], $0x80, s21, s17, $0xb8;
	[tilespmem:$0x1A400] =	vst v63  }
0x20: {  	_ =	swait.ge [sflag:s19], $0x4000  }
0x21: {  	[sflag:s19] =	ssyncset.done $0x0  }
0x22: {  	s31 =	simm.s32 $0x15000;
	[sflag:s19] =	ssyncadd.s32 $0xFFFFC000  }
0x23: {  	[spmem:s2] =	stream.indirect.scatter.add.f32 [tilespmem:s18], [sflag:$0x2], $0x80, s31, s17, $0xb8;
	[tilespmem:$0x1A400] =	vst v63  }
0x24: {  	_ =	swait.ge [sflag:s14], $0x4000  }
0x25: {  	s22 =	simm.s32 $0x400;
	s21 =	simm.s32 $0x80;
	[sflag:s14] =	ssyncset.done $0x0  }
.LBB2_2:
0x26: {  	s23 =	sadd.s32 $0x13C00, s21  }
0x27: {  	[sflag:s14] =	ssyncadd.s32 $0xFFFFC000;
	s24 =	smov.u32 s22;
	s25 =	sadd.s32 $0x200, s22  }
0x28: {  	[tilespmem:s18], [sflag:$0x1] =	stream.indirect.gather [hbm4b:s4+s17], $0x80, s23, s17, $0xb8;
	[tilespmem:$0x1A400] =	vst v63  }
0x29: {  	p0 =	sne.s32 s22, $0x4E00;
	_ =	swait.ge [sflag:s19], $0x4000  }
.Ltmp0:
0x2a: {  	[sflag:s19] =	ssyncset.done $0x0;
	(pc) =	sbr.rel @p0 .LBB2_2-.Ltmp0, $4  }
0x2b: {  	s21 =	sadd.s32 $0x15000, s21;
	[sflag:s19] =	ssyncadd.s32 $0xFFFFC000  }
0x2c: {  	[spmem:s2] =	stream.indirect.scatter.add.f32 [tilespmem:s18], [sflag:$0x2], $0x80, s21, s17, $0xb8;
	[tilespmem:$0x1A400] =	vst v63  }
0x2d: {  	_ =	swait.ge [sflag:s14], $0x4000  }
0x2e: {  	s22 =	smov.u32 s25;
	s21 =	sshra.s32 s24, $0x2;
	[sflag:s14] =	ssyncset.done $0x0  }
0x2f: {  	s22 =	sadd.s32 $0x13C00, s21;
	[sflag:s14] =	ssyncadd.s32 $0xFFFFC000  }
0x30: {  	[tilespmem:s18], [sflag:$0x1] =	stream.indirect.gather [hbm4b:s4+s17], $0x80, s22, s17, $0xb8;
	[tilespmem:$0x1A400] =	vst v63  }
0x31: {  	_ =	swait.ge [sflag:s19], $0x4000  }
0x32: {  	[sflag:s19] =	ssyncset.done $0x0  }
0x33: {  	s28 =	sadd.s32 $0x15000, s21;
	[sflag:s19] =	ssyncadd.s32 $0xFFFFC000  }
0x34: {  	[spmem:s2] =	stream.indirect.scatter.add.f32 [tilespmem:s18], [sflag:$0x2], $0x80, s28, s17, $0xb8;
	[tilespmem:$0x1A400] =	vst v63  }
0x35: {  	_ =	swait.ge [sflag:s14], $0x4000  }
0x36: {  	[sflag:s14] =	ssyncset.done $0x0  }
0x37: {  	s29 =	simm.s32 $0x0;
	[sflag:s14] =	ssyncadd.s32 $0xFFFFC000  }
0x38: {  	[tilespmem:s15], [sflag:$0x2] =	stream.linear.gather [hbm4b:s9+s29], $0x1400, $0x38;
	[tilespmem:$0x1A400] =	vst v63  }
0x39: {  	_ =	swait.ge [sflag:s14], $0x1400  }
0x3a: {  	[sflag:s14] =	ssyncset.done $0x0  }
0x3b: {  	[sflag:s14] =	ssyncadd.s32 $0xFFFFEC00  }
0x3c: {  	[tilespmem:s16], [sflag:$0x2] =	stream.linear.gather [hbm4b:s10+s29], $0x1400, $0x38;
	[tilespmem:$0x1A400] =	vst v63  }
0x3d: {  	_ =	swait.ge [sflag:s14], $0x1400  }
0x3e: {  	[sflag:s14] =	ssyncset.done $0x0  }
0x3f: {  	s30 =	simm.s32 $0x13C00;
	[sflag:s14] =	ssyncadd.s32 $0xFFFFEC00  }
0x40: {  	[tilespmem:s18], [sflag:$0x1] =	stream.indirect.gather [hbm4b:s4+s17], $0x80, s30, s17, $0xb8;
	[tilespmem:$0x1A400] =	vst v63  }
0x41: {  	_ =	swait.ge [sflag:s19], $0x4000  }
0x42: {  	[sflag:s19] =	ssyncset.done $0x0  }
0x43: {  	s31 =	simm.s32 $0x15000;
	[sflag:s19] =	ssyncadd.s32 $0xFFFFC000  }
0x44: {  	[spmem:s2] =	stream.indirect.scatter.add.f32 [tilespmem:s18], [sflag:$0x2], $0x80, s31, s17, $0xb8;
	[tilespmem:$0x1A400] =	vst v63  }
0x45: {  	_ =	swait.ge [sflag:s14], $0x4000  }
0x46: {  	s21 =	simm.s32 $0x80;
	s22 =	simm.s32 $0x400;
	[sflag:s14] =	ssyncset.done $0x0  }
.LBB2_4:
0x47: {  	s23 =	sadd.s32 $0x13C00, s21  }
0x48: {  	[sflag:s14] =	ssyncadd.s32 $0xFFFFC000;
	s24 =	smov.u32 s22;
	s25 =	sadd.s32 $0x200, s22  }
0x49: {  	[tilespmem:s18], [sflag:$0x1] =	stream.indirect.gather [hbm4b:s4+s17], $0x80, s23, s17, $0xb8;
	[tilespmem:$0x1A400] =	vst v63  }
0x4a: {  	p0 =	sne.s32 s22, $0x4E00;
	_ =	swait.ge [sflag:s19], $0x4000  }
.Ltmp1:
0x4b: {  	[sflag:s19] =	ssyncset.done $0x0;
	(pc) =	sbr.rel @p0 .LBB2_4-.Ltmp1, $4  }
0x4c: {  	s21 =	sadd.s32 $0x15000, s21;
	[sflag:s19] =	ssyncadd.s32 $0xFFFFC000  }
0x4d: {  	[spmem:s2] =	stream.indirect.scatter.add.f32 [tilespmem:s18], [sflag:$0x2], $0x80, s21, s17, $0xb8;
	[tilespmem:$0x1A400] =	vst v63  }
0x4e: {  	_ =	swait.ge [sflag:s14], $0x4000  }
0x4f: {  	s22 =	smov.u32 s25;
	s21 =	sshra.s32 s24, $0x2;
	[sflag:s14] =	ssyncset.done $0x0  }
0x50: {  	s22 =	sadd.s32 $0x13C00, s21;
	[sflag:s14] =	ssyncadd.s32 $0xFFFFC000  }
0x51: {  	[tilespmem:s18], [sflag:$0x1] =	stream.indirect.gather [hbm4b:s4+s17], $0x80, s22, s17, $0xb8;
	[tilespmem:$0x1A400] =	vst v63  }
0x52: {  	_ =	swait.ge [sflag:s19], $0x4000  }
0x53: {  	[sflag:s19] =	ssyncset.done $0x0  }
0x54: {  	s31 =	sadd.s32 $0x15000, s21;
	[sflag:s19] =	ssyncadd.s32 $0xFFFFC000  }
0x55: {  	[spmem:s2] =	stream.indirect.scatter.add.f32 [tilespmem:s18], [sflag:$0x2], $0x80, s31, s17, $0xb8;
	[tilespmem:$0x1A400] =	vst v63  }
0x56: {  	_ =	swait.ge [sflag:s14], $0x4000  }
0x57: {  	s20 =	sadd.s32 $0x1, s20;
	[sflag:s14] =	ssyncset.done $0x0  }
0x58: {  	p0 =	sne.s32 s20, s12;
	[sflag:s14] =	ssyncadd.s32 $0xFFFFC000  }
.Ltmp2:
0x59: {  	[bflag:$0x0] =	sbarrier.arrive $0xFFFF;
	(pc) =	sbr.rel @p0 .LBB2_1-.Ltmp2, $4  }
0x5a: {  	[hbm:s11], [sflag:s6] =	dma.local [spmem:s13], $0x2780  }
0x5b: {  	_ =	swait.ge [sflag:s14], $0x2780  }
0x5c: {  	[sflag:s14] =	ssyncset.done $0x0  }
0x5d: {  	[sflag:s14] =	ssyncadd.s32 $0xFFFFD880  }
0x5e: {  	_ =	sfence.sel $0x180000  }
0x5f: {  	[bflag:$0x0] =	sbarrier.arrive $0xFFFF  }
0x60: {  	p0 =	sne.s32 s1, $0x0;
	_ =	strace $0x9000004D  }
0x61: {  	s0 =	sadd.s32 @!p0 $0x100000, s0;
	[bflag:$0x2] =	sbarrier.arrive $0xFFFF  }
0x62: {  	[sflag:s0] =	ssyncadd.tile.s32 @!p0 $0x1;
	_ =	shalt  }
.Lfunc_end2:
_tile_overlayer_lowered:
.L_overlay_start_2:
0x63: {  	(tag) =	ssettag $0x2  }
0x64: {  	s0 =	rddreg [dreg:$0x0];
	s2 =	stileid.u32  }
0x65: {  	s1 =	rddreg [dreg:$0x1];
	p0 =	sne.s32 s2, $0x0  }
0x66: {  	s3 =	rddreg [dreg:$0x2];
	[bflag:$0x3] =	sbarrier.arrive $0xFFFF;
	s2 =	simm.s32 @!p0 $0x1C02  }
0x67: {  	[timem:s3], [sflag:s2] =	dma.local @!p0 [hbm:s0], s1  }
0x68: {  	s0 =	simm.s32 @!p0 $0x2  }
0x69: {  	_ =	swait.ge @!p0 [sflag:s0], s1  }
0x6a: {  	s1 =	ssub.s32 @!p0 $0x0, s1;
	[sflag:s0] =	ssyncset.done @!p0 $0x0  }
0x6b: {  	[sflag:s0] =	ssyncadd.s32 @!p0 s1  }
0x6c: {  	[bflag:$0x3] =	sbarrier.arrive $0xFFFF  }
0x6d: {  	_ =	shalt  }

// kernel: kernel.22.cloned.1.call-start
scs
__scs_entry_jumppad:
0x0: {  	(pc) =	sbr.rel $0x88, $3  }
0x1: {  	(tag) =	ssettag $0x0;
	lr =	simm.s32 $0x1  }
0x2: {  	[smem:$0x3F9D] =	sst lr;
	_ =	strace $0xD0000000  }
0x3: {  	_ = 	snop  }
0x4: {  	_ = 	snop  }
0x5: {  	_ = 	snop  }
0x6: {  	_ = 	snop  }
0x7: {  	_ = 	snop  }
__scs_overlays_trampoline_lowered:
0x8: {  	[smem:$0x3FAC] =	sst s0  }
0x9: {  	[smem:$0x3FAD] =	sst s1  }
0xa: {  	[smem:$0x3FAE] =	sst s2  }
0xb: {  	[smem:$0x3FAF] =	sst s3  }
0xc: {  	[smem:$0x3FB0] =	sst s4  }
0xd: {  	[smem:$0x3FB1] =	sst s5  }
0xe: {  	[smem:$0x3FB2] =	sst s6  }
0xf: {  	[smem:$0x3FB3] =	sst s7  }
0x10: {  	[smem:$0x3FB4] =	sst s8  }
0x11: {  	[smem:$0x3FB5] =	sst s9;
	s0 =	simm.s32 @!p0 $0x0  }
0x12: {  	s1 =	sld [smem:$0x3F9B];
	s0 =	simm.s32 @p0 $0x1  }
0x13: {  	[smem:$0x3FB6] =	sst s0;
	s0 =	simm.s32 @!p1 $0x0  }
0x14: {  	s2 =	sld [smem:$0x3F9A];
	s0 =	simm.s32 @p1 $0x1  }
0x15: {  	[smem:$0x3FB7] =	sst s0;
	s0 =	simm.s32 @!p2 $0x0  }
0x16: {  	s3 =	sld [smem:$0x3FDB];
	s0 =	simm.s32 @p2 $0x1  }
0x17: {  	s4 =	simm.s32 $0x1BF5;
	[smem:$0x3FB9] =	sst s0  }
0x18: {  	s0 =	sld [smem:$0x3F9C];
	_ =	swait.ge [sflag:s4], $0x0  }
0x19: {  	s7 =	sld [smem:$0x3F9D]  }
0x1a: {  	s8 =	sadd.s32 $0xFFFFE003, lr  }
0x1b: {  	s9 =	sadd.s32 $0xFFFFFEF7, lr;
	s5 =	simm.s32 $0xFFFFFFFF;
	p2 =	slt.u32 s8, $0xFFFFF086  }
0x1c: {  	p1 =	slt.u32 s9, $0xF7A;
	s5 =	simm.s32 @!p2 $0x0  }
0x1d: {  	s5 =	simm.s32 @p1 $0x1;
	p0 =	seq.s32 s7, s2  }
0x1e: {  	s7 =	smul.u32 @!p0 $0xF7A, s2;
	p2 =	seq.s32 @!p0 s5, $0x0  }
0x1f: {  	s9 =	smul.u32 $0xF7A, s1;
	s8 =	simm.s32 @!p0 $0x1BF5;
	p2 =	por !p2, p0  }
0x20: {  	[sflag:s8] =	ssyncset.s32 @!p0 $0xFFFFF086;
	s6 =	sadd.s32 @!p0 s3, s7;
	s7 =	simm.s32 @!p0 $0x108  }
0x21: {  	s3 =	sadd.s32 s3, s9;
	s6 =	sadd.s32 @!p0 $0x88, s6;
	s7 =	simm.s32 @p2 $0x1082  }
0x22: {  	[simem:s7], [sflag:s8] =	dma.local @!p0 [hbm:s6], $0xF7A  }
0x23: {  	s9 =	sor.u32 $0xD0000000, s2;
	s6 =	simm.s32 $0x108;
	_ =	swait.ge @!p0 [sflag:s8], $0x0  }
0x24: {  	s3 =	sadd.s32 $0x88, s3;
	s6 =	simm.s32 @!p1 $0x1082;
	[sflag:s4] =	ssyncset.s32 $0xFFFFF086  }
0x25: {  	[simem:s6], [sflag:s4] =	dma.local [hbm:s3], $0xF7A  }
0x26: {  	[smem:$0x3F9D] =	sst s1;
	(tag) =	ssettag s2;
	_ =	strace s9  }
0x27: {  	s1 =	sld [smem:$0x3FAD]  }
0x28: {  	s2 =	sld [smem:$0x3FAE]  }
0x29: {  	s4 =	sld [smem:$0x3FB0]  }
0x2a: {  	p0 =	seq.s32 s5, $0x0;
	s5 =	sld [smem:$0x3FB1]  }
0x2b: {  	s6 =	sld [smem:$0x3FB2]  }
0x2c: {  	s7 =	sld [smem:$0x3FB3]  }
0x2d: {  	s3 =	simm.s32 $0x108;
	s8 =	sld [smem:$0x3FB4]  }
0x2e: {  	s3 =	simm.s32 @!p0 $0x1082;
	s9 =	sld [smem:$0x3FB5]  }
0x2f: {  	lr =	sadd.s32 s0, s3;
	s0 =	sld [smem:$0x3FAC]  }
0x30: {  	s3 =	sld [smem:$0x3FAF]  }
0x31: {  	[smem:$0x3FB8] =	sst s10  }
0x32: {  	s10 =	sld [smem:$0x3FB6];
	_ =	sdelay $0x3  }
0x33: {  	p0 =	seq.s32 s10, $0x1;
	s10 =	sld [smem:$0x3FB8];
	_ =	sdelay $0x3  }
0x34: {  	[smem:$0x3FB8] =	sst s10  }
0x35: {  	s10 =	sld [smem:$0x3FB7];
	_ =	sdelay $0x3  }
0x36: {  	p1 =	seq.s32 s10, $0x1;
	s10 =	sld [smem:$0x3FB8];
	_ =	sdelay $0x3  }
0x37: {  	[smem:$0x3FB8] =	sst s10  }
0x38: {  	s10 =	sld [smem:$0x3FB9]  }
0x39: {  	_ = 	snop;
	(pc) =	sbr.ind lr, $3  }
0x3a: {  	_ = 	snop  }
0x3b: {  	_ = 	snop  }
0x3c: {  	p2 =	seq.s32 s10, $0x1;
	s10 =	sld [smem:$0x3FB8]  }
0x3d: {  	_ =	shalt  }
0x3e: {  	_ =	shalt  }
0x3f: {  	_ =	shalt  }
0x40: {  	_ =	shalt  }
0x41: {  	_ =	shalt  }
0x42: {  	_ =	shalt  }
0x43: {  	_ =	shalt  }
0x44: {  	_ =	shalt  }
0x45: {  	_ =	shalt  }
0x46: {  	_ =	shalt  }
0x47: {  	_ =	shalt  }
0x48: {  	_ =	shalt  }
0x49: {  	_ =	shalt  }
0x4a: {  	_ =	shalt  }
0x4b: {  	_ =	shalt  }
0x4c: {  	_ =	shalt  }
0x4d: {  	_ =	shalt  }
0x4e: {  	_ =	shalt  }
0x4f: {  	_ =	shalt  }
0x50: {  	_ =	shalt  }
0x51: {  	_ =	shalt  }
0x52: {  	_ =	shalt  }
0x53: {  	_ =	shalt  }
0x54: {  	_ =	shalt  }
0x55: {  	_ =	shalt  }
0x56: {  	_ =	shalt  }
0x57: {  	_ =	shalt  }
0x58: {  	_ =	shalt  }
0x59: {  	_ =	shalt  }
0x5a: {  	_ =	shalt  }
0x5b: {  	_ =	shalt  }
0x5c: {  	_ =	shalt  }
0x5d: {  	_ =	shalt  }
0x5e: {  	_ =	shalt  }
0x5f: {  	_ =	shalt  }
0x60: {  	_ =	shalt  }
0x61: {  	_ =	shalt  }
0x62: {  	_ =	shalt  }
0x63: {  	_ =	shalt  }
0x64: {  	_ =	shalt  }
0x65: {  	_ =	shalt  }
0x66: {  	_ =	shalt  }
0x67: {  	_ =	shalt  }
0x68: {  	_ =	shalt  }
0x69: {  	_ =	shalt  }
0x6a: {  	_ =	shalt  }
0x6b: {  	_ =	shalt  }
0x6c: {  	_ =	shalt  }
0x6d: {  	_ =	shalt  }
0x6e: {  	_ =	shalt  }
0x6f: {  	_ =	shalt  }
0x70: {  	_ =	shalt  }
0x71: {  	_ =	shalt  }
0x72: {  	_ =	shalt  }
0x73: {  	_ =	shalt  }
0x74: {  	_ =	shalt  }
0x75: {  	_ =	shalt  }
0x76: {  	_ =	shalt  }
0x77: {  	_ =	shalt  }
0x78: {  	_ =	shalt  }
0x79: {  	_ =	shalt  }
0x7a: {  	_ =	shalt  }
0x7b: {  	_ =	shalt  }
0x7c: {  	_ =	shalt  }
0x7d: {  	_ =	shalt  }
0x7e: {  	_ =	shalt  }
0x7f: {  	_ =	shalt  }
0x80: {  	_ =	shalt  }
0x81: {  	_ =	shalt  }
0x82: {  	_ =	shalt  }
0x83: {  	_ =	shalt  }
0x84: {  	_ =	shalt  }
0x85: {  	_ =	shalt  }
0x86: {  	_ =	shalt  }
0x87: {  	_ =	shalt  }
.Lfunc_end0:
.L_simem_size_0:
called_computation.3_lowered:
.L_overlay_start_0:
0x88: {  	s2 =	sld [smem:$0x3FD9]  }
0x89: {  	s3 =	sld [smem:$0x3FFE];
	_ =	sdelay $0x1  }
0x8a: {  	s1 =	srdreg.scid  }
0x8b: {  	s0 =	sand.u32 $0x1, s1  }
0x8c: {  	s17 =	sshll.u32 s0, $0xA;
	s2 =	sadd.s32 s3, s2  }
0x8d: {  	s2 =	sadd.s32 s2, s17  }
0x8e: {  	[smem:$0x3FC4] =	sst s2  }
0x8f: {  	_ = 	snop  }
0x90: {  	s2 =	sld [smem:$0x3FD0];
	(tm) =	ssettm $0x1  }
0x91: {  	s18 =	sld [smem:$0x3FFB];
	_ =	sdelay $0x3  }
0x92: {  	_ =	strace s18  }
0x93: {  	s3 =	sld [smem:$0x3FFC];
	_ =	sdelay $0x3  }
0x94: {  	_ =	strace s3  }
0x95: {  	s3 =	sld [smem:$0x3FFD];
	_ =	sdelay $0x3  }
0x96: {  	_ =	strace s3  }
0x97: {  	_ =	strace $0x8FFFFFFF  }
0x98: {  	s19 =	sld [smem:$0x3FDB];
	_ =	sdelay $0x1  }
0x99: {  	s4 =	simm.s32 $_scs_section_size  }
0x9a: {  	s5 =	simm.s32 $_size__tile_overlayer_lowered;
	s6 =	simm.s32 $_tile_overlayer_lowered  }
0x9b: {  	s22 =	simm.s32 $0x1BFF;
	s21 =	sshll.u32 s6, $0x1;
	s3 =	sadd.s32 s4, s19  }
0x9c: {  	s7 =	simm.s32 $0x0;
	s20 =	sshll.u32 s5, $0x1;
	s5 =	sadd.s32 s21, s3  }
0x9d: {  	[timem:s7], [sflag:s22] =	dma.local [hbm:s5], s20  }
0x9e: {  	_ =	swait.ge [sflag:s22], s20  }
0x9f: {  	s4 =	ssub.s32 $0x0, s20;
	[sflag:s22] =	ssyncset.done $0x0  }
0xa0: {  	[sflag:s22] =	ssyncadd.s32 s4;
	_ =	sdelay $0x1  }
0xa1: {  	s23 =	simm.s32 $0x1B8B  }
0xa2: {  	_ =	swait.ge [sflag:s23], $0x1  }
0xa3: {  	[sflag:s23] =	ssyncset.done $0x0  }
0xa4: {  	s25 =	simm.s32 $0x1B8E;
	s24 =	sld [smem:$0x3FFE];
	[sflag:s23] =	ssyncadd.s32 $0xFFFFFFFF  }
0xa5: {  	s26 =	simm.s32 $execute0_lowered;
	[smem:$0x3FD2] =	sst s25  }
0xa6: {  	s5 =	sshll.u32 s26, $0x1;
	_ =	strace $0x8000004F;
	[dreg:$0x1] =	wrdreg $0xFFFFFFFF  }
0xa7: {  	s28 =	simm.s32 $_size_execute0_lowered;
	s3 =	sadd.s32 s3, s5;
	[dreg:$0x0] =	wrdreg $0x0  }
0xa8: {  	s5 =	sshll.u32 s28, $0x1;
	[dreg:$0x2] =	wrdreg s3  }
0xa9: {  	[dreg:$0x3] =	wrdreg s5  }
0xaa: {  	[dreg:$0x4] =	wrdreg $0xC0  }
0xab: {  	_ =	task [dreg:s7], $0x5FFFF  }
0xac: {  	[dreg:$0x1] =	wrdreg $0xFFFFFFFF  }
0xad: {  	[dreg:$0x0] =	wrdreg $0x60  }
0xae: {  	[dreg:$0x2] =	wrdreg s24  }
0xaf: {  	[dreg:$0x3] =	wrdreg s2  }
0xb0: {  	[dreg:$0x4] =	wrdreg $0x0  }
0xb1: {  	[dreg:$0x5] =	wrdreg $0x9  }
0xb2: {  	_ =	task.clear_ibuf [dreg:s7], $0x6FFFF;
	_ =	strace $0x9000004F  }
0xb3: {  	s29 =	simm.s32 $0x9;
	_ =	strace $0x80000051  }
0xb4: {  	_ =	swait.ge [sflag:s29], $0x1  }
0xb5: {  	[sflag:s29] =	ssyncadd.s32 $0xFFFFFFFF  }
0xb6: {  	_ =	strace $0x90000051  }
0xb7: {  	_ =	sfence  }
0xb8: {  	s30 =	sld [smem:$0x0];
	_ =	sdelay $0x2  }
0xb9: {  	s31 =	sshll.u32 s1, $0xD;
	s1 =	sshrl.u32 s1, $0x2  }
0xba: {  	s3 =	sand.u32 $0x4000, s31;
	s1 =	sadd.s32 s1, s30  }
0xbb: {  	s0 =	sor.u32 s3, s0;
	s1 =	sshll.u32 s1, $0x11  }
0xbc: {  	s0 =	sor.u32 s1, s0  }
0xbd: {  	s0 =	sadd.s32 $0x8F2B, s0  }
0xbe: {  	[sflag:s0] =	ssyncadd.remote.s32 $0x1  }
0xbf: {  	_ =	sfence.sel $0xFFFF  }
0xc0: {  	[dreg:$0x0] =	wrdreg $0xFFFFFFFF;
	(pc) =	sbr.abs _section_cstart, $3  }
0xc1: {  	[dreg:$0x1] =	wrdreg $0xFFFFFFFF  }
0xc2: {  	_ =	task.clear_ibuf [dreg:s7], $0x2FFFF;
	_ =	strace $0x9FFFFFFF  }
0xc3: {  	(tm) =	ssettm $0x7FFFFFFF  }
tec
execute0_lowered:
.L_overlay_start_1:
0x0: {  	(tag) =	ssettag $0x1  }
0x1: {  	s6 =	rddreg [dreg:$0x0]  }
0x2: {  	s9 =	rddreg [dreg:$0x1]  }
0x3: {  	s2 =	rddreg [dreg:$0x2]  }
0x4: {  	s0 =	rddreg [dreg:$0x3]  }
0x5: {  	s4 =	srdreg.scid;
	s1 =	stileid.u32;
	s3 =	simm.s32 $0x0  }
0x6: {  	s16 =	simm.s32 $0x15000;
	s17 =	simm.s32 $0x80;
	s18 =	simm.s32 $0x16400  }
0x7: {  	s19 =	simm.s32 $0x1;
	s20 =	simm.s32 $0x0;
	s7 =	sand.u32 $0x1, s4  }
0x8: {  	s8 =	smul.u32 $0x2780, s1;
	[smem:$0x7FF] =	sst s3;
	s4 =	sadd.s32 $0x24600, s6  }
0x9: {  	s11 =	sadd.s32 $0x17E00, s6;
	s5 =	sadd.s32 $0x21E00, s6;
	s14 =	smul.u32 $0x4F000, s1  }
0xa: {  	s12 =	sshll.u32 s1, $0x1;
	s29 =	sshll.u32 s1, $0x6;
	s10 =	smul.u32 $0x27800, s7  }
0xb: {  	_ =	strace $0x80000050;
	s24 =	ssub.s32 $0x2, s7;
	s7 =	sshll.u32 s7, $0x5  }
0xc: {  	s13 =	sshrl.u32 s24, $0x1;
	s7 =	sor.u32 s12, s7;
	s28 =	sshrl.u32 s14, $0x2  }
0xd: {  	s14 =	simm.s32 $0x2;
	s8 =	sadd.s32 s8, s10;
	s26 =	smul.u32 $0x1400, s7  }
0xe: {  	s13 =	ssub.s32 s24, s13;
	s30 =	smul.u32 $0x280, s7;
	s15 =	sadd.s32 s28, s2  }
0xf: {  	s25 =	sadd.s32 s8, s6;
	s6 =	sor.u32 $0x1C02, s29;
	s12 =	smax.u32 s13, $0x1  }
0x10: {  	s13 =	sshrl.u32 s15, $0x3;
	s15 =	simm.s32 $0x13C00;
	s31 =	sshrl.u32 s26, $0x3  }
0x11: {  	s7 =	sadd.s32 s9, s30;
	s8 =	sadd.s32 s11, s30;
	s10 =	sadd.s32 $0x280, s31  }
0x12: {  	s9 =	sadd.s32 s9, s10;
	s10 =	sadd.s32 s11, s10;
	s11 =	sadd.s32 $0x139600, s25  }
.LBB2_1:
0x13: {  	[spmem:s13], [sflag:s6] =	dma.local [hbm:s5], $0x2780  }
0x14: {  	_ =	swait.ge [sflag:s14], $0x2780  }
0x15: {  	[sflag:s14] =	ssyncset.done $0x0  }
0x16: {  	[sflag:s14] =	ssyncadd.s32 $0xFFFFD880  }
0x17: {  	[bflag:$0x0] =	sbarrier.arrive $0xFFFF  }
0x18: {  	[tilespmem:s15], [sflag:$0x2] =	stream.linear.gather [hbm4b:s7+s3], $0x1400, $0x38;
	[tilespmem:$0x1A400] =	vst v63  }
0x19: {  	_ =	swait.ge [sflag:s14], $0x1400  }
0x1a: {  	[sflag:s14] =	ssyncset.done $0x0  }
0x1b: {  	[sflag:s14] =	ssyncadd.s32 $0xFFFFEC00  }
0x1c: {  	[tilespmem:s16], [sflag:$0x2] =	stream.linear.gather [hbm4b:s8+s3], $0x1400, $0x38;
	[tilespmem:$0x1A400] =	vst v63  }
0x1d: {  	_ =	swait.ge [sflag:s14], $0x1400  }
0x1e: {  	[sflag:s14] =	ssyncset.done $0x0  }
0x1f: {  	s21 =	simm.s32 $0x13C00;
	[sflag:s14] =	ssyncadd.s32 $0xFFFFEC00  }
0x20: {  	[tilespmem:s18], [sflag:$0x1] =	stream.indirect.gather [hbm4b:s4+s17], $0x80, s21, s17, $0xb8;
	[tilespmem:$0x1A400] =	vst v63  }
0x21: {  	_ =	swait.ge [sflag:s19], $0x4000  }
0x22: {  	[sflag:s19] =	ssyncset.done $0x0  }
0x23: {  	s31 =	simm.s32 $0x15000;
	[sflag:s19] =	ssyncadd.s32 $0xFFFFC000  }
0x24: {  	[spmem:s2] =	stream.indirect.scatter.add.f32 [tilespmem:s18], [sflag:$0x2], $0x80, s31, s17, $0xb8;
	[tilespmem:$0x1A400] =	vst v63  }
0x25: {  	_ =	swait.ge [sflag:s14], $0x4000  }
0x26: {  	s22 =	simm.s32 $0x400;
	s21 =	simm.s32 $0x80;
	[sflag:s14] =	ssyncset.done $0x0  }
.LBB2_2:
0x27: {  	s23 =	sadd.s32 $0x13C00, s21  }
0x28: {  	[sflag:s14] =	ssyncadd.s32 $0xFFFFC000;
	s24 =	smov.u32 s22;
	s25 =	sadd.s32 $0x200, s22  }
0x29: {  	[tilespmem:s18], [sflag:$0x1] =	stream.indirect.gather [hbm4b:s4+s17], $0x80, s23, s17, $0xb8;
	[tilespmem:$0x1A400] =	vst v63  }
0x2a: {  	p0 =	sne.s32 s22, $0x4E00;
	_ =	swait.ge [sflag:s19], $0x4000  }
.Ltmp0:
0x2b: {  	[sflag:s19] =	ssyncset.done $0x0;
	(pc) =	sbr.rel @p0 .LBB2_2-.Ltmp0, $4  }
0x2c: {  	s21 =	sadd.s32 $0x15000, s21;
	[sflag:s19] =	ssyncadd.s32 $0xFFFFC000  }
0x2d: {  	[spmem:s2] =	stream.indirect.scatter.add.f32 [tilespmem:s18], [sflag:$0x2], $0x80, s21, s17, $0xb8;
	[tilespmem:$0x1A400] =	vst v63  }
0x2e: {  	_ =	swait.ge [sflag:s14], $0x4000  }
0x2f: {  	s22 =	smov.u32 s25;
	s21 =	sshra.s32 s24, $0x2;
	[sflag:s14] =	ssyncset.done $0x0  }
0x30: {  	s22 =	sadd.s32 $0x13C00, s21;
	[sflag:s14] =	ssyncadd.s32 $0xFFFFC000  }
0x31: {  	[tilespmem:s18], [sflag:$0x1] =	stream.indirect.gather [hbm4b:s4+s17], $0x80, s22, s17, $0xb8;
	[tilespmem:$0x1A400] =	vst v63  }
0x32: {  	_ =	swait.ge [sflag:s19], $0x4000  }
0x33: {  	[sflag:s19] =	ssyncset.done $0x0  }
0x34: {  	s28 =	sadd.s32 $0x15000, s21;
	[sflag:s19] =	ssyncadd.s32 $0xFFFFC000  }
0x35: {  	[spmem:s2] =	stream.indirect.scatter.add.f32 [tilespmem:s18], [sflag:$0x2], $0x80, s28, s17, $0xb8;
	[tilespmem:$0x1A400] =	vst v63  }
0x36: {  	_ =	swait.ge [sflag:s14], $0x4000  }
0x37: {  	[sflag:s14] =	ssyncset.done $0x0  }
0x38: {  	s29 =	simm.s32 $0x0;
	[sflag:s14] =	ssyncadd.s32 $0xFFFFC000  }
0x39: {  	[tilespmem:s15], [sflag:$0x2] =	stream.linear.gather [hbm4b:s9+s29], $0x1400, $0x38;
	[tilespmem:$0x1A400] =	vst v63  }
0x3a: {  	_ =	swait.ge [sflag:s14], $0x1400  }
0x3b: {  	[sflag:s14] =	ssyncset.done $0x0  }
0x3c: {  	[sflag:s14] =	ssyncadd.s32 $0xFFFFEC00  }
0x3d: {  	[tilespmem:s16], [sflag:$0x2] =	stream.linear.gather [hbm4b:s10+s29], $0x1400, $0x38;
	[tilespmem:$0x1A400] =	vst v63  }
0x3e: {  	_ =	swait.ge [sflag:s14], $0x1400  }
0x3f: {  	[sflag:s14] =	ssyncset.done $0x0  }
0x40: {  	s30 =	simm.s32 $0x13C00;
	[sflag:s14] =	ssyncadd.s32 $0xFFFFEC00  }
0x41: {  	[tilespmem:s18], [sflag:$0x1] =	stream.indirect.gather [hbm4b:s4+s17], $0x80, s30, s17, $0xb8;
	[tilespmem:$0x1A400] =	vst v63  }
0x42: {  	_ =	swait.ge [sflag:s19], $0x4000  }
0x43: {  	[sflag:s19] =	ssyncset.done $0x0  }
0x44: {  	s31 =	simm.s32 $0x15000;
	[sflag:s19] =	ssyncadd.s32 $0xFFFFC000  }
0x45: {  	[spmem:s2] =	stream.indirect.scatter.add.f32 [tilespmem:s18], [sflag:$0x2], $0x80, s31, s17, $0xb8;
	[tilespmem:$0x1A400] =	vst v63  }
0x46: {  	_ =	swait.ge [sflag:s14], $0x4000  }
0x47: {  	s21 =	simm.s32 $0x80;
	s22 =	simm.s32 $0x400;
	[sflag:s14] =	ssyncset.done $0x0  }
.LBB2_4:
0x48: {  	s23 =	sadd.s32 $0x13C00, s21  }
0x49: {  	[sflag:s14] =	ssyncadd.s32 $0xFFFFC000;
	s24 =	smov.u32 s22;
	s25 =	sadd.s32 $0x200, s22  }
0x4a: {  	[tilespmem:s18], [sflag:$0x1] =	stream.indirect.gather [hbm4b:s4+s17], $0x80, s23, s17, $0xb8;
	[tilespmem:$0x1A400] =	vst v63  }
0x4b: {  	p0 =	sne.s32 s22, $0x4E00;
	_ =	swait.ge [sflag:s19], $0x4000  }
.Ltmp1:
0x4c: {  	[sflag:s19] =	ssyncset.done $0x0;
	(pc) =	sbr.rel @p0 .LBB2_4-.Ltmp1, $4  }
0x4d: {  	s21 =	sadd.s32 $0x15000, s21;
	[sflag:s19] =	ssyncadd.s32 $0xFFFFC000  }
0x4e: {  	[spmem:s2] =	stream.indirect.scatter.add.f32 [tilespmem:s18], [sflag:$0x2], $0x80, s21, s17, $0xb8;
	[tilespmem:$0x1A400] =	vst v63  }
0x4f: {  	_ =	swait.ge [sflag:s14], $0x4000  }
0x50: {  	s22 =	smov.u32 s25;
	s21 =	sshra.s32 s24, $0x2;
	[sflag:s14] =	ssyncset.done $0x0  }
0x51: {  	s22 =	sadd.s32 $0x13C00, s21;
	[sflag:s14] =	ssyncadd.s32 $0xFFFFC000  }
0x52: {  	[tilespmem:s18], [sflag:$0x1] =	stream.indirect.gather [hbm4b:s4+s17], $0x80, s22, s17, $0xb8;
	[tilespmem:$0x1A400] =	vst v63  }
0x53: {  	_ =	swait.ge [sflag:s19], $0x4000  }
0x54: {  	[sflag:s19] =	ssyncset.done $0x0  }
0x55: {  	s31 =	sadd.s32 $0x15000, s21;
	[sflag:s19] =	ssyncadd.s32 $0xFFFFC000  }
0x56: {  	[spmem:s2] =	stream.indirect.scatter.add.f32 [tilespmem:s18], [sflag:$0x2], $0x80, s31, s17, $0xb8;
	[tilespmem:$0x1A400] =	vst v63  }
0x57: {  	_ =	swait.ge [sflag:s14], $0x4000  }
0x58: {  	s20 =	sadd.s32 $0x1, s20;
	[sflag:s14] =	ssyncset.done $0x0  }
0x59: {  	p0 =	sne.s32 s20, s12;
	[sflag:s14] =	ssyncadd.s32 $0xFFFFC000  }
.Ltmp2:
0x5a: {  	[bflag:$0x0] =	sbarrier.arrive $0xFFFF;
	(pc) =	sbr.rel @p0 .LBB2_1-.Ltmp2, $4  }
0x5b: {  	[hbm:s11], [sflag:s6] =	dma.local [spmem:s13], $0x2780  }
0x5c: {  	_ =	swait.ge [sflag:s14], $0x2780  }
0x5d: {  	[sflag:s14] =	ssyncset.done $0x0  }
0x5e: {  	[sflag:s14] =	ssyncadd.s32 $0xFFFFD880  }
0x5f: {  	_ =	sfence.sel $0x180000  }
0x60: {  	[bflag:$0x0] =	sbarrier.arrive $0xFFFF  }
0x61: {  	p0 =	sne.s32 s1, $0x0;
	_ =	strace $0x90000050  }
0x62: {  	s0 =	sadd.s32 @!p0 $0x100000, s0;
	[bflag:$0x2] =	sbarrier.arrive $0xFFFF  }
0x63: {  	[sflag:s0] =	ssyncadd.tile.s32 @!p0 $0x1;
	_ =	shalt  }
.Lfunc_end2:
_tile_overlayer_lowered:
.L_overlay_start_2:
0x64: {  	(tag) =	ssettag $0x2  }
0x65: {  	s0 =	rddreg [dreg:$0x0];
	s2 =	stileid.u32  }
0x66: {  	s1 =	rddreg [dreg:$0x1];
	p0 =	sne.s32 s2, $0x0  }
0x67: {  	s3 =	rddreg [dreg:$0x2];
	[bflag:$0x3] =	sbarrier.arrive $0xFFFF;
	s2 =	simm.s32 @!p0 $0x1C02  }
0x68: {  	[timem:s3], [sflag:s2] =	dma.local @!p0 [hbm:s0], s1  }
0x69: {  	s0 =	simm.s32 @!p0 $0x2  }
0x6a: {  	_ =	swait.ge @!p0 [sflag:s0], s1  }
0x6b: {  	s1 =	ssub.s32 @!p0 $0x0, s1;
	[sflag:s0] =	ssyncset.done @!p0 $0x0  }
0x6c: {  	[sflag:s0] =	ssyncadd.s32 @!p0 s1  }
0x6d: {  	[bflag:$0x3] =	sbarrier.arrive $0xFFFF  }
0x6e: {  	_ =	shalt  }

// kernel: kernel.25.cloned.1.call-start
scs
__scs_entry_jumppad:
0x0: {  	(pc) =	sbr.rel $0x88, $3  }
0x1: {  	(tag) =	ssettag $0x0;
	lr =	simm.s32 $0x1  }
0x2: {  	[smem:$0x3F9D] =	sst lr;
	_ =	strace $0xD0000000  }
0x3: {  	_ = 	snop  }
0x4: {  	_ = 	snop  }
0x5: {  	_ = 	snop  }
0x6: {  	_ = 	snop  }
0x7: {  	_ = 	snop  }
__scs_overlays_trampoline_lowered:
0x8: {  	[smem:$0x3FAC] =	sst s0  }
0x9: {  	[smem:$0x3FAD] =	sst s1  }
0xa: {  	[smem:$0x3FAE] =	sst s2  }
0xb: {  	[smem:$0x3FAF] =	sst s3  }
0xc: {  	[smem:$0x3FB0] =	sst s4  }
0xd: {  	[smem:$0x3FB1] =	sst s5  }
0xe: {  	[smem:$0x3FB2] =	sst s6  }
0xf: {  	[smem:$0x3FB3] =	sst s7  }
0x10: {  	[smem:$0x3FB4] =	sst s8  }
0x11: {  	[smem:$0x3FB5] =	sst s9;
	s0 =	simm.s32 @!p0 $0x0  }
0x12: {  	s1 =	sld [smem:$0x3F9B];
	s0 =	simm.s32 @p0 $0x1  }
0x13: {  	[smem:$0x3FB6] =	sst s0;
	s0 =	simm.s32 @!p1 $0x0  }
0x14: {  	s2 =	sld [smem:$0x3F9A];
	s0 =	simm.s32 @p1 $0x1  }
0x15: {  	[smem:$0x3FB7] =	sst s0;
	s0 =	simm.s32 @!p2 $0x0  }
0x16: {  	s3 =	sld [smem:$0x3FDB];
	s0 =	simm.s32 @p2 $0x1  }
0x17: {  	s4 =	simm.s32 $0x1BF5;
	[smem:$0x3FB9] =	sst s0  }
0x18: {  	s0 =	sld [smem:$0x3F9C];
	_ =	swait.ge [sflag:s4], $0x0  }
0x19: {  	s7 =	sld [smem:$0x3F9D]  }
0x1a: {  	s8 =	sadd.s32 $0xFFFFE003, lr  }
0x1b: {  	s9 =	sadd.s32 $0xFFFFFEF7, lr;
	s5 =	simm.s32 $0xFFFFFFFF;
	p2 =	slt.u32 s8, $0xFFFFF086  }
0x1c: {  	p1 =	slt.u32 s9, $0xF7A;
	s5 =	simm.s32 @!p2 $0x0  }
0x1d: {  	s5 =	simm.s32 @p1 $0x1;
	p0 =	seq.s32 s7, s2  }
0x1e: {  	s7 =	smul.u32 @!p0 $0xF7A, s2;
	p2 =	seq.s32 @!p0 s5, $0x0  }
0x1f: {  	s9 =	smul.u32 $0xF7A, s1;
	s8 =	simm.s32 @!p0 $0x1BF5;
	p2 =	por !p2, p0  }
0x20: {  	[sflag:s8] =	ssyncset.s32 @!p0 $0xFFFFF086;
	s6 =	sadd.s32 @!p0 s3, s7;
	s7 =	simm.s32 @!p0 $0x108  }
0x21: {  	s3 =	sadd.s32 s3, s9;
	s6 =	sadd.s32 @!p0 $0x88, s6;
	s7 =	simm.s32 @p2 $0x1082  }
0x22: {  	[simem:s7], [sflag:s8] =	dma.local @!p0 [hbm:s6], $0xF7A  }
0x23: {  	s9 =	sor.u32 $0xD0000000, s2;
	s6 =	simm.s32 $0x108;
	_ =	swait.ge @!p0 [sflag:s8], $0x0  }
0x24: {  	s3 =	sadd.s32 $0x88, s3;
	s6 =	simm.s32 @!p1 $0x1082;
	[sflag:s4] =	ssyncset.s32 $0xFFFFF086  }
0x25: {  	[simem:s6], [sflag:s4] =	dma.local [hbm:s3], $0xF7A  }
0x26: {  	[smem:$0x3F9D] =	sst s1;
	(tag) =	ssettag s2;
	_ =	strace s9  }
0x27: {  	s1 =	sld [smem:$0x3FAD]  }
0x28: {  	s2 =	sld [smem:$0x3FAE]  }
0x29: {  	s4 =	sld [smem:$0x3FB0]  }
0x2a: {  	p0 =	seq.s32 s5, $0x0;
	s5 =	sld [smem:$0x3FB1]  }
0x2b: {  	s6 =	sld [smem:$0x3FB2]  }
0x2c: {  	s7 =	sld [smem:$0x3FB3]  }
0x2d: {  	s3 =	simm.s32 $0x108;
	s8 =	sld [smem:$0x3FB4]  }
0x2e: {  	s3 =	simm.s32 @!p0 $0x1082;
	s9 =	sld [smem:$0x3FB5]  }
0x2f: {  	lr =	sadd.s32 s0, s3;
	s0 =	sld [smem:$0x3FAC]  }
0x30: {  	s3 =	sld [smem:$0x3FAF]  }
0x31: {  	[smem:$0x3FB8] =	sst s10  }
0x32: {  	s10 =	sld [smem:$0x3FB6];
	_ =	sdelay $0x3  }
0x33: {  	p0 =	seq.s32 s10, $0x1;
	s10 =	sld [smem:$0x3FB8];
	_ =	sdelay $0x3  }
0x34: {  	[smem:$0x3FB8] =	sst s10  }
0x35: {  	s10 =	sld [smem:$0x3FB7];
	_ =	sdelay $0x3  }
0x36: {  	p1 =	seq.s32 s10, $0x1;
	s10 =	sld [smem:$0x3FB8];
	_ =	sdelay $0x3  }
0x37: {  	[smem:$0x3FB8] =	sst s10  }
0x38: {  	s10 =	sld [smem:$0x3FB9]  }
0x39: {  	_ = 	snop;
	(pc) =	sbr.ind lr, $3  }
0x3a: {  	_ = 	snop  }
0x3b: {  	_ = 	snop  }
0x3c: {  	p2 =	seq.s32 s10, $0x1;
	s10 =	sld [smem:$0x3FB8]  }
0x3d: {  	_ =	shalt  }
0x3e: {  	_ =	shalt  }
0x3f: {  	_ =	shalt  }
0x40: {  	_ =	shalt  }
0x41: {  	_ =	shalt  }
0x42: {  	_ =	shalt  }
0x43: {  	_ =	shalt  }
0x44: {  	_ =	shalt  }
0x45: {  	_ =	shalt  }
0x46: {  	_ =	shalt  }
0x47: {  	_ =	shalt  }
0x48: {  	_ =	shalt  }
0x49: {  	_ =	shalt  }
0x4a: {  	_ =	shalt  }
0x4b: {  	_ =	shalt  }
0x4c: {  	_ =	shalt  }
0x4d: {  	_ =	shalt  }
0x4e: {  	_ =	shalt  }
0x4f: {  	_ =	shalt  }
0x50: {  	_ =	shalt  }
0x51: {  	_ =	shalt  }
0x52: {  	_ =	shalt  }
0x53: {  	_ =	shalt  }
0x54: {  	_ =	shalt  }
0x55: {  	_ =	shalt  }
0x56: {  	_ =	shalt  }
0x57: {  	_ =	shalt  }
0x58: {  	_ =	shalt  }
0x59: {  	_ =	shalt  }
0x5a: {  	_ =	shalt  }
0x5b: {  	_ =	shalt  }
0x5c: {  	_ =	shalt  }
0x5d: {  	_ =	shalt  }
0x5e: {  	_ =	shalt  }
0x5f: {  	_ =	shalt  }
0x60: {  	_ =	shalt  }
0x61: {  	_ =	shalt  }
0x62: {  	_ =	shalt  }
0x63: {  	_ =	shalt  }
0x64: {  	_ =	shalt  }
0x65: {  	_ =	shalt  }
0x66: {  	_ =	shalt  }
0x67: {  	_ =	shalt  }
0x68: {  	_ =	shalt  }
0x69: {  	_ =	shalt  }
0x6a: {  	_ =	shalt  }
0x6b: {  	_ =	shalt  }
0x6c: {  	_ =	shalt  }
0x6d: {  	_ =	shalt  }
0x6e: {  	_ =	shalt  }
0x6f: {  	_ =	shalt  }
0x70: {  	_ =	shalt  }
0x71: {  	_ =	shalt  }
0x72: {  	_ =	shalt  }
0x73: {  	_ =	shalt  }
0x74: {  	_ =	shalt  }
0x75: {  	_ =	shalt  }
0x76: {  	_ =	shalt  }
0x77: {  	_ =	shalt  }
0x78: {  	_ =	shalt  }
0x79: {  	_ =	shalt  }
0x7a: {  	_ =	shalt  }
0x7b: {  	_ =	shalt  }
0x7c: {  	_ =	shalt  }
0x7d: {  	_ =	shalt  }
0x7e: {  	_ =	shalt  }
0x7f: {  	_ =	shalt  }
0x80: {  	_ =	shalt  }
0x81: {  	_ =	shalt  }
0x82: {  	_ =	shalt  }
0x83: {  	_ =	shalt  }
0x84: {  	_ =	shalt  }
0x85: {  	_ =	shalt  }
0x86: {  	_ =	shalt  }
0x87: {  	_ =	shalt  }
.Lfunc_end0:
.L_simem_size_0:
called_computation.4_lowered:
.L_overlay_start_0:
0x88: {  	s2 =	sld [smem:$0x3FD9]  }
0x89: {  	s3 =	sld [smem:$0x3FFE];
	_ =	sdelay $0x1  }
0x8a: {  	s1 =	srdreg.scid  }
0x8b: {  	s0 =	sand.u32 $0x1, s1  }
0x8c: {  	s17 =	sshll.u32 s0, $0xA;
	s2 =	sadd.s32 s3, s2  }
0x8d: {  	s2 =	sadd.s32 s2, s17  }
0x8e: {  	[smem:$0x3FC4] =	sst s2  }
0x8f: {  	_ = 	snop  }
0x90: {  	s2 =	sld [smem:$0x3FD0];
	(tm) =	ssettm $0x1  }
0x91: {  	s18 =	sld [smem:$0x3FFB];
	_ =	sdelay $0x3  }
0x92: {  	_ =	strace s18  }
0x93: {  	s3 =	sld [smem:$0x3FFC];
	_ =	sdelay $0x3  }
0x94: {  	_ =	strace s3  }
0x95: {  	s3 =	sld [smem:$0x3FFD];
	_ =	sdelay $0x3  }
0x96: {  	_ =	strace s3  }
0x97: {  	_ =	strace $0x8FFFFFFF  }
0x98: {  	s19 =	sld [smem:$0x3FDB];
	_ =	sdelay $0x1  }
0x99: {  	s4 =	simm.s32 $_scs_section_size  }
0x9a: {  	s5 =	simm.s32 $_size__tile_overlayer_lowered;
	s6 =	simm.s32 $_tile_overlayer_lowered  }
0x9b: {  	s22 =	simm.s32 $0x1BFF;
	s21 =	sshll.u32 s6, $0x1;
	s3 =	sadd.s32 s4, s19  }
0x9c: {  	s7 =	simm.s32 $0x0;
	s20 =	sshll.u32 s5, $0x1;
	s5 =	sadd.s32 s21, s3  }
0x9d: {  	[timem:s7], [sflag:s22] =	dma.local [hbm:s5], s20  }
0x9e: {  	_ =	swait.ge [sflag:s22], s20  }
0x9f: {  	s4 =	ssub.s32 $0x0, s20;
	[sflag:s22] =	ssyncset.done $0x0  }
0xa0: {  	[sflag:s22] =	ssyncadd.s32 s4;
	_ =	sdelay $0x1  }
0xa1: {  	s23 =	simm.s32 $0x1B8B  }
0xa2: {  	_ =	swait.ge [sflag:s23], $0x1  }
0xa3: {  	[sflag:s23] =	ssyncset.done $0x0  }
0xa4: {  	s25 =	simm.s32 $0x1B8E;
	s24 =	sld [smem:$0x3FFE];
	[sflag:s23] =	ssyncadd.s32 $0xFFFFFFFF  }
0xa5: {  	s26 =	simm.s32 $execute0_lowered;
	[smem:$0x3FD2] =	sst s25  }
0xa6: {  	s5 =	sshll.u32 s26, $0x1;
	_ =	strace $0x80000052;
	[dreg:$0x1] =	wrdreg $0xFFFFFFFF  }
0xa7: {  	s28 =	simm.s32 $_size_execute0_lowered;
	s3 =	sadd.s32 s3, s5;
	[dreg:$0x0] =	wrdreg $0x0  }
0xa8: {  	s5 =	sshll.u32 s28, $0x1;
	[dreg:$0x2] =	wrdreg s3  }
0xa9: {  	[dreg:$0x3] =	wrdreg s5  }
0xaa: {  	[dreg:$0x4] =	wrdreg $0xC0  }
0xab: {  	_ =	task [dreg:s7], $0x5FFFF  }
0xac: {  	[dreg:$0x1] =	wrdreg $0xFFFFFFFF  }
0xad: {  	[dreg:$0x0] =	wrdreg $0x60  }
0xae: {  	[dreg:$0x2] =	wrdreg s24  }
0xaf: {  	[dreg:$0x3] =	wrdreg s2  }
0xb0: {  	[dreg:$0x4] =	wrdreg $0x0  }
0xb1: {  	[dreg:$0x5] =	wrdreg $0x9  }
0xb2: {  	_ =	task.clear_ibuf [dreg:s7], $0x6FFFF;
	_ =	strace $0x90000052  }
0xb3: {  	s29 =	simm.s32 $0x9;
	_ =	strace $0x80000054  }
0xb4: {  	_ =	swait.ge [sflag:s29], $0x1  }
0xb5: {  	[sflag:s29] =	ssyncadd.s32 $0xFFFFFFFF  }
0xb6: {  	_ =	strace $0x90000054  }
0xb7: {  	_ =	sfence  }
0xb8: {  	s30 =	sld [smem:$0x0];
	_ =	sdelay $0x2  }
0xb9: {  	s31 =	sshll.u32 s1, $0xD;
	s1 =	sshrl.u32 s1, $0x2  }
0xba: {  	s3 =	sand.u32 $0x4000, s31;
	s1 =	sadd.s32 s1, s30  }
0xbb: {  	s0 =	sor.u32 s3, s0;
	s1 =	sshll.u32 s1, $0x11  }
0xbc: {  	s0 =	sor.u32 s1, s0  }
0xbd: {  	s0 =	sadd.s32 $0x8F2B, s0  }
0xbe: {  	[sflag:s0] =	ssyncadd.remote.s32 $0x1  }
0xbf: {  	_ =	sfence.sel $0xFFFF  }
0xc0: {  	[dreg:$0x0] =	wrdreg $0xFFFFFFFF;
	(pc) =	sbr.abs _section_cstart, $3  }
0xc1: {  	[dreg:$0x1] =	wrdreg $0xFFFFFFFF  }
0xc2: {  	_ =	task.clear_ibuf [dreg:s7], $0x2FFFF;
	_ =	strace $0x9FFFFFFF  }
0xc3: {  	(tm) =	ssettm $0x7FFFFFFF  }
tec
execute0_lowered:
.L_overlay_start_1:
0x0: {  	(tag) =	ssettag $0x1  }
0x1: {  	s6 =	rddreg [dreg:$0x0]  }
0x2: {  	s9 =	rddreg [dreg:$0x1]  }
0x3: {  	s2 =	rddreg [dreg:$0x2]  }
0x4: {  	s0 =	rddreg [dreg:$0x3]  }
0x5: {  	s4 =	srdreg.scid;
	s1 =	stileid.u32;
	s3 =	simm.s32 $0x0  }
0x6: {  	s16 =	simm.s32 $0x15000;
	s17 =	simm.s32 $0x80;
	s18 =	simm.s32 $0x16400  }
0x7: {  	s19 =	simm.s32 $0x1;
	s20 =	simm.s32 $0x0;
	s7 =	sand.u32 $0x1, s4  }
0x8: {  	s8 =	smul.u32 $0x2780, s1;
	[smem:$0x7FF] =	sst s3;
	s4 =	sadd.s32 $0x24600, s6  }
0x9: {  	s11 =	sadd.s32 $0x17E00, s6;
	s5 =	sadd.s32 $0x21E00, s6;
	s14 =	smul.u32 $0x4F000, s1  }
0xa: {  	s12 =	sshll.u32 s1, $0x1;
	s29 =	sshll.u32 s1, $0x6;
	s10 =	smul.u32 $0x27800, s7  }
0xb: {  	_ =	strace $0x80000053;
	s24 =	ssub.s32 $0x2, s7;
	s7 =	sshll.u32 s7, $0x5  }
0xc: {  	s13 =	sshrl.u32 s24, $0x1;
	s7 =	sor.u32 s12, s7;
	s28 =	sshrl.u32 s14, $0x2  }
0xd: {  	s14 =	simm.s32 $0x2;
	s8 =	sadd.s32 s8, s10;
	s26 =	smul.u32 $0x1400, s7  }
0xe: {  	s13 =	ssub.s32 s24, s13;
	s30 =	smul.u32 $0x280, s7;
	s15 =	sadd.s32 s28, s2  }
0xf: {  	s25 =	sadd.s32 s8, s6;
	s6 =	sor.u32 $0x1C02, s29;
	s12 =	smax.u32 s13, $0x1  }
0x10: {  	s13 =	sshrl.u32 s15, $0x3;
	s15 =	simm.s32 $0x13C00;
	s31 =	sshrl.u32 s26, $0x3  }
0x11: {  	s7 =	sadd.s32 s9, s30;
	s8 =	sadd.s32 s11, s30;
	s10 =	sadd.s32 $0x280, s31  }
0x12: {  	s9 =	sadd.s32 s9, s10;
	s10 =	sadd.s32 s11, s10;
	s11 =	sadd.s32 $0x139600, s25  }
.LBB2_1:
0x13: {  	[spmem:s13], [sflag:s6] =	dma.local [hbm:s5], $0x2780  }
0x14: {  	_ =	swait.ge [sflag:s14], $0x2780  }
0x15: {  	[sflag:s14] =	ssyncset.done $0x0  }
0x16: {  	[sflag:s14] =	ssyncadd.s32 $0xFFFFD880  }
0x17: {  	[bflag:$0x0] =	sbarrier.arrive $0xFFFF  }
0x18: {  	[tilespmem:s15], [sflag:$0x2] =	stream.linear.gather [hbm4b:s7+s3], $0x1400, $0x38;
	[tilespmem:$0x1A400] =	vst v63  }
0x19: {  	_ =	swait.ge [sflag:s14], $0x1400  }
0x1a: {  	[sflag:s14] =	ssyncset.done $0x0  }
0x1b: {  	[sflag:s14] =	ssyncadd.s32 $0xFFFFEC00  }
0x1c: {  	[tilespmem:s16], [sflag:$0x2] =	stream.linear.gather [hbm4b:s8+s3], $0x1400, $0x38;
	[tilespmem:$0x1A400] =	vst v63  }
0x1d: {  	_ =	swait.ge [sflag:s14], $0x1400  }
0x1e: {  	[sflag:s14] =	ssyncset.done $0x0  }
0x1f: {  	s21 =	simm.s32 $0x13C00;
	[sflag:s14] =	ssyncadd.s32 $0xFFFFEC00  }
0x20: {  	[tilespmem:s18], [sflag:$0x1] =	stream.indirect.gather [hbm4b:s4+s17], $0x80, s21, s17, $0xb8;
	[tilespmem:$0x1A400] =	vst v63  }
0x21: {  	_ =	swait.ge [sflag:s19], $0x4000  }
0x22: {  	[sflag:s19] =	ssyncset.done $0x0  }
0x23: {  	s31 =	simm.s32 $0x15000;
	[sflag:s19] =	ssyncadd.s32 $0xFFFFC000  }
0x24: {  	[spmem:s2] =	stream.indirect.scatter.add.f32 [tilespmem:s18], [sflag:$0x2], $0x80, s31, s17, $0xb8;
	[tilespmem:$0x1A400] =	vst v63  }
0x25: {  	_ =	swait.ge [sflag:s14], $0x4000  }
0x26: {  	s22 =	simm.s32 $0x400;
	s21 =	simm.s32 $0x80;
	[sflag:s14] =	ssyncset.done $0x0  }
.LBB2_2:
0x27: {  	s23 =	sadd.s32 $0x13C00, s21  }
0x28: {  	[sflag:s14] =	ssyncadd.s32 $0xFFFFC000;
	s24 =	smov.u32 s22;
	s25 =	sadd.s32 $0x200, s22  }
0x29: {  	[tilespmem:s18], [sflag:$0x1] =	stream.indirect.gather [hbm4b:s4+s17], $0x80, s23, s17, $0xb8;
	[tilespmem:$0x1A400] =	vst v63  }
0x2a: {  	p0 =	sne.s32 s22, $0x4E00;
	_ =	swait.ge [sflag:s19], $0x4000  }
.Ltmp0:
0x2b: {  	[sflag:s19] =	ssyncset.done $0x0;
	(pc) =	sbr.rel @p0 .LBB2_2-.Ltmp0, $4  }
0x2c: {  	s21 =	sadd.s32 $0x15000, s21;
	[sflag:s19] =	ssyncadd.s32 $0xFFFFC000  }
0x2d: {  	[spmem:s2] =	stream.indirect.scatter.add.f32 [tilespmem:s18], [sflag:$0x2], $0x80, s21, s17, $0xb8;
	[tilespmem:$0x1A400] =	vst v63  }
0x2e: {  	_ =	swait.ge [sflag:s14], $0x4000  }
0x2f: {  	s22 =	smov.u32 s25;
	s21 =	sshra.s32 s24, $0x2;
	[sflag:s14] =	ssyncset.done $0x0  }
0x30: {  	s22 =	sadd.s32 $0x13C00, s21;
	[sflag:s14] =	ssyncadd.s32 $0xFFFFC000  }
0x31: {  	[tilespmem:s18], [sflag:$0x1] =	stream.indirect.gather [hbm4b:s4+s17], $0x80, s22, s17, $0xb8;
	[tilespmem:$0x1A400] =	vst v63  }
0x32: {  	_ =	swait.ge [sflag:s19], $0x4000  }
0x33: {  	[sflag:s19] =	ssyncset.done $0x0  }
0x34: {  	s28 =	sadd.s32 $0x15000, s21;
	[sflag:s19] =	ssyncadd.s32 $0xFFFFC000  }
0x35: {  	[spmem:s2] =	stream.indirect.scatter.add.f32 [tilespmem:s18], [sflag:$0x2], $0x80, s28, s17, $0xb8;
	[tilespmem:$0x1A400] =	vst v63  }
0x36: {  	_ =	swait.ge [sflag:s14], $0x4000  }
0x37: {  	[sflag:s14] =	ssyncset.done $0x0  }
0x38: {  	s29 =	simm.s32 $0x0;
	[sflag:s14] =	ssyncadd.s32 $0xFFFFC000  }
0x39: {  	[tilespmem:s15], [sflag:$0x2] =	stream.linear.gather [hbm4b:s9+s29], $0x1400, $0x38;
	[tilespmem:$0x1A400] =	vst v63  }
0x3a: {  	_ =	swait.ge [sflag:s14], $0x1400  }
0x3b: {  	[sflag:s14] =	ssyncset.done $0x0  }
0x3c: {  	[sflag:s14] =	ssyncadd.s32 $0xFFFFEC00  }
0x3d: {  	[tilespmem:s16], [sflag:$0x2] =	stream.linear.gather [hbm4b:s10+s29], $0x1400, $0x38;
	[tilespmem:$0x1A400] =	vst v63  }
0x3e: {  	_ =	swait.ge [sflag:s14], $0x1400  }
0x3f: {  	[sflag:s14] =	ssyncset.done $0x0  }
0x40: {  	s30 =	simm.s32 $0x13C00;
	[sflag:s14] =	ssyncadd.s32 $0xFFFFEC00  }
0x41: {  	[tilespmem:s18], [sflag:$0x1] =	stream.indirect.gather [hbm4b:s4+s17], $0x80, s30, s17, $0xb8;
	[tilespmem:$0x1A400] =	vst v63  }
0x42: {  	_ =	swait.ge [sflag:s19], $0x4000  }
0x43: {  	[sflag:s19] =	ssyncset.done $0x0  }
0x44: {  	s31 =	simm.s32 $0x15000;
	[sflag:s19] =	ssyncadd.s32 $0xFFFFC000  }
0x45: {  	[spmem:s2] =	stream.indirect.scatter.add.f32 [tilespmem:s18], [sflag:$0x2], $0x80, s31, s17, $0xb8;
	[tilespmem:$0x1A400] =	vst v63  }
0x46: {  	_ =	swait.ge [sflag:s14], $0x4000  }
0x47: {  	s21 =	simm.s32 $0x80;
	s22 =	simm.s32 $0x400;
	[sflag:s14] =	ssyncset.done $0x0  }
.LBB2_4:
0x48: {  	s23 =	sadd.s32 $0x13C00, s21  }
0x49: {  	[sflag:s14] =	ssyncadd.s32 $0xFFFFC000;
	s24 =	smov.u32 s22;
	s25 =	sadd.s32 $0x200, s22  }
0x4a: {  	[tilespmem:s18], [sflag:$0x1] =	stream.indirect.gather [hbm4b:s4+s17], $0x80, s23, s17, $0xb8;
	[tilespmem:$0x1A400] =	vst v63  }
0x4b: {  	p0 =	sne.s32 s22, $0x4E00;
	_ =	swait.ge [sflag:s19], $0x4000  }
.Ltmp1:
0x4c: {  	[sflag:s19] =	ssyncset.done $0x0;
	(pc) =	sbr.rel @p0 .LBB2_4-.Ltmp1, $4  }
0x4d: {  	s21 =	sadd.s32 $0x15000, s21;
	[sflag:s19] =	ssyncadd.s32 $0xFFFFC000  }
0x4e: {  	[spmem:s2] =	stream.indirect.scatter.add.f32 [tilespmem:s18], [sflag:$0x2], $0x80, s21, s17, $0xb8;
	[tilespmem:$0x1A400] =	vst v63  }
0x4f: {  	_ =	swait.ge [sflag:s14], $0x4000  }
0x50: {  	s22 =	smov.u32 s25;
	s21 =	sshra.s32 s24, $0x2;
	[sflag:s14] =	ssyncset.done $0x0  }
0x51: {  	s22 =	sadd.s32 $0x13C00, s21;
	[sflag:s14] =	ssyncadd.s32 $0xFFFFC000  }
0x52: {  	[tilespmem:s18], [sflag:$0x1] =	stream.indirect.gather [hbm4b:s4+s17], $0x80, s22, s17, $0xb8;
	[tilespmem:$0x1A400] =	vst v63  }
0x53: {  	_ =	swait.ge [sflag:s19], $0x4000  }
0x54: {  	[sflag:s19] =	ssyncset.done $0x0  }
0x55: {  	s31 =	sadd.s32 $0x15000, s21;
	[sflag:s19] =	ssyncadd.s32 $0xFFFFC000  }
0x56: {  	[spmem:s2] =	stream.indirect.scatter.add.f32 [tilespmem:s18], [sflag:$0x2], $0x80, s31, s17, $0xb8;
	[tilespmem:$0x1A400] =	vst v63  }
0x57: {  	_ =	swait.ge [sflag:s14], $0x4000  }
0x58: {  	s20 =	sadd.s32 $0x1, s20;
	[sflag:s14] =	ssyncset.done $0x0  }
0x59: {  	p0 =	sne.s32 s20, s12;
	[sflag:s14] =	ssyncadd.s32 $0xFFFFC000  }
.Ltmp2:
0x5a: {  	[bflag:$0x0] =	sbarrier.arrive $0xFFFF;
	(pc) =	sbr.rel @p0 .LBB2_1-.Ltmp2, $4  }
0x5b: {  	[hbm:s11], [sflag:s6] =	dma.local [spmem:s13], $0x2780  }
0x5c: {  	_ =	swait.ge [sflag:s14], $0x2780  }
0x5d: {  	[sflag:s14] =	ssyncset.done $0x0  }
0x5e: {  	[sflag:s14] =	ssyncadd.s32 $0xFFFFD880  }
0x5f: {  	_ =	sfence.sel $0x180000  }
0x60: {  	[bflag:$0x0] =	sbarrier.arrive $0xFFFF  }
0x61: {  	p0 =	sne.s32 s1, $0x0;
	_ =	strace $0x90000053  }
0x62: {  	s0 =	sadd.s32 @!p0 $0x100000, s0;
	[bflag:$0x2] =	sbarrier.arrive $0xFFFF  }
0x63: {  	[sflag:s0] =	ssyncadd.tile.s32 @!p0 $0x1;
	_ =	shalt  }
.Lfunc_end2:
_tile_overlayer_lowered:
.L_overlay_start_2:
0x64: {  	(tag) =	ssettag $0x2  }
0x65: {  	s0 =	rddreg [dreg:$0x0];
	s2 =	stileid.u32  }
0x66: {  	s1 =	rddreg [dreg:$0x1];
	p0 =	sne.s32 s2, $0x0  }
0x67: {  	s3 =	rddreg [dreg:$0x2];
	[bflag:$0x3] =	sbarrier.arrive $0xFFFF;
	s2 =	simm.s32 @!p0 $0x1C02  }
0x68: {  	[timem:s3], [sflag:s2] =	dma.local @!p0 [hbm:s0], s1  }
0x69: {  	s0 =	simm.s32 @!p0 $0x2  }
0x6a: {  	_ =	swait.ge @!p0 [sflag:s0], s1  }
0x6b: {  	s1 =	ssub.s32 @!p0 $0x0, s1;
	[sflag:s0] =	ssyncset.done @!p0 $0x0  }
0x6c: {  	[sflag:s0] =	ssyncadd.s32 @!p0 s1  }
0x6d: {  	[bflag:$0x3] =	sbarrier.arrive $0xFFFF  }
0x6e: {  	_ =	shalt  }

</sc_bundles>
